<compile_context>
chip_gen: v7x
topology: tpu7x:2x2x1
jax: 0.10.2.dev20260603
libtpu: 0.0.44.dev20260713+nightly
codegen_flags: <defaults>
</compile_context>

<pallas_src>
import functools

import jax
import jax.numpy as jnp
from jax import lax
from jax.experimental import pallas as pl
from jax.experimental.pallas import tpu as pltpu
from jax.experimental.pallas import tpu_sc as plsc

T = 128
D_MODEL = 1024
D_FF = 1024
E = 64
L = 16


def _router_body(x_ref, wr_ref, g_ref, used_ref):
    logits = jnp.dot(x_ref[...], wr_ref[...],
                     preferred_element_type=jnp.float32)
    m = jnp.max(logits, axis=-1, keepdims=True)
    ex = jnp.exp(logits - m)
    s = jnp.sum(ex, axis=-1, keepdims=True)
    eidx = jnp.argmax(logits, axis=-1)
    lane_te = jax.lax.broadcasted_iota(jnp.int32, (T, E), 1)
    onehot = lane_te == eidx[:, None]
    g_ref[...] = jnp.where(onehot, ex / s, 0.0)
    cnt = jnp.sum(onehot.astype(jnp.float32), axis=0)[None, :]
    used_ref[...] = (cnt > 0.0).astype(jnp.int32)


def _sc_sched_body(used_hbm, sched_hbm, ucnt_hbm, used_v, sched_v, cnt_v):
    c = lax.axis_index("c")
    s = lax.axis_index("s")

    @pl.when((c == 0) & (s == 0))
    def _():
        pltpu.sync_copy(used_hbm, used_v.at[pl.ds(0, E)])
        used_v[pl.ds(E, L)] = jnp.zeros((L,), jnp.int32)
        iota = lax.broadcasted_iota(jnp.int32, (L,), 0)
        lane0 = jnp.maximum(1 - iota, 0)

        total = jnp.int32(0)
        for j in range(E):
            uj = used_v[pl.ds(j, L)][0]
            m = lane0 * uj
            w = sched_v[pl.ds(total, L)]
            sched_v[pl.ds(total, L)] = w * (1 - m) + j * m
            total = total + uj
        last = sched_v[pl.ds(total - 1, L)][0]

        for k in range(E // L):
            idx = iota + k * L
            lt = jnp.minimum(jnp.maximum(
                jnp.full((L,), total, jnp.int32) - idx, 0), 1)
            cur = sched_v[pl.ds(k * L, L)]
            sched_v[pl.ds(k * L, L)] = cur * lt + last * (1 - lt)
        cnt_v[...] = jnp.full((L,), total, jnp.int32)
        pltpu.sync_copy(sched_v.at[pl.ds(0, E)], sched_hbm)
        pltpu.sync_copy(cnt_v, ucnt_hbm)


def _sc_schedule(used):
    return pl.kernel(
        _sc_sched_body,
        out_type=(
            jax.ShapeDtypeStruct((E,), jnp.int32),
            jax.ShapeDtypeStruct((L,), jnp.int32),
        ),
        mesh=plsc.VectorSubcoreMesh(core_axis_name="c",
                                    subcore_axis_name="s"),
        scratch_types=[
            pltpu.VMEM((E + L,), jnp.int32),
            pltpu.VMEM((E + L,), jnp.int32),
            pltpu.VMEM((L,), jnp.int32),
        ],
    )(used)


def _contribution(x_ref, g_ref, e, w1a, w1b, w2a, w2b):
    lane = jax.lax.broadcasted_iota(jnp.int32, (T, E), 1)
    g_e = jnp.sum(jnp.where(lane == e, g_ref[...], 0.0),
                  axis=1, keepdims=True)
    H = D_MODEL // 2
    h = (jnp.dot(x_ref[:, :H], w1a[0], preferred_element_type=jnp.float32)
         + jnp.dot(x_ref[:, H:], w1b[0],
                   preferred_element_type=jnp.float32))
    h = h * jax.nn.sigmoid(h)
    h = h * g_e
    F = D_FF // 2
    return (jnp.dot(h[:, :F], w2a[0], preferred_element_type=jnp.float32)
            + jnp.dot(h[:, F:], w2b[0], preferred_element_type=jnp.float32))


def _expert_body(sched_ref, ucnt_ref, x_ref, g_ref,
                 w1a_ref, w1b_ref, w2a_ref, w2b_ref, out_ref):
    i = pl.program_id(0)

    @pl.when(i == 0)
    def _init():
        out_ref[...] = jnp.zeros_like(out_ref)

    @pl.when(i < ucnt_ref[0])
    def _compute():
        out_ref[...] += _contribution(x_ref, g_ref, sched_ref[i],
                                      w1a_ref, w1b_ref, w2a_ref, w2b_ref)


@jax.jit
def kernel(x, Wr, w1, w2):
    g, used = pl.pallas_call(
        _router_body,
        out_shape=(
            jax.ShapeDtypeStruct((T, E), jnp.float32),
            jax.ShapeDtypeStruct((1, E), jnp.int32),
        ),
    )(x, Wr)

    sched, ucnt = _sc_schedule(used.reshape(E))

    H2 = D_MODEL // 2
    F2 = D_FF // 2
    return pl.pallas_call(
        _expert_body,
        grid_spec=pltpu.PrefetchScalarGridSpec(
            num_scalar_prefetch=2,
            grid=(E,),
            in_specs=[
                pl.BlockSpec((T, D_MODEL), lambda i, s, u: (0, 0)),
                pl.BlockSpec((T, E), lambda i, s, u: (0, 0)),
                pl.BlockSpec((1, H2, D_FF),
                             lambda i, s, u: (s[i], 0, 0)),
                pl.BlockSpec((1, H2, D_FF),
                             lambda i, s, u: (s[i], 1, 0)),
                pl.BlockSpec((1, F2, D_MODEL),
                             lambda i, s, u: (s[i], 0, 0)),
                pl.BlockSpec((1, F2, D_MODEL),
                             lambda i, s, u: (s[i], 1, 0)),
            ],
            out_specs=pl.BlockSpec((T, D_MODEL), lambda i, s, u: (0, 0)),
        ),
        out_shape=jax.ShapeDtypeStruct((T, D_MODEL), jnp.float32),
        compiler_params=pltpu.CompilerParams(
            dimension_semantics=("arbitrary",),
        ),
    )(sched, ucnt[:1], x, g, w1, w1, w2, w2)

# --- scband reference (transcript-rebuilt; emitter-appended) ---
"""Pipeline reference for scband-c4-with-syscalls-62380105007287 (READ-ONLY COPY).

The authoritative reference and input builder live on the scoring server;
editing this copy changes nothing except your own understanding.
"""

import jax, jax.numpy as jnp
import numpy as np

T = 128        # tokens: batch=128, q_len=1 (decode-style)
D_MODEL = 1024
D_FF = 1024
E = 64         # num experts
TOP_K = 1      # matches c4_moe_top1 (top-1 routing)


def silu(x):
    return x * jax.nn.sigmoid(x)


def setup_inputs(seed: int = 0) -> dict:
    key = jax.random.key(seed)
    k1, k2, k3, k4 = jax.random.split(key, 4)
    x = jax.random.normal(k1, (T, D_MODEL), dtype=jnp.float32)
    Wr = jax.random.normal(k2, (D_MODEL, E), dtype=jnp.float32) * 0.02
    w1 = jax.random.normal(k3, (E, D_MODEL, D_FF), dtype=jnp.float32) * 0.02
    w2 = jax.random.normal(k4, (E, D_FF, D_MODEL), dtype=jnp.float32) * 0.02
    return {"x": x, "Wr": Wr, "w1": w1, "w2": w2}


def reference(x, Wr, w1, w2):
    # MoE top-1 routing (token-choice), mirroring MoERouter + per-op experts
    logits = jnp.matmul(x, Wr)                      # [T, E]
    probs = jax.nn.softmax(logits, axis=-1)         # [T, E]
    gate, idx = jax.lax.top_k(probs, TOP_K)         # [T, 1], [T, 1]
    eidx = idx[:, 0]                                # [T] int32 expert ids
    # gather expert weights per token (memory-bound dispatch)
    w1_t = jnp.take(w1, eidx, axis=0)               # [T, D_MODEL, D_FF]
    w2_t = jnp.take(w2, eidx, axis=0)               # [T, D_FF, D_MODEL]
    h = silu(jnp.einsum('td,tdf->tf', x, w1_t))     # [T, D_FF]
    y = jnp.einsum('tf,tfd->td', h, w2_t)           # [T, D_MODEL]
    out = y * gate                                  # weight by top-1 gate prob
    return out

if __name__ == "__main__":
    import jax
    _d = setup_inputs()
    print(jax.jit(kernel)(*tuple(_d.values())))

</pallas_src>

<mosaic_0001>
#map = affine_map<(d0, d1) -> (0)>
module attributes {stable_mosaic.version = 14 : i64} {
  func.func @_sc_sched_body(%arg0: i32, %arg1: i32, %arg2: memref<64xi32, #tpu.memory_space<hbm>>, %arg3: memref<64xi32, #tpu.memory_space<hbm>>, %arg4: memref<16xi32, #tpu.memory_space<hbm>>, %arg5: memref<80xi32, #tpu.memory_space<vmem>>, %arg6: memref<80xi32, #tpu.memory_space<vmem>>, %arg7: memref<16xi32, #tpu.memory_space<vmem>>) attributes {dimension_semantics = [#tpu.dimension_semantics<core_parallel>, #tpu.dimension_semantics<subcore_parallel>], iteration_bounds = array<i64: 2, 16>, scalar_prefetch = 0 : i64, scratch_operands = 3 : i64, tpu.core_type = #tpu.core_type<sc_vector_subcore>, window_params = [{transform_indices = #map}, {transform_indices = #map}, {transform_indices = #map}]} {
    %eq3A = arith.constant 0 : i32
    %eq3A_0 = arith.cmpi eq, %arg0, %eq3A : i32
    %eq3A_1 = arith.constant 0 : i32
    %eq3A_2 = arith.cmpi eq, %arg1, %eq3A_1 : i32
    %and3A = arith.andi %eq3A_0, %eq3A_2 : i1
    %convert_element_type3A = arith.extui %and3A : i1 to i32
    %cond3A = arith.constant 0 : i32
    %cond3A_3 = arith.cmpi ne, %convert_element_type3A, %cond3A : i32
    scf.if %cond3A_3 {
      "tpu.region"() ({
        %run_scoped3A = tpu.sem_alloc : memref<!tpu.dma_semaphore, #tpu.memory_space<semaphore_mem>>
        %dma_start3A = arith.constant 0 : i32
        %dma_start3A_1593 = tpu.memref_slice %arg5[%dma_start3A] : memref<80xi32, #tpu.memory_space<vmem>> -> memref<64xi32, #tpu.memory_space<vmem>>
        %dma_start3A_1594 = arith.constant 0 : i32
        %dma_start3A_1595 = tpu.memref_slice %arg5[%dma_start3A_1594] : memref<80xi32, #tpu.memory_space<vmem>> -> memref<64xi32, #tpu.memory_space<vmem>>
        tpu.enqueue_dma source(%arg2 : memref<64xi32, #tpu.memory_space<hbm>>) target(%dma_start3A_1595 : memref<64xi32, #tpu.memory_space<vmem>>) target_semaphore(%run_scoped3A : memref<!tpu.dma_semaphore, #tpu.memory_space<semaphore_mem>>)
        %dma_wait3A = arith.constant 0 : i32
        %dma_wait3A_1596 = tpu.memref_slice %arg5[%dma_wait3A] : memref<80xi32, #tpu.memory_space<vmem>> -> memref<64xi32, #tpu.memory_space<vmem>>
        %dma_wait3A_1597 = arith.constant 0 : i32
        %dma_wait3A_1598 = tpu.memref_slice %arg5[%dma_wait3A_1597] : memref<80xi32, #tpu.memory_space<vmem>> -> memref<64xi32, #tpu.memory_space<vmem>>
        tpu.wait_dma2 semaphore(%run_scoped3A : memref<!tpu.dma_semaphore, #tpu.memory_space<semaphore_mem>>) src(%arg2 : memref<64xi32, #tpu.memory_space<hbm>>) dst(%dma_wait3A_1598 : memref<64xi32, #tpu.memory_space<vmem>>)
        tpu.yield
      }) : () -> ()
      %broadcast_in_dim3A = arith.constant 0 : i32
      %broadcast_in_dim3A_4 = vector.broadcast %broadcast_in_dim3A : i32 to vector<16xi32>
      %swap3A = arith.constant 64 : index
      %swap3A_5 = tpu.vector_load %arg5[%swap3A] {strides = array<i32>} : memref<80xi32, #tpu.memory_space<vmem>>, vector<16xi32>,
      %swap3A_6 = vector.shape_cast %swap3A_5 : vector<16xi32> to vector<16xi32>
      %swap3A_7 = vector.shape_cast %broadcast_in_dim3A_4 : vector<16xi32> to vector<16xi32>
      tpu.vector_store %arg5[%swap3A], %swap3A_7 {strides = array<i32>} : memref<80xi32, #tpu.memory_space<vmem>>, vector<16xi32>,
      %iota3A = tpu.iota {dimensions = array<i32: 0>} : vector<16xi32>
      %sub3A = arith.constant 1 : i32
      %sub3A_8 = vector.broadcast %sub3A : i32 to vector<16xi32>
      %sub3A_9 = arith.subi %sub3A_8, %iota3A : vector<16xi32>
      %max3A = arith.constant 0 : i32
      %max3A_10 = vector.broadcast %max3A : i32 to vector<16xi32>
      %max3A_11 = arith.maxsi %sub3A_9, %max3A_10 : vector<16xi32>
      %get3A = arith.constant 0 : index
      %get3A_12 = tpu.vector_load %arg5[%get3A] {strides = array<i32>} : memref<80xi32, #tpu.memory_space<vmem>>, vector<16xi32>,
      %get3A_13 = vector.shape_cast %get3A_12 : vector<16xi32> to vector<16xi32>
      %slice3A = vector.extract_strided_slice %get3A_13 {offsets = [0], sizes = [1], strides = [1]} : vector<16xi32> to vector<1xi32>
      %squeeze3A = vector.extract %slice3A[0] : i32 from vector<1xi32>
      %mul3A = vector.broadcast %squeeze3A : i32 to vector<16xi32>
      %mul3A_14 = arith.muli %max3A_11, %mul3A : vector<16xi32>
      %get3A_15 = arith.constant 0 : i32
      %get3A_16 = arith.index_cast %get3A_15 : i32 to index
      %get3A_17 = tpu.vector_load %arg6[%get3A_16] {strides = array<i32>} : memref<80xi32, #tpu.memory_space<vmem>>, vector<16xi32>,
      %get3A_18 = vector.shape_cast %get3A_17 : vector<16xi32> to vector<16xi32>
      %sub3A_19 = arith.constant 1 : i32
      %sub3A_20 = vector.broadcast %sub3A_19 : i32 to vector<16xi32>
      %sub3A_21 = arith.subi %sub3A_20, %mul3A_14 : vector<16xi32>
      %mul3A_22 = arith.muli %get3A_18, %sub3A_21 : vector<16xi32>
      %mul3A_23 = arith.constant 0 : i32
      %mul3A_24 = vector.broadcast %mul3A_23 : i32 to vector<16xi32>
      %mul3A_25 = arith.muli %mul3A_24, %mul3A_14 : vector<16xi32>
      %add3A = arith.addi %mul3A_22, %mul3A_25 : vector<16xi32>
      %swap3A_26 = arith.constant 0 : i32
      %swap3A_27 = arith.index_cast %swap3A_26 : i32 to index
      %swap3A_28 = tpu.vector_load %arg6[%swap3A_27] {strides = array<i32>} : memref<80xi32, #tpu.memory_space<vmem>>, vector<16xi32>,
      %swap3A_29 = vector.shape_cast %swap3A_28 : vector<16xi32> to vector<16xi32>
      %swap3A_30 = vector.shape_cast %add3A : vector<16xi32> to vector<16xi32>
      tpu.vector_store %arg6[%swap3A_27], %swap3A_30 {strides = array<i32>} : memref<80xi32, #tpu.memory_space<vmem>>, vector<16xi32>,
      %add3A_31 = arith.constant 0 : i32
      %add3A_32 = arith.addi %add3A_31, %squeeze3A : i32
      %get3A_33 = arith.constant 1 : index
      %get3A_34 = tpu.vector_load %arg5[%get3A_33] {strides = array<i32>} : memref<80xi32, #tpu.memory_space<vmem>>, vector<16xi32>,
      %get3A_35 = vector.shape_cast %get3A_34 : vector<16xi32> to vector<16xi32>
      %slice3A_36 = vector.extract_strided_slice %get3A_35 {offsets = [0], sizes = [1], strides = [1]} : vector<16xi32> to vector<1xi32>
      %squeeze3A_37 = vector.extract %slice3A_36[0] : i32 from vector<1xi32>
      %mul3A_38 = vector.broadcast %squeeze3A_37 : i32 to vector<16xi32>
      %mul3A_39 = arith.muli %max3A_11, %mul3A_38 : vector<16xi32>
      %get3A_40 = arith.index_cast %add3A_32 : i32 to index
      %get3A_41 = tpu.vector_load %arg6[%get3A_40] {strides = array<i32>} : memref<80xi32, #tpu.memory_space<vmem>>, vector<16xi32>,
      %get3A_42 = vector.shape_cast %get3A_41 : vector<16xi32> to vector<16xi32>
      %sub3A_43 = arith.constant 1 : i32
      %sub3A_44 = vector.broadcast %sub3A_43 : i32 to vector<16xi32>
      %sub3A_45 = arith.subi %sub3A_44, %mul3A_39 : vector<16xi32>
      %mul3A_46 = arith.muli %get3A_42, %sub3A_45 : vector<16xi32>
      %mul3A_47 = arith.constant 1 : i32
      %mul3A_48 = vector.broadcast %mul3A_47 : i32 to vector<16xi32>
      %mul3A_49 = arith.muli %mul3A_48, %mul3A_39 : vector<16xi32>
      %add3A_50 = arith.addi %mul3A_46, %mul3A_49 : vector<16xi32>
      %swap3A_51 = arith.index_cast %add3A_32 : i32 to index
      %swap3A_52 = tpu.vector_load %arg6[%swap3A_51] {strides = array<i32>} : memref<80xi32, #tpu.memory_space<vmem>>, vector<16xi32>,
      %swap3A_53 = vector.shape_cast %swap3A_52 : vector<16xi32> to vector<16xi32>
      %swap3A_54 = vector.shape_cast %add3A_50 : vector<16xi32> to vector<16xi32>
      tpu.vector_store %arg6[%swap3A_51], %swap3A_54 {strides = array<i32>} : memref<80xi32, #tpu.memory_space<vmem>>, vector<16xi32>,
      %add3A_55 = arith.addi %add3A_32, %squeeze3A_37 : i32
      %get3A_56 = arith.constant 2 : index
      %get3A_57 = tpu.vector_load %arg5[%get3A_56] {strides = array<i32>} : memref<80xi32, #tpu.memory_space<vmem>>, vector<16xi32>,
      %get3A_58 = vector.shape_cast %get3A_57 : vector<16xi32> to vector<16xi32>
      %slice3A_59 = vector.extract_strided_slice %get3A_58 {offsets = [0], sizes = [1], strides = [1]} : vector<16xi32> to vector<1xi32>
      %squeeze3A_60 = vector.extract %slice3A_59[0] : i32 from vector<1xi32>
      %mul3A_61 = vector.broadcast %squeeze3A_60 : i32 to vector<16xi32>
      %mul3A_62 = arith.muli %max3A_11, %mul3A_61 : vector<16xi32>
      %get3A_63 = arith.index_cast %add3A_55 : i32 to index
      %get3A_64 = tpu.vector_load %arg6[%get3A_63] {strides = array<i32>} : memref<80xi32, #tpu.memory_space<vmem>>, vector<16xi32>,
      %get3A_65 = vector.shape_cast %get3A_64 : vector<16xi32> to vector<16xi32>
      %sub3A_66 = arith.constant 1 : i32
      %sub3A_67 = vector.broadcast %sub3A_66 : i32 to vector<16xi32>
      %sub3A_68 = arith.subi %sub3A_67, %mul3A_62 : vector<16xi32>
      %mul3A_69 = arith.muli %get3A_65, %sub3A_68 : vector<16xi32>
      %mul3A_70 = arith.constant 2 : i32
      %mul3A_71 = vector.broadcast %mul3A_70 : i32 to vector<16xi32>
      %mul3A_72 = arith.muli %mul3A_71, %mul3A_62 : vector<16xi32>
      %add3A_73 = arith.addi %mul3A_69, %mul3A_72 : vector<16xi32>
      %swap3A_74 = arith.index_cast %add3A_55 : i32 to index
      %swap3A_75 = tpu.vector_load %arg6[%swap3A_74] {strides = array<i32>} : memref<80xi32, #tpu.memory_space<vmem>>, vector<16xi32>,
      %swap3A_76 = vector.shape_cast %swap3A_75 : vector<16xi32> to vector<16xi32>
      %swap3A_77 = vector.shape_cast %add3A_73 : vector<16xi32> to vector<16xi32>
      tpu.vector_store %arg6[%swap3A_74], %swap3A_77 {strides = array<i32>} : memref<80xi32, #tpu.memory_space<vmem>>, vector<16xi32>,
      %add3A_78 = arith.addi %add3A_55, %squeeze3A_60 : i32
      %get3A_79 = arith.constant 3 : index
      %get3A_80 = tpu.vector_load %arg5[%get3A_79] {strides = array<i32>} : memref<80xi32, #tpu.memory_space<vmem>>, vector<16xi32>,
      %get3A_81 = vector.shape_cast %get3A_80 : vector<16xi32> to vector<16xi32>
      %slice3A_82 = vector.extract_strided_slice %get3A_81 {offsets = [0], sizes = [1], strides = [1]} : vector<16xi32> to vector<1xi32>
      %squeeze3A_83 = vector.extract %slice3A_82[0] : i32 from vector<1xi32>
      %mul3A_84 = vector.broadcast %squeeze3A_83 : i32 to vector<16xi32>
      %mul3A_85 = arith.muli %max3A_11, %mul3A_84 : vector<16xi32>
      %get3A_86 = arith.index_cast %add3A_78 : i32 to index
      %get3A_87 = tpu.vector_load %arg6[%get3A_86] {strides = array<i32>} : memref<80xi32, #tpu.memory_space<vmem>>, vector<16xi32>,
      %get3A_88 = vector.shape_cast %get3A_87 : vector<16xi32> to vector<16xi32>
      %sub3A_89 = arith.constant 1 : i32
      %sub3A_90 = vector.broadcast %sub3A_89 : i32 to vector<16xi32>
      %sub3A_91 = arith.subi %sub3A_90, %mul3A_85 : vector<16xi32>
      %mul3A_92 = arith.muli %get3A_88, %sub3A_91 : vector<16xi32>
      %mul3A_93 = arith.constant 3 : i32
      %mul3A_94 = vector.broadcast %mul3A_93 : i32 to vector<16xi32>
      %mul3A_95 = arith.muli %mul3A_94, %mul3A_85 : vector<16xi32>
      %add3A_96 = arith.addi %mul3A_92, %mul3A_95 : vector<16xi32>
      %swap3A_97 = arith.index_cast %add3A_78 : i32 to index
      %swap3A_98 = tpu.vector_load %arg6[%swap3A_97] {strides = array<i32>} : memref<80xi32, #tpu.memory_space<vmem>>, vector<16xi32>,
      %swap3A_99 = vector.shape_cast %swap3A_98 : vector<16xi32> to vector<16xi32>
      %swap3A_100 = vector.shape_cast %add3A_96 : vector<16xi32> to vector<16xi32>
      tpu.vector_store %arg6[%swap3A_97], %swap3A_100 {strides = array<i32>} : memref<80xi32, #tpu.memory_space<vmem>>, vector<16xi32>,
      %add3A_101 = arith.addi %add3A_78, %squeeze3A_83 : i32
      %get3A_102 = arith.constant 4 : index
      %get3A_103 = tpu.vector_load %arg5[%get3A_102] {strides = array<i32>} : memref<80xi32, #tpu.memory_space<vmem>>, vector<16xi32>,
      %get3A_104 = vector.shape_cast %get3A_103 : vector<16xi32> to vector<16xi32>
      %slice3A_105 = vector.extract_strided_slice %get3A_104 {offsets = [0], sizes = [1], strides = [1]} : vector<16xi32> to vector<1xi32>
      %squeeze3A_106 = vector.extract %slice3A_105[0] : i32 from vector<1xi32>
      %mul3A_107 = vector.broadcast %squeeze3A_106 : i32 to vector<16xi32>
      %mul3A_108 = arith.muli %max3A_11, %mul3A_107 : vector<16xi32>
      %get3A_109 = arith.index_cast %add3A_101 : i32 to index
      %get3A_110 = tpu.vector_load %arg6[%get3A_109] {strides = array<i32>} : memref<80xi32, #tpu.memory_space<vmem>>, vector<16xi32>,
      %get3A_111 = vector.shape_cast %get3A_110 : vector<16xi32> to vector<16xi32>
      %sub3A_112 = arith.constant 1 : i32
      %sub3A_113 = vector.broadcast %sub3A_112 : i32 to vector<16xi32>
      %sub3A_114 = arith.subi %sub3A_113, %mul3A_108 : vector<16xi32>
      %mul3A_115 = arith.muli %get3A_111, %sub3A_114 : vector<16xi32>
      %mul3A_116 = arith.constant 4 : i32
      %mul3A_117 = vector.broadcast %mul3A_116 : i32 to vector<16xi32>
      %mul3A_118 = arith.muli %mul3A_117, %mul3A_108 : vector<16xi32>
      %add3A_119 = arith.addi %mul3A_115, %mul3A_118 : vector<16xi32>
      %swap3A_120 = arith.index_cast %add3A_101 : i32 to index
      %swap3A_121 = tpu.vector_load %arg6[%swap3A_120] {strides = array<i32>} : memref<80xi32, #tpu.memory_space<vmem>>, vector<16xi32>,
      %swap3A_122 = vector.shape_cast %swap3A_121 : vector<16xi32> to vector<16xi32>
      %swap3A_123 = vector.shape_cast %add3A_119 : vector<16xi32> to vector<16xi32>
      tpu.vector_store %arg6[%swap3A_120], %swap3A_123 {strides = array<i32>} : memref<80xi32, #tpu.memory_space<vmem>>, vector<16xi32>,
      %add3A_124 = arith.addi %add3A_101, %squeeze3A_106 : i32
      %get3A_125 = arith.constant 5 : index
      %get3A_126 = tpu.vector_load %arg5[%get3A_125] {strides = array<i32>} : memref<80xi32, #tpu.memory_space<vmem>>, vector<16xi32>,
      %get3A_127 = vector.shape_cast %get3A_126 : vector<16xi32> to vector<16xi32>
      %slice3A_128 = vector.extract_strided_slice %get3A_127 {offsets = [0], sizes = [1], strides = [1]} : vector<16xi32> to vector<1xi32>
      %squeeze3A_129 = vector.extract %slice3A_128[0] : i32 from vector<1xi32>
      %mul3A_130 = vector.broadcast %squeeze3A_129 : i32 to vector<16xi32>
      %mul3A_131 = arith.muli %max3A_11, %mul3A_130 : vector<16xi32>
      %get3A_132 = arith.index_cast %add3A_124 : i32 to index
      %get3A_133 = tpu.vector_load %arg6[%get3A_132] {strides = array<i32>} : memref<80xi32, #tpu.memory_space<vmem>>, vector<16xi32>,
      %get3A_134 = vector.shape_cast %get3A_133 : vector<16xi32> to vector<16xi32>
      %sub3A_135 = arith.constant 1 : i32
      %sub3A_136 = vector.broadcast %sub3A_135 : i32 to vector<16xi32>
      %sub3A_137 = arith.subi %sub3A_136, %mul3A_131 : vector<16xi32>
      %mul3A_138 = arith.muli %get3A_134, %sub3A_137 : vector<16xi32>
      %mul3A_139 = arith.constant 5 : i32
      %mul3A_140 = vector.broadcast %mul3A_139 : i32 to vector<16xi32>
      %mul3A_141 = arith.muli %mul3A_140, %mul3A_131 : vector<16xi32>
      %add3A_142 = arith.addi %mul3A_138, %mul3A_141 : vector<16xi32>
      %swap3A_143 = arith.index_cast %add3A_124 : i32 to index
      %swap3A_144 = tpu.vector_load %arg6[%swap3A_143] {strides = array<i32>} : memref<80xi32, #tpu.memory_space<vmem>>, vector<16xi32>,
      %swap3A_145 = vector.shape_cast %swap3A_144 : vector<16xi32> to vector<16xi32>
      %swap3A_146 = vector.shape_cast %add3A_142 : vector<16xi32> to vector<16xi32>
      tpu.vector_store %arg6[%swap3A_143], %swap3A_146 {strides = array<i32>} : memref<80xi32, #tpu.memory_space<vmem>>, vector<16xi32>,
      %add3A_147 = arith.addi %add3A_124, %squeeze3A_129 : i32
      %get3A_148 = arith.constant 6 : index
      %get3A_149 = tpu.vector_load %arg5[%get3A_148] {strides = array<i32>} : memref<80xi32, #tpu.memory_space<vmem>>, vector<16xi32>,
      %get3A_150 = vector.shape_cast %get3A_149 : vector<16xi32> to vector<16xi32>
      %slice3A_151 = vector.extract_strided_slice %get3A_150 {offsets = [0], sizes = [1], strides = [1]} : vector<16xi32> to vector<1xi32>
      %squeeze3A_152 = vector.extract %slice3A_151[0] : i32 from vector<1xi32>
      %mul3A_153 = vector.broadcast %squeeze3A_152 : i32 to vector<16xi32>
      %mul3A_154 = arith.muli %max3A_11, %mul3A_153 : vector<16xi32>
      %get3A_155 = arith.index_cast %add3A_147 : i32 to index
      %get3A_156 = tpu.vector_load %arg6[%get3A_155] {strides = array<i32>} : memref<80xi32, #tpu.memory_space<vmem>>, vector<16xi32>,
      %get3A_157 = vector.shape_cast %get3A_156 : vector<16xi32> to vector<16xi32>
      %sub3A_158 = arith.constant 1 : i32
      %sub3A_159 = vector.broadcast %sub3A_158 : i32 to vector<16xi32>
      %sub3A_160 = arith.subi %sub3A_159, %mul3A_154 : vector<16xi32>
      %mul3A_161 = arith.muli %get3A_157, %sub3A_160 : vector<16xi32>
      %mul3A_162 = arith.constant 6 : i32
      %mul3A_163 = vector.broadcast %mul3A_162 : i32 to vector<16xi32>
      %mul3A_164 = arith.muli %mul3A_163, %mul3A_154 : vector<16xi32>
      %add3A_165 = arith.addi %mul3A_161, %mul3A_164 : vector<16xi32>
      %swap3A_166 = arith.index_cast %add3A_147 : i32 to index
      %swap3A_167 = tpu.vector_load %arg6[%swap3A_166] {strides = array<i32>} : memref<80xi32, #tpu.memory_space<vmem>>, vector<16xi32>,
      %swap3A_168 = vector.shape_cast %swap3A_167 : vector<16xi32> to vector<16xi32>
      %swap3A_169 = vector.shape_cast %add3A_165 : vector<16xi32> to vector<16xi32>
      tpu.vector_store %arg6[%swap3A_166], %swap3A_169 {strides = array<i32>} : memref<80xi32, #tpu.memory_space<vmem>>, vector<16xi32>,
      %add3A_170 = arith.addi %add3A_147, %squeeze3A_152 : i32
      %get3A_171 = arith.constant 7 : index
      %get3A_172 = tpu.vector_load %arg5[%get3A_171] {strides = array<i32>} : memref<80xi32, #tpu.memory_space<vmem>>, vector<16xi32>,
      %get3A_173 = vector.shape_cast %get3A_172 : vector<16xi32> to vector<16xi32>
      %slice3A_174 = vector.extract_strided_slice %get3A_173 {offsets = [0], sizes = [1], strides = [1]} : vector<16xi32> to vector<1xi32>
      %squeeze3A_175 = vector.extract %slice3A_174[0] : i32 from vector<1xi32>
      %mul3A_176 = vector.broadcast %squeeze3A_175 : i32 to vector<16xi32>
      %mul3A_177 = arith.muli %max3A_11, %mul3A_176 : vector<16xi32>
      %get3A_178 = arith.index_cast %add3A_170 : i32 to index
      %get3A_179 = tpu.vector_load %arg6[%get3A_178] {strides = array<i32>} : memref<80xi32, #tpu.memory_space<vmem>>, vector<16xi32>,
      %get3A_180 = vector.shape_cast %get3A_179 : vector<16xi32> to vector<16xi32>
      %sub3A_181 = arith.constant 1 : i32
      %sub3A_182 = vector.broadcast %sub3A_181 : i32 to vector<16xi32>
      %sub3A_183 = arith.subi %sub3A_182, %mul3A_177 : vector<16xi32>
      %mul3A_184 = arith.muli %get3A_180, %sub3A_183 : vector<16xi32>
      %mul3A_185 = arith.constant 7 : i32
      %mul3A_186 = vector.broadcast %mul3A_185 : i32 to vector<16xi32>
      %mul3A_187 = arith.muli %mul3A_186, %mul3A_177 : vector<16xi32>
      %add3A_188 = arith.addi %mul3A_184, %mul3A_187 : vector<16xi32>
      %swap3A_189 = arith.index_cast %add3A_170 : i32 to index
      %swap3A_190 = tpu.vector_load %arg6[%swap3A_189] {strides = array<i32>} : memref<80xi32, #tpu.memory_space<vmem>>, vector<16xi32>,
      %swap3A_191 = vector.shape_cast %swap3A_190 : vector<16xi32> to vector<16xi32>
      %swap3A_192 = vector.shape_cast %add3A_188 : vector<16xi32> to vector<16xi32>
      tpu.vector_store %arg6[%swap3A_189], %swap3A_192 {strides = array<i32>} : memref<80xi32, #tpu.memory_space<vmem>>, vector<16xi32>,
      %add3A_193 = arith.addi %add3A_170, %squeeze3A_175 : i32
      %get3A_194 = arith.constant 8 : index
      %get3A_195 = tpu.vector_load %arg5[%get3A_194] {strides = array<i32>} : memref<80xi32, #tpu.memory_space<vmem>>, vector<16xi32>,
      %get3A_196 = vector.shape_cast %get3A_195 : vector<16xi32> to vector<16xi32>
      %slice3A_197 = vector.extract_strided_slice %get3A_196 {offsets = [0], sizes = [1], strides = [1]} : vector<16xi32> to vector<1xi32>
      %squeeze3A_198 = vector.extract %slice3A_197[0] : i32 from vector<1xi32>
      %mul3A_199 = vector.broadcast %squeeze3A_198 : i32 to vector<16xi32>
      %mul3A_200 = arith.muli %max3A_11, %mul3A_199 : vector<16xi32>
      %get3A_201 = arith.index_cast %add3A_193 : i32 to index
      %get3A_202 = tpu.vector_load %arg6[%get3A_201] {strides = array<i32>} : memref<80xi32, #tpu.memory_space<vmem>>, vector<16xi32>,
      %get3A_203 = vector.shape_cast %get3A_202 : vector<16xi32> to vector<16xi32>
      %sub3A_204 = arith.constant 1 : i32
      %sub3A_205 = vector.broadcast %sub3A_204 : i32 to vector<16xi32>
      %sub3A_206 = arith.subi %sub3A_205, %mul3A_200 : vector<16xi32>
      %mul3A_207 = arith.muli %get3A_203, %sub3A_206 : vector<16xi32>
      %mul3A_208 = arith.constant 8 : i32
      %mul3A_209 = vector.broadcast %mul3A_208 : i32 to vector<16xi32>
      %mul3A_210 = arith.muli %mul3A_209, %mul3A_200 : vector<16xi32>
      %add3A_211 = arith.addi %mul3A_207, %mul3A_210 : vector<16xi32>
      %swap3A_212 = arith.index_cast %add3A_193 : i32 to index
      %swap3A_213 = tpu.vector_load %arg6[%swap3A_212] {strides = array<i32>} : memref<80xi32, #tpu.memory_space<vmem>>, vector<16xi32>,
      %swap3A_214 = vector.shape_cast %swap3A_213 : vector<16xi32> to vector<16xi32>
      %swap3A_215 = vector.shape_cast %add3A_211 : vector<16xi32> to vector<16xi32>
      tpu.vector_store %arg6[%swap3A_212], %swap3A_215 {strides = array<i32>} : memref<80xi32, #tpu.memory_space<vmem>>, vector<16xi32>,
      %add3A_216 = arith.addi %add3A_193, %squeeze3A_198 : i32
      %get3A_217 = arith.constant 9 : index
      %get3A_218 = tpu.vector_load %arg5[%get3A_217] {strides = array<i32>} : memref<80xi32, #tpu.memory_space<vmem>>, vector<16xi32>,
      %get3A_219 = vector.shape_cast %get3A_218 : vector<16xi32> to vector<16xi32>
      %slice3A_220 = vector.extract_strided_slice %get3A_219 {offsets = [0], sizes = [1], strides = [1]} : vector<16xi32> to vector<1xi32>
      %squeeze3A_221 = vector.extract %slice3A_220[0] : i32 from vector<1xi32>
      %mul3A_222 = vector.broadcast %squeeze3A_221 : i32 to vector<16xi32>
      %mul3A_223 = arith.muli %max3A_11, %mul3A_222 : vector<16xi32>
      %get3A_224 = arith.index_cast %add3A_216 : i32 to index
      %get3A_225 = tpu.vector_load %arg6[%get3A_224] {strides = array<i32>} : memref<80xi32, #tpu.memory_space<vmem>>, vector<16xi32>,
      %get3A_226 = vector.shape_cast %get3A_225 : vector<16xi32> to vector<16xi32>
      %sub3A_227 = arith.constant 1 : i32
      %sub3A_228 = vector.broadcast %sub3A_227 : i32 to vector<16xi32>
      %sub3A_229 = arith.subi %sub3A_228, %mul3A_223 : vector<16xi32>
      %mul3A_230 = arith.muli %get3A_226, %sub3A_229 : vector<16xi32>
      %mul3A_231 = arith.constant 9 : i32
      %mul3A_232 = vector.broadcast %mul3A_231 : i32 to vector<16xi32>
      %mul3A_233 = arith.muli %mul3A_232, %mul3A_223 : vector<16xi32>
      %add3A_234 = arith.addi %mul3A_230, %mul3A_233 : vector<16xi32>
      %swap3A_235 = arith.index_cast %add3A_216 : i32 to index
      %swap3A_236 = tpu.vector_load %arg6[%swap3A_235] {strides = array<i32>} : memref<80xi32, #tpu.memory_space<vmem>>, vector<16xi32>,
      %swap3A_237 = vector.shape_cast %swap3A_236 : vector<16xi32> to vector<16xi32>
      %swap3A_238 = vector.shape_cast %add3A_234 : vector<16xi32> to vector<16xi32>
      tpu.vector_store %arg6[%swap3A_235], %swap3A_238 {strides = array<i32>} : memref<80xi32, #tpu.memory_space<vmem>>, vector<16xi32>,
      %add3A_239 = arith.addi %add3A_216, %squeeze3A_221 : i32
      %get3A_240 = arith.constant 10 : index
      %get3A_241 = tpu.vector_load %arg5[%get3A_240] {strides = array<i32>} : memref<80xi32, #tpu.memory_space<vmem>>, vector<16xi32>,
      %get3A_242 = vector.shape_cast %get3A_241 : vector<16xi32> to vector<16xi32>
      %slice3A_243 = vector.extract_strided_slice %get3A_242 {offsets = [0], sizes = [1], strides = [1]} : vector<16xi32> to vector<1xi32>
      %squeeze3A_244 = vector.extract %slice3A_243[0] : i32 from vector<1xi32>
      %mul3A_245 = vector.broadcast %squeeze3A_244 : i32 to vector<16xi32>
      %mul3A_246 = arith.muli %max3A_11, %mul3A_245 : vector<16xi32>
      %get3A_247 = arith.index_cast %add3A_239 : i32 to index
      %get3A_248 = tpu.vector_load %arg6[%get3A_247] {strides = array<i32>} : memref<80xi32, #tpu.memory_space<vmem>>, vector<16xi32>,
      %get3A_249 = vector.shape_cast %get3A_248 : vector<16xi32> to vector<16xi32>
      %sub3A_250 = arith.constant 1 : i32
      %sub3A_251 = vector.broadcast %sub3A_250 : i32 to vector<16xi32>
      %sub3A_252 = arith.subi %sub3A_251, %mul3A_246 : vector<16xi32>
      %mul3A_253 = arith.muli %get3A_249, %sub3A_252 : vector<16xi32>
      %mul3A_254 = arith.constant 10 : i32
      %mul3A_255 = vector.broadcast %mul3A_254 : i32 to vector<16xi32>
      %mul3A_256 = arith.muli %mul3A_255, %mul3A_246 : vector<16xi32>
      %add3A_257 = arith.addi %mul3A_253, %mul3A_256 : vector<16xi32>
      %swap3A_258 = arith.index_cast %add3A_239 : i32 to index
      %swap3A_259 = tpu.vector_load %arg6[%swap3A_258] {strides = array<i32>} : memref<80xi32, #tpu.memory_space<vmem>>, vector<16xi32>,
      %swap3A_260 = vector.shape_cast %swap3A_259 : vector<16xi32> to vector<16xi32>
      %swap3A_261 = vector.shape_cast %add3A_257 : vector<16xi32> to vector<16xi32>
      tpu.vector_store %arg6[%swap3A_258], %swap3A_261 {strides = array<i32>} : memref<80xi32, #tpu.memory_space<vmem>>, vector<16xi32>,
      %add3A_262 = arith.addi %add3A_239, %squeeze3A_244 : i32
      %get3A_263 = arith.constant 11 : index
      %get3A_264 = tpu.vector_load %arg5[%get3A_263] {strides = array<i32>} : memref<80xi32, #tpu.memory_space<vmem>>, vector<16xi32>,
      %get3A_265 = vector.shape_cast %get3A_264 : vector<16xi32> to vector<16xi32>
      %slice3A_266 = vector.extract_strided_slice %get3A_265 {offsets = [0], sizes = [1], strides = [1]} : vector<16xi32> to vector<1xi32>
      %squeeze3A_267 = vector.extract %slice3A_266[0] : i32 from vector<1xi32>
      %mul3A_268 = vector.broadcast %squeeze3A_267 : i32 to vector<16xi32>
      %mul3A_269 = arith.muli %max3A_11, %mul3A_268 : vector<16xi32>
      %get3A_270 = arith.index_cast %add3A_262 : i32 to index
      %get3A_271 = tpu.vector_load %arg6[%get3A_270] {strides = array<i32>} : memref<80xi32, #tpu.memory_space<vmem>>, vector<16xi32>,
      %get3A_272 = vector.shape_cast %get3A_271 : vector<16xi32> to vector<16xi32>
      %sub3A_273 = arith.constant 1 : i32
      %sub3A_274 = vector.broadcast %sub3A_273 : i32 to vector<16xi32>
      %sub3A_275 = arith.subi %sub3A_274, %mul3A_269 : vector<16xi32>
      %mul3A_276 = arith.muli %get3A_272, %sub3A_275 : vector<16xi32>
      %mul3A_277 = arith.constant 11 : i32
      %mul3A_278 = vector.broadcast %mul3A_277 : i32 to vector<16xi32>
      %mul3A_279 = arith.muli %mul3A_278, %mul3A_269 : vector<16xi32>
      %add3A_280 = arith.addi %mul3A_276, %mul3A_279 : vector<16xi32>
      %swap3A_281 = arith.index_cast %add3A_262 : i32 to index
      %swap3A_282 = tpu.vector_load %arg6[%swap3A_281] {strides = array<i32>} : memref<80xi32, #tpu.memory_space<vmem>>, vector<16xi32>,
      %swap3A_283 = vector.shape_cast %swap3A_282 : vector<16xi32> to vector<16xi32>
      %swap3A_284 = vector.shape_cast %add3A_280 : vector<16xi32> to vector<16xi32>
      tpu.vector_store %arg6[%swap3A_281], %swap3A_284 {strides = array<i32>} : memref<80xi32, #tpu.memory_space<vmem>>, vector<16xi32>,
      %add3A_285 = arith.addi %add3A_262, %squeeze3A_267 : i32
      %get3A_286 = arith.constant 12 : index
      %get3A_287 = tpu.vector_load %arg5[%get3A_286] {strides = array<i32>} : memref<80xi32, #tpu.memory_space<vmem>>, vector<16xi32>,
      %get3A_288 = vector.shape_cast %get3A_287 : vector<16xi32> to vector<16xi32>
      %slice3A_289 = vector.extract_strided_slice %get3A_288 {offsets = [0], sizes = [1], strides = [1]} : vector<16xi32> to vector<1xi32>
      %squeeze3A_290 = vector.extract %slice3A_289[0] : i32 from vector<1xi32>
      %mul3A_291 = vector.broadcast %squeeze3A_290 : i32 to vector<16xi32>
      %mul3A_292 = arith.muli %max3A_11, %mul3A_291 : vector<16xi32>
      %get3A_293 = arith.index_cast %add3A_285 : i32 to index
      %get3A_294 = tpu.vector_load %arg6[%get3A_293] {strides = array<i32>} : memref<80xi32, #tpu.memory_space<vmem>>, vector<16xi32>,
      %get3A_295 = vector.shape_cast %get3A_294 : vector<16xi32> to vector<16xi32>
      %sub3A_296 = arith.constant 1 : i32
      %sub3A_297 = vector.broadcast %sub3A_296 : i32 to vector<16xi32>
      %sub3A_298 = arith.subi %sub3A_297, %mul3A_292 : vector<16xi32>
      %mul3A_299 = arith.muli %get3A_295, %sub3A_298 : vector<16xi32>
      %mul3A_300 = arith.constant 12 : i32
      %mul3A_301 = vector.broadcast %mul3A_300 : i32 to vector<16xi32>
      %mul3A_302 = arith.muli %mul3A_301, %mul3A_292 : vector<16xi32>
      %add3A_303 = arith.addi %mul3A_299, %mul3A_302 : vector<16xi32>
      %swap3A_304 = arith.index_cast %add3A_285 : i32 to index
      %swap3A_305 = tpu.vector_load %arg6[%swap3A_304] {strides = array<i32>} : memref<80xi32, #tpu.memory_space<vmem>>, vector<16xi32>,
      %swap3A_306 = vector.shape_cast %swap3A_305 : vector<16xi32> to vector<16xi32>
      %swap3A_307 = vector.shape_cast %add3A_303 : vector<16xi32> to vector<16xi32>
      tpu.vector_store %arg6[%swap3A_304], %swap3A_307 {strides = array<i32>} : memref<80xi32, #tpu.memory_space<vmem>>, vector<16xi32>,
      %add3A_308 = arith.addi %add3A_285, %squeeze3A_290 : i32
      %get3A_309 = arith.constant 13 : index
      %get3A_310 = tpu.vector_load %arg5[%get3A_309] {strides = array<i32>} : memref<80xi32, #tpu.memory_space<vmem>>, vector<16xi32>,
      %get3A_311 = vector.shape_cast %get3A_310 : vector<16xi32> to vector<16xi32>
      %slice3A_312 = vector.extract_strided_slice %get3A_311 {offsets = [0], sizes = [1], strides = [1]} : vector<16xi32> to vector<1xi32>
      %squeeze3A_313 = vector.extract %slice3A_312[0] : i32 from vector<1xi32>
      %mul3A_314 = vector.broadcast %squeeze3A_313 : i32 to vector<16xi32>
      %mul3A_315 = arith.muli %max3A_11, %mul3A_314 : vector<16xi32>
      %get3A_316 = arith.index_cast %add3A_308 : i32 to index
      %get3A_317 = tpu.vector_load %arg6[%get3A_316] {strides = array<i32>} : memref<80xi32, #tpu.memory_space<vmem>>, vector<16xi32>,
      %get3A_318 = vector.shape_cast %get3A_317 : vector<16xi32> to vector<16xi32>
      %sub3A_319 = arith.constant 1 : i32
      %sub3A_320 = vector.broadcast %sub3A_319 : i32 to vector<16xi32>
      %sub3A_321 = arith.subi %sub3A_320, %mul3A_315 : vector<16xi32>
      %mul3A_322 = arith.muli %get3A_318, %sub3A_321 : vector<16xi32>
      %mul3A_323 = arith.constant 13 : i32
      %mul3A_324 = vector.broadcast %mul3A_323 : i32 to vector<16xi32>
      %mul3A_325 = arith.muli %mul3A_324, %mul3A_315 : vector<16xi32>
      %add3A_326 = arith.addi %mul3A_322, %mul3A_325 : vector<16xi32>
      %swap3A_327 = arith.index_cast %add3A_308 : i32 to index
      %swap3A_328 = tpu.vector_load %arg6[%swap3A_327] {strides = array<i32>} : memref<80xi32, #tpu.memory_space<vmem>>, vector<16xi32>,
      %swap3A_329 = vector.shape_cast %swap3A_328 : vector<16xi32> to vector<16xi32>
      %swap3A_330 = vector.shape_cast %add3A_326 : vector<16xi32> to vector<16xi32>
      tpu.vector_store %arg6[%swap3A_327], %swap3A_330 {strides = array<i32>} : memref<80xi32, #tpu.memory_space<vmem>>, vector<16xi32>,
      %add3A_331 = arith.addi %add3A_308, %squeeze3A_313 : i32
      %get3A_332 = arith.constant 14 : index
      %get3A_333 = tpu.vector_load %arg5[%get3A_332] {strides = array<i32>} : memref<80xi32, #tpu.memory_space<vmem>>, vector<16xi32>,
      %get3A_334 = vector.shape_cast %get3A_333 : vector<16xi32> to vector<16xi32>
      %slice3A_335 = vector.extract_strided_slice %get3A_334 {offsets = [0], sizes = [1], strides = [1]} : vector<16xi32> to vector<1xi32>
      %squeeze3A_336 = vector.extract %slice3A_335[0] : i32 from vector<1xi32>
      %mul3A_337 = vector.broadcast %squeeze3A_336 : i32 to vector<16xi32>
      %mul3A_338 = arith.muli %max3A_11, %mul3A_337 : vector<16xi32>
      %get3A_339 = arith.index_cast %add3A_331 : i32 to index
      %get3A_340 = tpu.vector_load %arg6[%get3A_339] {strides = array<i32>} : memref<80xi32, #tpu.memory_space<vmem>>, vector<16xi32>,
      %get3A_341 = vector.shape_cast %get3A_340 : vector<16xi32> to vector<16xi32>
      %sub3A_342 = arith.constant 1 : i32
      %sub3A_343 = vector.broadcast %sub3A_342 : i32 to vector<16xi32>
      %sub3A_344 = arith.subi %sub3A_343, %mul3A_338 : vector<16xi32>
      %mul3A_345 = arith.muli %get3A_341, %sub3A_344 : vector<16xi32>
      %mul3A_346 = arith.constant 14 : i32
      %mul3A_347 = vector.broadcast %mul3A_346 : i32 to vector<16xi32>
      %mul3A_348 = arith.muli %mul3A_347, %mul3A_338 : vector<16xi32>
      %add3A_349 = arith.addi %mul3A_345, %mul3A_348 : vector<16xi32>
      %swap3A_350 = arith.index_cast %add3A_331 : i32 to index
      %swap3A_351 = tpu.vector_load %arg6[%swap3A_350] {strides = array<i32>} : memref<80xi32, #tpu.memory_space<vmem>>, vector<16xi32>,
      %swap3A_352 = vector.shape_cast %swap3A_351 : vector<16xi32> to vector<16xi32>
      %swap3A_353 = vector.shape_cast %add3A_349 : vector<16xi32> to vector<16xi32>
      tpu.vector_store %arg6[%swap3A_350], %swap3A_353 {strides = array<i32>} : memref<80xi32, #tpu.memory_space<vmem>>, vector<16xi32>,
      %add3A_354 = arith.addi %add3A_331, %squeeze3A_336 : i32
      %get3A_355 = arith.constant 15 : index
      %get3A_356 = tpu.vector_load %arg5[%get3A_355] {strides = array<i32>} : memref<80xi32, #tpu.memory_space<vmem>>, vector<16xi32>,
      %get3A_357 = vector.shape_cast %get3A_356 : vector<16xi32> to vector<16xi32>
      %slice3A_358 = vector.extract_strided_slice %get3A_357 {offsets = [0], sizes = [1], strides = [1]} : vector<16xi32> to vector<1xi32>
      %squeeze3A_359 = vector.extract %slice3A_358[0] : i32 from vector<1xi32>
      %mul3A_360 = vector.broadcast %squeeze3A_359 : i32 to vector<16xi32>
      %mul3A_361 = arith.muli %max3A_11, %mul3A_360 : vector<16xi32>
      %get3A_362 = arith.index_cast %add3A_354 : i32 to index
      %get3A_363 = tpu.vector_load %arg6[%get3A_362] {strides = array<i32>} : memref<80xi32, #tpu.memory_space<vmem>>, vector<16xi32>,
      %get3A_364 = vector.shape_cast %get3A_363 : vector<16xi32> to vector<16xi32>
      %sub3A_365 = arith.constant 1 : i32
      %sub3A_366 = vector.broadcast %sub3A_365 : i32 to vector<16xi32>
      %sub3A_367 = arith.subi %sub3A_366, %mul3A_361 : vector<16xi32>
      %mul3A_368 = arith.muli %get3A_364, %sub3A_367 : vector<16xi32>
      %mul3A_369 = arith.constant 15 : i32
      %mul3A_370 = vector.broadcast %mul3A_369 : i32 to vector<16xi32>
      %mul3A_371 = arith.muli %mul3A_370, %mul3A_361 : vector<16xi32>
      %add3A_372 = arith.addi %mul3A_368, %mul3A_371 : vector<16xi32>
      %swap3A_373 = arith.index_cast %add3A_354 : i32 to index
      %swap3A_374 = tpu.vector_load %arg6[%swap3A_373] {strides = array<i32>} : memref<80xi32, #tpu.memory_space<vmem>>, vector<16xi32>,
      %swap3A_375 = vector.shape_cast %swap3A_374 : vector<16xi32> to vector<16xi32>
      %swap3A_376 = vector.shape_cast %add3A_372 : vector<16xi32> to vector<16xi32>
      tpu.vector_store %arg6[%swap3A_373], %swap3A_376 {strides = array<i32>} : memref<80xi32, #tpu.memory_space<vmem>>, vector<16xi32>,
      %add3A_377 = arith.addi %add3A_354, %squeeze3A_359 : i32
      %get3A_378 = arith.constant 16 : index
      %get3A_379 = tpu.vector_load %arg5[%get3A_378] {strides = array<i32>} : memref<80xi32, #tpu.memory_space<vmem>>, vector<16xi32>,
      %get3A_380 = vector.shape_cast %get3A_379 : vector<16xi32> to vector<16xi32>
      %slice3A_381 = vector.extract_strided_slice %get3A_380 {offsets = [0], sizes = [1], strides = [1]} : vector<16xi32> to vector<1xi32>
      %squeeze3A_382 = vector.extract %slice3A_381[0] : i32 from vector<1xi32>
      %mul3A_383 = vector.broadcast %squeeze3A_382 : i32 to vector<16xi32>
      %mul3A_384 = arith.muli %max3A_11, %mul3A_383 : vector<16xi32>
      %get3A_385 = arith.index_cast %add3A_377 : i32 to index
      %get3A_386 = tpu.vector_load %arg6[%get3A_385] {strides = array<i32>} : memref<80xi32, #tpu.memory_space<vmem>>, vector<16xi32>,
      %get3A_387 = vector.shape_cast %get3A_386 : vector<16xi32> to vector<16xi32>
      %sub3A_388 = arith.constant 1 : i32
      %sub3A_389 = vector.broadcast %sub3A_388 : i32 to vector<16xi32>
      %sub3A_390 = arith.subi %sub3A_389, %mul3A_384 : vector<16xi32>
      %mul3A_391 = arith.muli %get3A_387, %sub3A_390 : vector<16xi32>
      %mul3A_392 = arith.constant 16 : i32
      %mul3A_393 = vector.broadcast %mul3A_392 : i32 to vector<16xi32>
      %mul3A_394 = arith.muli %mul3A_393, %mul3A_384 : vector<16xi32>
      %add3A_395 = arith.addi %mul3A_391, %mul3A_394 : vector<16xi32>
      %swap3A_396 = arith.index_cast %add3A_377 : i32 to index
      %swap3A_397 = tpu.vector_load %arg6[%swap3A_396] {strides = array<i32>} : memref<80xi32, #tpu.memory_space<vmem>>, vector<16xi32>,
      %swap3A_398 = vector.shape_cast %swap3A_397 : vector<16xi32> to vector<16xi32>
      %swap3A_399 = vector.shape_cast %add3A_395 : vector<16xi32> to vector<16xi32>
      tpu.vector_store %arg6[%swap3A_396], %swap3A_399 {strides = array<i32>} : memref<80xi32, #tpu.memory_space<vmem>>, vector<16xi32>,
      %add3A_400 = arith.addi %add3A_377, %squeeze3A_382 : i32
      %get3A_401 = arith.constant 17 : index
      %get3A_402 = tpu.vector_load %arg5[%get3A_401] {strides = array<i32>} : memref<80xi32, #tpu.memory_space<vmem>>, vector<16xi32>,
      %get3A_403 = vector.shape_cast %get3A_402 : vector<16xi32> to vector<16xi32>
      %slice3A_404 = vector.extract_strided_slice %get3A_403 {offsets = [0], sizes = [1], strides = [1]} : vector<16xi32> to vector<1xi32>
      %squeeze3A_405 = vector.extract %slice3A_404[0] : i32 from vector<1xi32>
      %mul3A_406 = vector.broadcast %squeeze3A_405 : i32 to vector<16xi32>
      %mul3A_407 = arith.muli %max3A_11, %mul3A_406 : vector<16xi32>
      %get3A_408 = arith.index_cast %add3A_400 : i32 to index
      %get3A_409 = tpu.vector_load %arg6[%get3A_408] {strides = array<i32>} : memref<80xi32, #tpu.memory_space<vmem>>, vector<16xi32>,
      %get3A_410 = vector.shape_cast %get3A_409 : vector<16xi32> to vector<16xi32>
      %sub3A_411 = arith.constant 1 : i32
      %sub3A_412 = vector.broadcast %sub3A_411 : i32 to vector<16xi32>
      %sub3A_413 = arith.subi %sub3A_412, %mul3A_407 : vector<16xi32>
      %mul3A_414 = arith.muli %get3A_410, %sub3A_413 : vector<16xi32>
      %mul3A_415 = arith.constant 17 : i32
      %mul3A_416 = vector.broadcast %mul3A_415 : i32 to vector<16xi32>
      %mul3A_417 = arith.muli %mul3A_416, %mul3A_407 : vector<16xi32>
      %add3A_418 = arith.addi %mul3A_414, %mul3A_417 : vector<16xi32>
      %swap3A_419 = arith.index_cast %add3A_400 : i32 to index
      %swap3A_420 = tpu.vector_load %arg6[%swap3A_419] {strides = array<i32>} : memref<80xi32, #tpu.memory_space<vmem>>, vector<16xi32>,
      %swap3A_421 = vector.shape_cast %swap3A_420 : vector<16xi32> to vector<16xi32>
      %swap3A_422 = vector.shape_cast %add3A_418 : vector<16xi32> to vector<16xi32>
      tpu.vector_store %arg6[%swap3A_419], %swap3A_422 {strides = array<i32>} : memref<80xi32, #tpu.memory_space<vmem>>, vector<16xi32>,
      %add3A_423 = arith.addi %add3A_400, %squeeze3A_405 : i32
      %get3A_424 = arith.constant 18 : index
      %get3A_425 = tpu.vector_load %arg5[%get3A_424] {strides = array<i32>} : memref<80xi32, #tpu.memory_space<vmem>>, vector<16xi32>,
      %get3A_426 = vector.shape_cast %get3A_425 : vector<16xi32> to vector<16xi32>
      %slice3A_427 = vector.extract_strided_slice %get3A_426 {offsets = [0], sizes = [1], strides = [1]} : vector<16xi32> to vector<1xi32>
      %squeeze3A_428 = vector.extract %slice3A_427[0] : i32 from vector<1xi32>
      %mul3A_429 = vector.broadcast %squeeze3A_428 : i32 to vector<16xi32>
      %mul3A_430 = arith.muli %max3A_11, %mul3A_429 : vector<16xi32>
      %get3A_431 = arith.index_cast %add3A_423 : i32 to index
      %get3A_432 = tpu.vector_load %arg6[%get3A_431] {strides = array<i32>} : memref<80xi32, #tpu.memory_space<vmem>>, vector<16xi32>,
      %get3A_433 = vector.shape_cast %get3A_432 : vector<16xi32> to vector<16xi32>
      %sub3A_434 = arith.constant 1 : i32
      %sub3A_435 = vector.broadcast %sub3A_434 : i32 to vector<16xi32>
      %sub3A_436 = arith.subi %sub3A_435, %mul3A_430 : vector<16xi32>
      %mul3A_437 = arith.muli %get3A_433, %sub3A_436 : vector<16xi32>
      %mul3A_438 = arith.constant 18 : i32
      %mul3A_439 = vector.broadcast %mul3A_438 : i32 to vector<16xi32>
      %mul3A_440 = arith.muli %mul3A_439, %mul3A_430 : vector<16xi32>
      %add3A_441 = arith.addi %mul3A_437, %mul3A_440 : vector<16xi32>
      %swap3A_442 = arith.index_cast %add3A_423 : i32 to index
      %swap3A_443 = tpu.vector_load %arg6[%swap3A_442] {strides = array<i32>} : memref<80xi32, #tpu.memory_space<vmem>>, vector<16xi32>,
      %swap3A_444 = vector.shape_cast %swap3A_443 : vector<16xi32> to vector<16xi32>
      %swap3A_445 = vector.shape_cast %add3A_441 : vector<16xi32> to vector<16xi32>
      tpu.vector_store %arg6[%swap3A_442], %swap3A_445 {strides = array<i32>} : memref<80xi32, #tpu.memory_space<vmem>>, vector<16xi32>,
      %add3A_446 = arith.addi %add3A_423, %squeeze3A_428 : i32
      %get3A_447 = arith.constant 19 : index
      %get3A_448 = tpu.vector_load %arg5[%get3A_447] {strides = array<i32>} : memref<80xi32, #tpu.memory_space<vmem>>, vector<16xi32>,
      %get3A_449 = vector.shape_cast %get3A_448 : vector<16xi32> to vector<16xi32>
      %slice3A_450 = vector.extract_strided_slice %get3A_449 {offsets = [0], sizes = [1], strides = [1]} : vector<16xi32> to vector<1xi32>
      %squeeze3A_451 = vector.extract %slice3A_450[0] : i32 from vector<1xi32>
      %mul3A_452 = vector.broadcast %squeeze3A_451 : i32 to vector<16xi32>
      %mul3A_453 = arith.muli %max3A_11, %mul3A_452 : vector<16xi32>
      %get3A_454 = arith.index_cast %add3A_446 : i32 to index
      %get3A_455 = tpu.vector_load %arg6[%get3A_454] {strides = array<i32>} : memref<80xi32, #tpu.memory_space<vmem>>, vector<16xi32>,
      %get3A_456 = vector.shape_cast %get3A_455 : vector<16xi32> to vector<16xi32>
      %sub3A_457 = arith.constant 1 : i32
      %sub3A_458 = vector.broadcast %sub3A_457 : i32 to vector<16xi32>
      %sub3A_459 = arith.subi %sub3A_458, %mul3A_453 : vector<16xi32>
      %mul3A_460 = arith.muli %get3A_456, %sub3A_459 : vector<16xi32>
      %mul3A_461 = arith.constant 19 : i32
      %mul3A_462 = vector.broadcast %mul3A_461 : i32 to vector<16xi32>
      %mul3A_463 = arith.muli %mul3A_462, %mul3A_453 : vector<16xi32>
      %add3A_464 = arith.addi %mul3A_460, %mul3A_463 : vector<16xi32>
      %swap3A_465 = arith.index_cast %add3A_446 : i32 to index
      %swap3A_466 = tpu.vector_load %arg6[%swap3A_465] {strides = array<i32>} : memref<80xi32, #tpu.memory_space<vmem>>, vector<16xi32>,
      %swap3A_467 = vector.shape_cast %swap3A_466 : vector<16xi32> to vector<16xi32>
      %swap3A_468 = vector.shape_cast %add3A_464 : vector<16xi32> to vector<16xi32>
      tpu.vector_store %arg6[%swap3A_465], %swap3A_468 {strides = array<i32>} : memref<80xi32, #tpu.memory_space<vmem>>, vector<16xi32>,
      %add3A_469 = arith.addi %add3A_446, %squeeze3A_451 : i32
      %get3A_470 = arith.constant 20 : index
      %get3A_471 = tpu.vector_load %arg5[%get3A_470] {strides = array<i32>} : memref<80xi32, #tpu.memory_space<vmem>>, vector<16xi32>,
      %get3A_472 = vector.shape_cast %get3A_471 : vector<16xi32> to vector<16xi32>
      %slice3A_473 = vector.extract_strided_slice %get3A_472 {offsets = [0], sizes = [1], strides = [1]} : vector<16xi32> to vector<1xi32>
      %squeeze3A_474 = vector.extract %slice3A_473[0] : i32 from vector<1xi32>
      %mul3A_475 = vector.broadcast %squeeze3A_474 : i32 to vector<16xi32>
      %mul3A_476 = arith.muli %max3A_11, %mul3A_475 : vector<16xi32>
      %get3A_477 = arith.index_cast %add3A_469 : i32 to index
      %get3A_478 = tpu.vector_load %arg6[%get3A_477] {strides = array<i32>} : memref<80xi32, #tpu.memory_space<vmem>>, vector<16xi32>,
      %get3A_479 = vector.shape_cast %get3A_478 : vector<16xi32> to vector<16xi32>
      %sub3A_480 = arith.constant 1 : i32
      %sub3A_481 = vector.broadcast %sub3A_480 : i32 to vector<16xi32>
      %sub3A_482 = arith.subi %sub3A_481, %mul3A_476 : vector<16xi32>
      %mul3A_483 = arith.muli %get3A_479, %sub3A_482 : vector<16xi32>
      %mul3A_484 = arith.constant 20 : i32
      %mul3A_485 = vector.broadcast %mul3A_484 : i32 to vector<16xi32>
      %mul3A_486 = arith.muli %mul3A_485, %mul3A_476 : vector<16xi32>
      %add3A_487 = arith.addi %mul3A_483, %mul3A_486 : vector<16xi32>
      %swap3A_488 = arith.index_cast %add3A_469 : i32 to index
      %swap3A_489 = tpu.vector_load %arg6[%swap3A_488] {strides = array<i32>} : memref<80xi32, #tpu.memory_space<vmem>>, vector<16xi32>,
      %swap3A_490 = vector.shape_cast %swap3A_489 : vector<16xi32> to vector<16xi32>
      %swap3A_491 = vector.shape_cast %add3A_487 : vector<16xi32> to vector<16xi32>
      tpu.vector_store %arg6[%swap3A_488], %swap3A_491 {strides = array<i32>} : memref<80xi32, #tpu.memory_space<vmem>>, vector<16xi32>,
      %add3A_492 = arith.addi %add3A_469, %squeeze3A_474 : i32
      %get3A_493 = arith.constant 21 : index
      %get3A_494 = tpu.vector_load %arg5[%get3A_493] {strides = array<i32>} : memref<80xi32, #tpu.memory_space<vmem>>, vector<16xi32>,
      %get3A_495 = vector.shape_cast %get3A_494 : vector<16xi32> to vector<16xi32>
      %slice3A_496 = vector.extract_strided_slice %get3A_495 {offsets = [0], sizes = [1], strides = [1]} : vector<16xi32> to vector<1xi32>
      %squeeze3A_497 = vector.extract %slice3A_496[0] : i32 from vector<1xi32>
      %mul3A_498 = vector.broadcast %squeeze3A_497 : i32 to vector<16xi32>
      %mul3A_499 = arith.muli %max3A_11, %mul3A_498 : vector<16xi32>
      %get3A_500 = arith.index_cast %add3A_492 : i32 to index
      %get3A_501 = tpu.vector_load %arg6[%get3A_500] {strides = array<i32>} : memref<80xi32, #tpu.memory_space<vmem>>, vector<16xi32>,
      %get3A_502 = vector.shape_cast %get3A_501 : vector<16xi32> to vector<16xi32>
      %sub3A_503 = arith.constant 1 : i32
      %sub3A_504 = vector.broadcast %sub3A_503 : i32 to vector<16xi32>
      %sub3A_505 = arith.subi %sub3A_504, %mul3A_499 : vector<16xi32>
      %mul3A_506 = arith.muli %get3A_502, %sub3A_505 : vector<16xi32>
      %mul3A_507 = arith.constant 21 : i32
      %mul3A_508 = vector.broadcast %mul3A_507 : i32 to vector<16xi32>
      %mul3A_509 = arith.muli %mul3A_508, %mul3A_499 : vector<16xi32>
      %add3A_510 = arith.addi %mul3A_506, %mul3A_509 : vector<16xi32>
      %swap3A_511 = arith.index_cast %add3A_492 : i32 to index
      %swap3A_512 = tpu.vector_load %arg6[%swap3A_511] {strides = array<i32>} : memref<80xi32, #tpu.memory_space<vmem>>, vector<16xi32>,
      %swap3A_513 = vector.shape_cast %swap3A_512 : vector<16xi32> to vector<16xi32>
      %swap3A_514 = vector.shape_cast %add3A_510 : vector<16xi32> to vector<16xi32>
      tpu.vector_store %arg6[%swap3A_511], %swap3A_514 {strides = array<i32>} : memref<80xi32, #tpu.memory_space<vmem>>, vector<16xi32>,
      %add3A_515 = arith.addi %add3A_492, %squeeze3A_497 : i32
      %get3A_516 = arith.constant 22 : index
      %get3A_517 = tpu.vector_load %arg5[%get3A_516] {strides = array<i32>} : memref<80xi32, #tpu.memory_space<vmem>>, vector<16xi32>,
      %get3A_518 = vector.shape_cast %get3A_517 : vector<16xi32> to vector<16xi32>
      %slice3A_519 = vector.extract_strided_slice %get3A_518 {offsets = [0], sizes = [1], strides = [1]} : vector<16xi32> to vector<1xi32>
      %squeeze3A_520 = vector.extract %slice3A_519[0] : i32 from vector<1xi32>
      %mul3A_521 = vector.broadcast %squeeze3A_520 : i32 to vector<16xi32>
      %mul3A_522 = arith.muli %max3A_11, %mul3A_521 : vector<16xi32>
      %get3A_523 = arith.index_cast %add3A_515 : i32 to index
      %get3A_524 = tpu.vector_load %arg6[%get3A_523] {strides = array<i32>} : memref<80xi32, #tpu.memory_space<vmem>>, vector<16xi32>,
      %get3A_525 = vector.shape_cast %get3A_524 : vector<16xi32> to vector<16xi32>
      %sub3A_526 = arith.constant 1 : i32
      %sub3A_527 = vector.broadcast %sub3A_526 : i32 to vector<16xi32>
      %sub3A_528 = arith.subi %sub3A_527, %mul3A_522 : vector<16xi32>
      %mul3A_529 = arith.muli %get3A_525, %sub3A_528 : vector<16xi32>
      %mul3A_530 = arith.constant 22 : i32
      %mul3A_531 = vector.broadcast %mul3A_530 : i32 to vector<16xi32>
      %mul3A_532 = arith.muli %mul3A_531, %mul3A_522 : vector<16xi32>
      %add3A_533 = arith.addi %mul3A_529, %mul3A_532 : vector<16xi32>
      %swap3A_534 = arith.index_cast %add3A_515 : i32 to index
      %swap3A_535 = tpu.vector_load %arg6[%swap3A_534] {strides = array<i32>} : memref<80xi32, #tpu.memory_space<vmem>>, vector<16xi32>,
      %swap3A_536 = vector.shape_cast %swap3A_535 : vector<16xi32> to vector<16xi32>
      %swap3A_537 = vector.shape_cast %add3A_533 : vector<16xi32> to vector<16xi32>
      tpu.vector_store %arg6[%swap3A_534], %swap3A_537 {strides = array<i32>} : memref<80xi32, #tpu.memory_space<vmem>>, vector<16xi32>,
      %add3A_538 = arith.addi %add3A_515, %squeeze3A_520 : i32
      %get3A_539 = arith.constant 23 : index
      %get3A_540 = tpu.vector_load %arg5[%get3A_539] {strides = array<i32>} : memref<80xi32, #tpu.memory_space<vmem>>, vector<16xi32>,
      %get3A_541 = vector.shape_cast %get3A_540 : vector<16xi32> to vector<16xi32>
      %slice3A_542 = vector.extract_strided_slice %get3A_541 {offsets = [0], sizes = [1], strides = [1]} : vector<16xi32> to vector<1xi32>
      %squeeze3A_543 = vector.extract %slice3A_542[0] : i32 from vector<1xi32>
      %mul3A_544 = vector.broadcast %squeeze3A_543 : i32 to vector<16xi32>
      %mul3A_545 = arith.muli %max3A_11, %mul3A_544 : vector<16xi32>
      %get3A_546 = arith.index_cast %add3A_538 : i32 to index
      %get3A_547 = tpu.vector_load %arg6[%get3A_546] {strides = array<i32>} : memref<80xi32, #tpu.memory_space<vmem>>, vector<16xi32>,
      %get3A_548 = vector.shape_cast %get3A_547 : vector<16xi32> to vector<16xi32>
      %sub3A_549 = arith.constant 1 : i32
      %sub3A_550 = vector.broadcast %sub3A_549 : i32 to vector<16xi32>
      %sub3A_551 = arith.subi %sub3A_550, %mul3A_545 : vector<16xi32>
      %mul3A_552 = arith.muli %get3A_548, %sub3A_551 : vector<16xi32>
      %mul3A_553 = arith.constant 23 : i32
      %mul3A_554 = vector.broadcast %mul3A_553 : i32 to vector<16xi32>
      %mul3A_555 = arith.muli %mul3A_554, %mul3A_545 : vector<16xi32>
      %add3A_556 = arith.addi %mul3A_552, %mul3A_555 : vector<16xi32>
      %swap3A_557 = arith.index_cast %add3A_538 : i32 to index
      %swap3A_558 = tpu.vector_load %arg6[%swap3A_557] {strides = array<i32>} : memref<80xi32, #tpu.memory_space<vmem>>, vector<16xi32>,
      %swap3A_559 = vector.shape_cast %swap3A_558 : vector<16xi32> to vector<16xi32>
      %swap3A_560 = vector.shape_cast %add3A_556 : vector<16xi32> to vector<16xi32>
      tpu.vector_store %arg6[%swap3A_557], %swap3A_560 {strides = array<i32>} : memref<80xi32, #tpu.memory_space<vmem>>, vector<16xi32>,
      %add3A_561 = arith.addi %add3A_538, %squeeze3A_543 : i32
      %get3A_562 = arith.constant 24 : index
      %get3A_563 = tpu.vector_load %arg5[%get3A_562] {strides = array<i32>} : memref<80xi32, #tpu.memory_space<vmem>>, vector<16xi32>,
      %get3A_564 = vector.shape_cast %get3A_563 : vector<16xi32> to vector<16xi32>
      %slice3A_565 = vector.extract_strided_slice %get3A_564 {offsets = [0], sizes = [1], strides = [1]} : vector<16xi32> to vector<1xi32>
      %squeeze3A_566 = vector.extract %slice3A_565[0] : i32 from vector<1xi32>
      %mul3A_567 = vector.broadcast %squeeze3A_566 : i32 to vector<16xi32>
      %mul3A_568 = arith.muli %max3A_11, %mul3A_567 : vector<16xi32>
      %get3A_569 = arith.index_cast %add3A_561 : i32 to index
      %get3A_570 = tpu.vector_load %arg6[%get3A_569] {strides = array<i32>} : memref<80xi32, #tpu.memory_space<vmem>>, vector<16xi32>,
      %get3A_571 = vector.shape_cast %get3A_570 : vector<16xi32> to vector<16xi32>
      %sub3A_572 = arith.constant 1 : i32
      %sub3A_573 = vector.broadcast %sub3A_572 : i32 to vector<16xi32>
      %sub3A_574 = arith.subi %sub3A_573, %mul3A_568 : vector<16xi32>
      %mul3A_575 = arith.muli %get3A_571, %sub3A_574 : vector<16xi32>
      %mul3A_576 = arith.constant 24 : i32
      %mul3A_577 = vector.broadcast %mul3A_576 : i32 to vector<16xi32>
      %mul3A_578 = arith.muli %mul3A_577, %mul3A_568 : vector<16xi32>
      %add3A_579 = arith.addi %mul3A_575, %mul3A_578 : vector<16xi32>
      %swap3A_580 = arith.index_cast %add3A_561 : i32 to index
      %swap3A_581 = tpu.vector_load %arg6[%swap3A_580] {strides = array<i32>} : memref<80xi32, #tpu.memory_space<vmem>>, vector<16xi32>,
      %swap3A_582 = vector.shape_cast %swap3A_581 : vector<16xi32> to vector<16xi32>
      %swap3A_583 = vector.shape_cast %add3A_579 : vector<16xi32> to vector<16xi32>
      tpu.vector_store %arg6[%swap3A_580], %swap3A_583 {strides = array<i32>} : memref<80xi32, #tpu.memory_space<vmem>>, vector<16xi32>,
      %add3A_584 = arith.addi %add3A_561, %squeeze3A_566 : i32
      %get3A_585 = arith.constant 25 : index
      %get3A_586 = tpu.vector_load %arg5[%get3A_585] {strides = array<i32>} : memref<80xi32, #tpu.memory_space<vmem>>, vector<16xi32>,
      %get3A_587 = vector.shape_cast %get3A_586 : vector<16xi32> to vector<16xi32>
      %slice3A_588 = vector.extract_strided_slice %get3A_587 {offsets = [0], sizes = [1], strides = [1]} : vector<16xi32> to vector<1xi32>
      %squeeze3A_589 = vector.extract %slice3A_588[0] : i32 from vector<1xi32>
      %mul3A_590 = vector.broadcast %squeeze3A_589 : i32 to vector<16xi32>
      %mul3A_591 = arith.muli %max3A_11, %mul3A_590 : vector<16xi32>
      %get3A_592 = arith.index_cast %add3A_584 : i32 to index
      %get3A_593 = tpu.vector_load %arg6[%get3A_592] {strides = array<i32>} : memref<80xi32, #tpu.memory_space<vmem>>, vector<16xi32>,
      %get3A_594 = vector.shape_cast %get3A_593 : vector<16xi32> to vector<16xi32>
      %sub3A_595 = arith.constant 1 : i32
      %sub3A_596 = vector.broadcast %sub3A_595 : i32 to vector<16xi32>
      %sub3A_597 = arith.subi %sub3A_596, %mul3A_591 : vector<16xi32>
      %mul3A_598 = arith.muli %get3A_594, %sub3A_597 : vector<16xi32>
      %mul3A_599 = arith.constant 25 : i32
      %mul3A_600 = vector.broadcast %mul3A_599 : i32 to vector<16xi32>
      %mul3A_601 = arith.muli %mul3A_600, %mul3A_591 : vector<16xi32>
      %add3A_602 = arith.addi %mul3A_598, %mul3A_601 : vector<16xi32>
      %swap3A_603 = arith.index_cast %add3A_584 : i32 to index
      %swap3A_604 = tpu.vector_load %arg6[%swap3A_603] {strides = array<i32>} : memref<80xi32, #tpu.memory_space<vmem>>, vector<16xi32>,
      %swap3A_605 = vector.shape_cast %swap3A_604 : vector<16xi32> to vector<16xi32>
      %swap3A_606 = vector.shape_cast %add3A_602 : vector<16xi32> to vector<16xi32>
      tpu.vector_store %arg6[%swap3A_603], %swap3A_606 {strides = array<i32>} : memref<80xi32, #tpu.memory_space<vmem>>, vector<16xi32>,
      %add3A_607 = arith.addi %add3A_584, %squeeze3A_589 : i32
      %get3A_608 = arith.constant 26 : index
      %get3A_609 = tpu.vector_load %arg5[%get3A_608] {strides = array<i32>} : memref<80xi32, #tpu.memory_space<vmem>>, vector<16xi32>,
      %get3A_610 = vector.shape_cast %get3A_609 : vector<16xi32> to vector<16xi32>
      %slice3A_611 = vector.extract_strided_slice %get3A_610 {offsets = [0], sizes = [1], strides = [1]} : vector<16xi32> to vector<1xi32>
      %squeeze3A_612 = vector.extract %slice3A_611[0] : i32 from vector<1xi32>
      %mul3A_613 = vector.broadcast %squeeze3A_612 : i32 to vector<16xi32>
      %mul3A_614 = arith.muli %max3A_11, %mul3A_613 : vector<16xi32>
      %get3A_615 = arith.index_cast %add3A_607 : i32 to index
      %get3A_616 = tpu.vector_load %arg6[%get3A_615] {strides = array<i32>} : memref<80xi32, #tpu.memory_space<vmem>>, vector<16xi32>,
      %get3A_617 = vector.shape_cast %get3A_616 : vector<16xi32> to vector<16xi32>
      %sub3A_618 = arith.constant 1 : i32
      %sub3A_619 = vector.broadcast %sub3A_618 : i32 to vector<16xi32>
      %sub3A_620 = arith.subi %sub3A_619, %mul3A_614 : vector<16xi32>
      %mul3A_621 = arith.muli %get3A_617, %sub3A_620 : vector<16xi32>
      %mul3A_622 = arith.constant 26 : i32
      %mul3A_623 = vector.broadcast %mul3A_622 : i32 to vector<16xi32>
      %mul3A_624 = arith.muli %mul3A_623, %mul3A_614 : vector<16xi32>
      %add3A_625 = arith.addi %mul3A_621, %mul3A_624 : vector<16xi32>
      %swap3A_626 = arith.index_cast %add3A_607 : i32 to index
      %swap3A_627 = tpu.vector_load %arg6[%swap3A_626] {strides = array<i32>} : memref<80xi32, #tpu.memory_space<vmem>>, vector<16xi32>,
      %swap3A_628 = vector.shape_cast %swap3A_627 : vector<16xi32> to vector<16xi32>
      %swap3A_629 = vector.shape_cast %add3A_625 : vector<16xi32> to vector<16xi32>
      tpu.vector_store %arg6[%swap3A_626], %swap3A_629 {strides = array<i32>} : memref<80xi32, #tpu.memory_space<vmem>>, vector<16xi32>,
      %add3A_630 = arith.addi %add3A_607, %squeeze3A_612 : i32
      %get3A_631 = arith.constant 27 : index
      %get3A_632 = tpu.vector_load %arg5[%get3A_631] {strides = array<i32>} : memref<80xi32, #tpu.memory_space<vmem>>, vector<16xi32>,
      %get3A_633 = vector.shape_cast %get3A_632 : vector<16xi32> to vector<16xi32>
      %slice3A_634 = vector.extract_strided_slice %get3A_633 {offsets = [0], sizes = [1], strides = [1]} : vector<16xi32> to vector<1xi32>
      %squeeze3A_635 = vector.extract %slice3A_634[0] : i32 from vector<1xi32>
      %mul3A_636 = vector.broadcast %squeeze3A_635 : i32 to vector<16xi32>
      %mul3A_637 = arith.muli %max3A_11, %mul3A_636 : vector<16xi32>
      %get3A_638 = arith.index_cast %add3A_630 : i32 to index
      %get3A_639 = tpu.vector_load %arg6[%get3A_638] {strides = array<i32>} : memref<80xi32, #tpu.memory_space<vmem>>, vector<16xi32>,
      %get3A_640 = vector.shape_cast %get3A_639 : vector<16xi32> to vector<16xi32>
      %sub3A_641 = arith.constant 1 : i32
      %sub3A_642 = vector.broadcast %sub3A_641 : i32 to vector<16xi32>
      %sub3A_643 = arith.subi %sub3A_642, %mul3A_637 : vector<16xi32>
      %mul3A_644 = arith.muli %get3A_640, %sub3A_643 : vector<16xi32>
      %mul3A_645 = arith.constant 27 : i32
      %mul3A_646 = vector.broadcast %mul3A_645 : i32 to vector<16xi32>
      %mul3A_647 = arith.muli %mul3A_646, %mul3A_637 : vector<16xi32>
      %add3A_648 = arith.addi %mul3A_644, %mul3A_647 : vector<16xi32>
      %swap3A_649 = arith.index_cast %add3A_630 : i32 to index
      %swap3A_650 = tpu.vector_load %arg6[%swap3A_649] {strides = array<i32>} : memref<80xi32, #tpu.memory_space<vmem>>, vector<16xi32>,
      %swap3A_651 = vector.shape_cast %swap3A_650 : vector<16xi32> to vector<16xi32>
      %swap3A_652 = vector.shape_cast %add3A_648 : vector<16xi32> to vector<16xi32>
      tpu.vector_store %arg6[%swap3A_649], %swap3A_652 {strides = array<i32>} : memref<80xi32, #tpu.memory_space<vmem>>, vector<16xi32>,
      %add3A_653 = arith.addi %add3A_630, %squeeze3A_635 : i32
      %get3A_654 = arith.constant 28 : index
      %get3A_655 = tpu.vector_load %arg5[%get3A_654] {strides = array<i32>} : memref<80xi32, #tpu.memory_space<vmem>>, vector<16xi32>,
      %get3A_656 = vector.shape_cast %get3A_655 : vector<16xi32> to vector<16xi32>
      %slice3A_657 = vector.extract_strided_slice %get3A_656 {offsets = [0], sizes = [1], strides = [1]} : vector<16xi32> to vector<1xi32>
      %squeeze3A_658 = vector.extract %slice3A_657[0] : i32 from vector<1xi32>
      %mul3A_659 = vector.broadcast %squeeze3A_658 : i32 to vector<16xi32>
      %mul3A_660 = arith.muli %max3A_11, %mul3A_659 : vector<16xi32>
      %get3A_661 = arith.index_cast %add3A_653 : i32 to index
      %get3A_662 = tpu.vector_load %arg6[%get3A_661] {strides = array<i32>} : memref<80xi32, #tpu.memory_space<vmem>>, vector<16xi32>,
      %get3A_663 = vector.shape_cast %get3A_662 : vector<16xi32> to vector<16xi32>
      %sub3A_664 = arith.constant 1 : i32
      %sub3A_665 = vector.broadcast %sub3A_664 : i32 to vector<16xi32>
      %sub3A_666 = arith.subi %sub3A_665, %mul3A_660 : vector<16xi32>
      %mul3A_667 = arith.muli %get3A_663, %sub3A_666 : vector<16xi32>
      %mul3A_668 = arith.constant 28 : i32
      %mul3A_669 = vector.broadcast %mul3A_668 : i32 to vector<16xi32>
      %mul3A_670 = arith.muli %mul3A_669, %mul3A_660 : vector<16xi32>
      %add3A_671 = arith.addi %mul3A_667, %mul3A_670 : vector<16xi32>
      %swap3A_672 = arith.index_cast %add3A_653 : i32 to index
      %swap3A_673 = tpu.vector_load %arg6[%swap3A_672] {strides = array<i32>} : memref<80xi32, #tpu.memory_space<vmem>>, vector<16xi32>,
      %swap3A_674 = vector.shape_cast %swap3A_673 : vector<16xi32> to vector<16xi32>
      %swap3A_675 = vector.shape_cast %add3A_671 : vector<16xi32> to vector<16xi32>
      tpu.vector_store %arg6[%swap3A_672], %swap3A_675 {strides = array<i32>} : memref<80xi32, #tpu.memory_space<vmem>>, vector<16xi32>,
      %add3A_676 = arith.addi %add3A_653, %squeeze3A_658 : i32
      %get3A_677 = arith.constant 29 : index
      %get3A_678 = tpu.vector_load %arg5[%get3A_677] {strides = array<i32>} : memref<80xi32, #tpu.memory_space<vmem>>, vector<16xi32>,
      %get3A_679 = vector.shape_cast %get3A_678 : vector<16xi32> to vector<16xi32>
      %slice3A_680 = vector.extract_strided_slice %get3A_679 {offsets = [0], sizes = [1], strides = [1]} : vector<16xi32> to vector<1xi32>
      %squeeze3A_681 = vector.extract %slice3A_680[0] : i32 from vector<1xi32>
      %mul3A_682 = vector.broadcast %squeeze3A_681 : i32 to vector<16xi32>
      %mul3A_683 = arith.muli %max3A_11, %mul3A_682 : vector<16xi32>
      %get3A_684 = arith.index_cast %add3A_676 : i32 to index
      %get3A_685 = tpu.vector_load %arg6[%get3A_684] {strides = array<i32>} : memref<80xi32, #tpu.memory_space<vmem>>, vector<16xi32>,
      %get3A_686 = vector.shape_cast %get3A_685 : vector<16xi32> to vector<16xi32>
      %sub3A_687 = arith.constant 1 : i32
      %sub3A_688 = vector.broadcast %sub3A_687 : i32 to vector<16xi32>
      %sub3A_689 = arith.subi %sub3A_688, %mul3A_683 : vector<16xi32>
      %mul3A_690 = arith.muli %get3A_686, %sub3A_689 : vector<16xi32>
      %mul3A_691 = arith.constant 29 : i32
      %mul3A_692 = vector.broadcast %mul3A_691 : i32 to vector<16xi32>
      %mul3A_693 = arith.muli %mul3A_692, %mul3A_683 : vector<16xi32>
      %add3A_694 = arith.addi %mul3A_690, %mul3A_693 : vector<16xi32>
      %swap3A_695 = arith.index_cast %add3A_676 : i32 to index
      %swap3A_696 = tpu.vector_load %arg6[%swap3A_695] {strides = array<i32>} : memref<80xi32, #tpu.memory_space<vmem>>, vector<16xi32>,
      %swap3A_697 = vector.shape_cast %swap3A_696 : vector<16xi32> to vector<16xi32>
      %swap3A_698 = vector.shape_cast %add3A_694 : vector<16xi32> to vector<16xi32>
      tpu.vector_store %arg6[%swap3A_695], %swap3A_698 {strides = array<i32>} : memref<80xi32, #tpu.memory_space<vmem>>, vector<16xi32>,
      %add3A_699 = arith.addi %add3A_676, %squeeze3A_681 : i32
      %get3A_700 = arith.constant 30 : index
      %get3A_701 = tpu.vector_load %arg5[%get3A_700] {strides = array<i32>} : memref<80xi32, #tpu.memory_space<vmem>>, vector<16xi32>,
      %get3A_702 = vector.shape_cast %get3A_701 : vector<16xi32> to vector<16xi32>
      %slice3A_703 = vector.extract_strided_slice %get3A_702 {offsets = [0], sizes = [1], strides = [1]} : vector<16xi32> to vector<1xi32>
      %squeeze3A_704 = vector.extract %slice3A_703[0] : i32 from vector<1xi32>
      %mul3A_705 = vector.broadcast %squeeze3A_704 : i32 to vector<16xi32>
      %mul3A_706 = arith.muli %max3A_11, %mul3A_705 : vector<16xi32>
      %get3A_707 = arith.index_cast %add3A_699 : i32 to index
      %get3A_708 = tpu.vector_load %arg6[%get3A_707] {strides = array<i32>} : memref<80xi32, #tpu.memory_space<vmem>>, vector<16xi32>,
      %get3A_709 = vector.shape_cast %get3A_708 : vector<16xi32> to vector<16xi32>
      %sub3A_710 = arith.constant 1 : i32
      %sub3A_711 = vector.broadcast %sub3A_710 : i32 to vector<16xi32>
      %sub3A_712 = arith.subi %sub3A_711, %mul3A_706 : vector<16xi32>
      %mul3A_713 = arith.muli %get3A_709, %sub3A_712 : vector<16xi32>
      %mul3A_714 = arith.constant 30 : i32
      %mul3A_715 = vector.broadcast %mul3A_714 : i32 to vector<16xi32>
      %mul3A_716 = arith.muli %mul3A_715, %mul3A_706 : vector<16xi32>
      %add3A_717 = arith.addi %mul3A_713, %mul3A_716 : vector<16xi32>
      %swap3A_718 = arith.index_cast %add3A_699 : i32 to index
      %swap3A_719 = tpu.vector_load %arg6[%swap3A_718] {strides = array<i32>} : memref<80xi32, #tpu.memory_space<vmem>>, vector<16xi32>,
      %swap3A_720 = vector.shape_cast %swap3A_719 : vector<16xi32> to vector<16xi32>
      %swap3A_721 = vector.shape_cast %add3A_717 : vector<16xi32> to vector<16xi32>
      tpu.vector_store %arg6[%swap3A_718], %swap3A_721 {strides = array<i32>} : memref<80xi32, #tpu.memory_space<vmem>>, vector<16xi32>,
      %add3A_722 = arith.addi %add3A_699, %squeeze3A_704 : i32
      %get3A_723 = arith.constant 31 : index
      %get3A_724 = tpu.vector_load %arg5[%get3A_723] {strides = array<i32>} : memref<80xi32, #tpu.memory_space<vmem>>, vector<16xi32>,
      %get3A_725 = vector.shape_cast %get3A_724 : vector<16xi32> to vector<16xi32>
      %slice3A_726 = vector.extract_strided_slice %get3A_725 {offsets = [0], sizes = [1], strides = [1]} : vector<16xi32> to vector<1xi32>
      %squeeze3A_727 = vector.extract %slice3A_726[0] : i32 from vector<1xi32>
      %mul3A_728 = vector.broadcast %squeeze3A_727 : i32 to vector<16xi32>
      %mul3A_729 = arith.muli %max3A_11, %mul3A_728 : vector<16xi32>
      %get3A_730 = arith.index_cast %add3A_722 : i32 to index
      %get3A_731 = tpu.vector_load %arg6[%get3A_730] {strides = array<i32>} : memref<80xi32, #tpu.memory_space<vmem>>, vector<16xi32>,
      %get3A_732 = vector.shape_cast %get3A_731 : vector<16xi32> to vector<16xi32>
      %sub3A_733 = arith.constant 1 : i32
      %sub3A_734 = vector.broadcast %sub3A_733 : i32 to vector<16xi32>
      %sub3A_735 = arith.subi %sub3A_734, %mul3A_729 : vector<16xi32>
      %mul3A_736 = arith.muli %get3A_732, %sub3A_735 : vector<16xi32>
      %mul3A_737 = arith.constant 31 : i32
      %mul3A_738 = vector.broadcast %mul3A_737 : i32 to vector<16xi32>
      %mul3A_739 = arith.muli %mul3A_738, %mul3A_729 : vector<16xi32>
      %add3A_740 = arith.addi %mul3A_736, %mul3A_739 : vector<16xi32>
      %swap3A_741 = arith.index_cast %add3A_722 : i32 to index
      %swap3A_742 = tpu.vector_load %arg6[%swap3A_741] {strides = array<i32>} : memref<80xi32, #tpu.memory_space<vmem>>, vector<16xi32>,
      %swap3A_743 = vector.shape_cast %swap3A_742 : vector<16xi32> to vector<16xi32>
      %swap3A_744 = vector.shape_cast %add3A_740 : vector<16xi32> to vector<16xi32>
      tpu.vector_store %arg6[%swap3A_741], %swap3A_744 {strides = array<i32>} : memref<80xi32, #tpu.memory_space<vmem>>, vector<16xi32>,
      %add3A_745 = arith.addi %add3A_722, %squeeze3A_727 : i32
      %get3A_746 = arith.constant 32 : index
      %get3A_747 = tpu.vector_load %arg5[%get3A_746] {strides = array<i32>} : memref<80xi32, #tpu.memory_space<vmem>>, vector<16xi32>,
      %get3A_748 = vector.shape_cast %get3A_747 : vector<16xi32> to vector<16xi32>
      %slice3A_749 = vector.extract_strided_slice %get3A_748 {offsets = [0], sizes = [1], strides = [1]} : vector<16xi32> to vector<1xi32>
      %squeeze3A_750 = vector.extract %slice3A_749[0] : i32 from vector<1xi32>
      %mul3A_751 = vector.broadcast %squeeze3A_750 : i32 to vector<16xi32>
      %mul3A_752 = arith.muli %max3A_11, %mul3A_751 : vector<16xi32>
      %get3A_753 = arith.index_cast %add3A_745 : i32 to index
      %get3A_754 = tpu.vector_load %arg6[%get3A_753] {strides = array<i32>} : memref<80xi32, #tpu.memory_space<vmem>>, vector<16xi32>,
      %get3A_755 = vector.shape_cast %get3A_754 : vector<16xi32> to vector<16xi32>
      %sub3A_756 = arith.constant 1 : i32
      %sub3A_757 = vector.broadcast %sub3A_756 : i32 to vector<16xi32>
      %sub3A_758 = arith.subi %sub3A_757, %mul3A_752 : vector<16xi32>
      %mul3A_759 = arith.muli %get3A_755, %sub3A_758 : vector<16xi32>
      %mul3A_760 = arith.constant 32 : i32
      %mul3A_761 = vector.broadcast %mul3A_760 : i32 to vector<16xi32>
      %mul3A_762 = arith.muli %mul3A_761, %mul3A_752 : vector<16xi32>
      %add3A_763 = arith.addi %mul3A_759, %mul3A_762 : vector<16xi32>
      %swap3A_764 = arith.index_cast %add3A_745 : i32 to index
      %swap3A_765 = tpu.vector_load %arg6[%swap3A_764] {strides = array<i32>} : memref<80xi32, #tpu.memory_space<vmem>>, vector<16xi32>,
      %swap3A_766 = vector.shape_cast %swap3A_765 : vector<16xi32> to vector<16xi32>
      %swap3A_767 = vector.shape_cast %add3A_763 : vector<16xi32> to vector<16xi32>
      tpu.vector_store %arg6[%swap3A_764], %swap3A_767 {strides = array<i32>} : memref<80xi32, #tpu.memory_space<vmem>>, vector<16xi32>,
      %add3A_768 = arith.addi %add3A_745, %squeeze3A_750 : i32
      %get3A_769 = arith.constant 33 : index
      %get3A_770 = tpu.vector_load %arg5[%get3A_769] {strides = array<i32>} : memref<80xi32, #tpu.memory_space<vmem>>, vector<16xi32>,
      %get3A_771 = vector.shape_cast %get3A_770 : vector<16xi32> to vector<16xi32>
      %slice3A_772 = vector.extract_strided_slice %get3A_771 {offsets = [0], sizes = [1], strides = [1]} : vector<16xi32> to vector<1xi32>
      %squeeze3A_773 = vector.extract %slice3A_772[0] : i32 from vector<1xi32>
      %mul3A_774 = vector.broadcast %squeeze3A_773 : i32 to vector<16xi32>
      %mul3A_775 = arith.muli %max3A_11, %mul3A_774 : vector<16xi32>
      %get3A_776 = arith.index_cast %add3A_768 : i32 to index
      %get3A_777 = tpu.vector_load %arg6[%get3A_776] {strides = array<i32>} : memref<80xi32, #tpu.memory_space<vmem>>, vector<16xi32>,
      %get3A_778 = vector.shape_cast %get3A_777 : vector<16xi32> to vector<16xi32>
      %sub3A_779 = arith.constant 1 : i32
      %sub3A_780 = vector.broadcast %sub3A_779 : i32 to vector<16xi32>
      %sub3A_781 = arith.subi %sub3A_780, %mul3A_775 : vector<16xi32>
      %mul3A_782 = arith.muli %get3A_778, %sub3A_781 : vector<16xi32>
      %mul3A_783 = arith.constant 33 : i32
      %mul3A_784 = vector.broadcast %mul3A_783 : i32 to vector<16xi32>
      %mul3A_785 = arith.muli %mul3A_784, %mul3A_775 : vector<16xi32>
      %add3A_786 = arith.addi %mul3A_782, %mul3A_785 : vector<16xi32>
      %swap3A_787 = arith.index_cast %add3A_768 : i32 to index
      %swap3A_788 = tpu.vector_load %arg6[%swap3A_787] {strides = array<i32>} : memref<80xi32, #tpu.memory_space<vmem>>, vector<16xi32>,
      %swap3A_789 = vector.shape_cast %swap3A_788 : vector<16xi32> to vector<16xi32>
      %swap3A_790 = vector.shape_cast %add3A_786 : vector<16xi32> to vector<16xi32>
      tpu.vector_store %arg6[%swap3A_787], %swap3A_790 {strides = array<i32>} : memref<80xi32, #tpu.memory_space<vmem>>, vector<16xi32>,
      %add3A_791 = arith.addi %add3A_768, %squeeze3A_773 : i32
      %get3A_792 = arith.constant 34 : index
      %get3A_793 = tpu.vector_load %arg5[%get3A_792] {strides = array<i32>} : memref<80xi32, #tpu.memory_space<vmem>>, vector<16xi32>,
      %get3A_794 = vector.shape_cast %get3A_793 : vector<16xi32> to vector<16xi32>
      %slice3A_795 = vector.extract_strided_slice %get3A_794 {offsets = [0], sizes = [1], strides = [1]} : vector<16xi32> to vector<1xi32>
      %squeeze3A_796 = vector.extract %slice3A_795[0] : i32 from vector<1xi32>
      %mul3A_797 = vector.broadcast %squeeze3A_796 : i32 to vector<16xi32>
      %mul3A_798 = arith.muli %max3A_11, %mul3A_797 : vector<16xi32>
      %get3A_799 = arith.index_cast %add3A_791 : i32 to index
      %get3A_800 = tpu.vector_load %arg6[%get3A_799] {strides = array<i32>} : memref<80xi32, #tpu.memory_space<vmem>>, vector<16xi32>,
      %get3A_801 = vector.shape_cast %get3A_800 : vector<16xi32> to vector<16xi32>
      %sub3A_802 = arith.constant 1 : i32
      %sub3A_803 = vector.broadcast %sub3A_802 : i32 to vector<16xi32>
      %sub3A_804 = arith.subi %sub3A_803, %mul3A_798 : vector<16xi32>
      %mul3A_805 = arith.muli %get3A_801, %sub3A_804 : vector<16xi32>
      %mul3A_806 = arith.constant 34 : i32
      %mul3A_807 = vector.broadcast %mul3A_806 : i32 to vector<16xi32>
      %mul3A_808 = arith.muli %mul3A_807, %mul3A_798 : vector<16xi32>
      %add3A_809 = arith.addi %mul3A_805, %mul3A_808 : vector<16xi32>
      %swap3A_810 = arith.index_cast %add3A_791 : i32 to index
      %swap3A_811 = tpu.vector_load %arg6[%swap3A_810] {strides = array<i32>} : memref<80xi32, #tpu.memory_space<vmem>>, vector<16xi32>,
      %swap3A_812 = vector.shape_cast %swap3A_811 : vector<16xi32> to vector<16xi32>
      %swap3A_813 = vector.shape_cast %add3A_809 : vector<16xi32> to vector<16xi32>
      tpu.vector_store %arg6[%swap3A_810], %swap3A_813 {strides = array<i32>} : memref<80xi32, #tpu.memory_space<vmem>>, vector<16xi32>,
      %add3A_814 = arith.addi %add3A_791, %squeeze3A_796 : i32
      %get3A_815 = arith.constant 35 : index
      %get3A_816 = tpu.vector_load %arg5[%get3A_815] {strides = array<i32>} : memref<80xi32, #tpu.memory_space<vmem>>, vector<16xi32>,
      %get3A_817 = vector.shape_cast %get3A_816 : vector<16xi32> to vector<16xi32>
      %slice3A_818 = vector.extract_strided_slice %get3A_817 {offsets = [0], sizes = [1], strides = [1]} : vector<16xi32> to vector<1xi32>
      %squeeze3A_819 = vector.extract %slice3A_818[0] : i32 from vector<1xi32>
      %mul3A_820 = vector.broadcast %squeeze3A_819 : i32 to vector<16xi32>
      %mul3A_821 = arith.muli %max3A_11, %mul3A_820 : vector<16xi32>
      %get3A_822 = arith.index_cast %add3A_814 : i32 to index
      %get3A_823 = tpu.vector_load %arg6[%get3A_822] {strides = array<i32>} : memref<80xi32, #tpu.memory_space<vmem>>, vector<16xi32>,
      %get3A_824 = vector.shape_cast %get3A_823 : vector<16xi32> to vector<16xi32>
      %sub3A_825 = arith.constant 1 : i32
      %sub3A_826 = vector.broadcast %sub3A_825 : i32 to vector<16xi32>
      %sub3A_827 = arith.subi %sub3A_826, %mul3A_821 : vector<16xi32>
      %mul3A_828 = arith.muli %get3A_824, %sub3A_827 : vector<16xi32>
      %mul3A_829 = arith.constant 35 : i32
      %mul3A_830 = vector.broadcast %mul3A_829 : i32 to vector<16xi32>
      %mul3A_831 = arith.muli %mul3A_830, %mul3A_821 : vector<16xi32>
      %add3A_832 = arith.addi %mul3A_828, %mul3A_831 : vector<16xi32>
      %swap3A_833 = arith.index_cast %add3A_814 : i32 to index
      %swap3A_834 = tpu.vector_load %arg6[%swap3A_833] {strides = array<i32>} : memref<80xi32, #tpu.memory_space<vmem>>, vector<16xi32>,
      %swap3A_835 = vector.shape_cast %swap3A_834 : vector<16xi32> to vector<16xi32>
      %swap3A_836 = vector.shape_cast %add3A_832 : vector<16xi32> to vector<16xi32>
      tpu.vector_store %arg6[%swap3A_833], %swap3A_836 {strides = array<i32>} : memref<80xi32, #tpu.memory_space<vmem>>, vector<16xi32>,
      %add3A_837 = arith.addi %add3A_814, %squeeze3A_819 : i32
      %get3A_838 = arith.constant 36 : index
      %get3A_839 = tpu.vector_load %arg5[%get3A_838] {strides = array<i32>} : memref<80xi32, #tpu.memory_space<vmem>>, vector<16xi32>,
      %get3A_840 = vector.shape_cast %get3A_839 : vector<16xi32> to vector<16xi32>
      %slice3A_841 = vector.extract_strided_slice %get3A_840 {offsets = [0], sizes = [1], strides = [1]} : vector<16xi32> to vector<1xi32>
      %squeeze3A_842 = vector.extract %slice3A_841[0] : i32 from vector<1xi32>
      %mul3A_843 = vector.broadcast %squeeze3A_842 : i32 to vector<16xi32>
      %mul3A_844 = arith.muli %max3A_11, %mul3A_843 : vector<16xi32>
      %get3A_845 = arith.index_cast %add3A_837 : i32 to index
      %get3A_846 = tpu.vector_load %arg6[%get3A_845] {strides = array<i32>} : memref<80xi32, #tpu.memory_space<vmem>>, vector<16xi32>,
      %get3A_847 = vector.shape_cast %get3A_846 : vector<16xi32> to vector<16xi32>
      %sub3A_848 = arith.constant 1 : i32
      %sub3A_849 = vector.broadcast %sub3A_848 : i32 to vector<16xi32>
      %sub3A_850 = arith.subi %sub3A_849, %mul3A_844 : vector<16xi32>
      %mul3A_851 = arith.muli %get3A_847, %sub3A_850 : vector<16xi32>
      %mul3A_852 = arith.constant 36 : i32
      %mul3A_853 = vector.broadcast %mul3A_852 : i32 to vector<16xi32>
      %mul3A_854 = arith.muli %mul3A_853, %mul3A_844 : vector<16xi32>
      %add3A_855 = arith.addi %mul3A_851, %mul3A_854 : vector<16xi32>
      %swap3A_856 = arith.index_cast %add3A_837 : i32 to index
      %swap3A_857 = tpu.vector_load %arg6[%swap3A_856] {strides = array<i32>} : memref<80xi32, #tpu.memory_space<vmem>>, vector<16xi32>,
      %swap3A_858 = vector.shape_cast %swap3A_857 : vector<16xi32> to vector<16xi32>
      %swap3A_859 = vector.shape_cast %add3A_855 : vector<16xi32> to vector<16xi32>
      tpu.vector_store %arg6[%swap3A_856], %swap3A_859 {strides = array<i32>} : memref<80xi32, #tpu.memory_space<vmem>>, vector<16xi32>,
      %add3A_860 = arith.addi %add3A_837, %squeeze3A_842 : i32
      %get3A_861 = arith.constant 37 : index
      %get3A_862 = tpu.vector_load %arg5[%get3A_861] {strides = array<i32>} : memref<80xi32, #tpu.memory_space<vmem>>, vector<16xi32>,
      %get3A_863 = vector.shape_cast %get3A_862 : vector<16xi32> to vector<16xi32>
      %slice3A_864 = vector.extract_strided_slice %get3A_863 {offsets = [0], sizes = [1], strides = [1]} : vector<16xi32> to vector<1xi32>
      %squeeze3A_865 = vector.extract %slice3A_864[0] : i32 from vector<1xi32>
      %mul3A_866 = vector.broadcast %squeeze3A_865 : i32 to vector<16xi32>
      %mul3A_867 = arith.muli %max3A_11, %mul3A_866 : vector<16xi32>
      %get3A_868 = arith.index_cast %add3A_860 : i32 to index
      %get3A_869 = tpu.vector_load %arg6[%get3A_868] {strides = array<i32>} : memref<80xi32, #tpu.memory_space<vmem>>, vector<16xi32>,
      %get3A_870 = vector.shape_cast %get3A_869 : vector<16xi32> to vector<16xi32>
      %sub3A_871 = arith.constant 1 : i32
      %sub3A_872 = vector.broadcast %sub3A_871 : i32 to vector<16xi32>
      %sub3A_873 = arith.subi %sub3A_872, %mul3A_867 : vector<16xi32>
      %mul3A_874 = arith.muli %get3A_870, %sub3A_873 : vector<16xi32>
      %mul3A_875 = arith.constant 37 : i32
      %mul3A_876 = vector.broadcast %mul3A_875 : i32 to vector<16xi32>
      %mul3A_877 = arith.muli %mul3A_876, %mul3A_867 : vector<16xi32>
      %add3A_878 = arith.addi %mul3A_874, %mul3A_877 : vector<16xi32>
      %swap3A_879 = arith.index_cast %add3A_860 : i32 to index
      %swap3A_880 = tpu.vector_load %arg6[%swap3A_879] {strides = array<i32>} : memref<80xi32, #tpu.memory_space<vmem>>, vector<16xi32>,
      %swap3A_881 = vector.shape_cast %swap3A_880 : vector<16xi32> to vector<16xi32>
      %swap3A_882 = vector.shape_cast %add3A_878 : vector<16xi32> to vector<16xi32>
      tpu.vector_store %arg6[%swap3A_879], %swap3A_882 {strides = array<i32>} : memref<80xi32, #tpu.memory_space<vmem>>, vector<16xi32>,
      %add3A_883 = arith.addi %add3A_860, %squeeze3A_865 : i32
      %get3A_884 = arith.constant 38 : index
      %get3A_885 = tpu.vector_load %arg5[%get3A_884] {strides = array<i32>} : memref<80xi32, #tpu.memory_space<vmem>>, vector<16xi32>,
      %get3A_886 = vector.shape_cast %get3A_885 : vector<16xi32> to vector<16xi32>
      %slice3A_887 = vector.extract_strided_slice %get3A_886 {offsets = [0], sizes = [1], strides = [1]} : vector<16xi32> to vector<1xi32>
      %squeeze3A_888 = vector.extract %slice3A_887[0] : i32 from vector<1xi32>
      %mul3A_889 = vector.broadcast %squeeze3A_888 : i32 to vector<16xi32>
      %mul3A_890 = arith.muli %max3A_11, %mul3A_889 : vector<16xi32>
      %get3A_891 = arith.index_cast %add3A_883 : i32 to index
      %get3A_892 = tpu.vector_load %arg6[%get3A_891] {strides = array<i32>} : memref<80xi32, #tpu.memory_space<vmem>>, vector<16xi32>,
      %get3A_893 = vector.shape_cast %get3A_892 : vector<16xi32> to vector<16xi32>
      %sub3A_894 = arith.constant 1 : i32
      %sub3A_895 = vector.broadcast %sub3A_894 : i32 to vector<16xi32>
      %sub3A_896 = arith.subi %sub3A_895, %mul3A_890 : vector<16xi32>
      %mul3A_897 = arith.muli %get3A_893, %sub3A_896 : vector<16xi32>
      %mul3A_898 = arith.constant 38 : i32
      %mul3A_899 = vector.broadcast %mul3A_898 : i32 to vector<16xi32>
      %mul3A_900 = arith.muli %mul3A_899, %mul3A_890 : vector<16xi32>
      %add3A_901 = arith.addi %mul3A_897, %mul3A_900 : vector<16xi32>
      %swap3A_902 = arith.index_cast %add3A_883 : i32 to index
      %swap3A_903 = tpu.vector_load %arg6[%swap3A_902] {strides = array<i32>} : memref<80xi32, #tpu.memory_space<vmem>>, vector<16xi32>,
      %swap3A_904 = vector.shape_cast %swap3A_903 : vector<16xi32> to vector<16xi32>
      %swap3A_905 = vector.shape_cast %add3A_901 : vector<16xi32> to vector<16xi32>
      tpu.vector_store %arg6[%swap3A_902], %swap3A_905 {strides = array<i32>} : memref<80xi32, #tpu.memory_space<vmem>>, vector<16xi32>,
      %add3A_906 = arith.addi %add3A_883, %squeeze3A_888 : i32
      %get3A_907 = arith.constant 39 : index
      %get3A_908 = tpu.vector_load %arg5[%get3A_907] {strides = array<i32>} : memref<80xi32, #tpu.memory_space<vmem>>, vector<16xi32>,
      %get3A_909 = vector.shape_cast %get3A_908 : vector<16xi32> to vector<16xi32>
      %slice3A_910 = vector.extract_strided_slice %get3A_909 {offsets = [0], sizes = [1], strides = [1]} : vector<16xi32> to vector<1xi32>
      %squeeze3A_911 = vector.extract %slice3A_910[0] : i32 from vector<1xi32>
      %mul3A_912 = vector.broadcast %squeeze3A_911 : i32 to vector<16xi32>
      %mul3A_913 = arith.muli %max3A_11, %mul3A_912 : vector<16xi32>
      %get3A_914 = arith.index_cast %add3A_906 : i32 to index
      %get3A_915 = tpu.vector_load %arg6[%get3A_914] {strides = array<i32>} : memref<80xi32, #tpu.memory_space<vmem>>, vector<16xi32>,
      %get3A_916 = vector.shape_cast %get3A_915 : vector<16xi32> to vector<16xi32>
      %sub3A_917 = arith.constant 1 : i32
      %sub3A_918 = vector.broadcast %sub3A_917 : i32 to vector<16xi32>
      %sub3A_919 = arith.subi %sub3A_918, %mul3A_913 : vector<16xi32>
      %mul3A_920 = arith.muli %get3A_916, %sub3A_919 : vector<16xi32>
      %mul3A_921 = arith.constant 39 : i32
      %mul3A_922 = vector.broadcast %mul3A_921 : i32 to vector<16xi32>
      %mul3A_923 = arith.muli %mul3A_922, %mul3A_913 : vector<16xi32>
      %add3A_924 = arith.addi %mul3A_920, %mul3A_923 : vector<16xi32>
      %swap3A_925 = arith.index_cast %add3A_906 : i32 to index
      %swap3A_926 = tpu.vector_load %arg6[%swap3A_925] {strides = array<i32>} : memref<80xi32, #tpu.memory_space<vmem>>, vector<16xi32>,
      %swap3A_927 = vector.shape_cast %swap3A_926 : vector<16xi32> to vector<16xi32>
      %swap3A_928 = vector.shape_cast %add3A_924 : vector<16xi32> to vector<16xi32>
      tpu.vector_store %arg6[%swap3A_925], %swap3A_928 {strides = array<i32>} : memref<80xi32, #tpu.memory_space<vmem>>, vector<16xi32>,
      %add3A_929 = arith.addi %add3A_906, %squeeze3A_911 : i32
      %get3A_930 = arith.constant 40 : index
      %get3A_931 = tpu.vector_load %arg5[%get3A_930] {strides = array<i32>} : memref<80xi32, #tpu.memory_space<vmem>>, vector<16xi32>,
      %get3A_932 = vector.shape_cast %get3A_931 : vector<16xi32> to vector<16xi32>
      %slice3A_933 = vector.extract_strided_slice %get3A_932 {offsets = [0], sizes = [1], strides = [1]} : vector<16xi32> to vector<1xi32>
      %squeeze3A_934 = vector.extract %slice3A_933[0] : i32 from vector<1xi32>
      %mul3A_935 = vector.broadcast %squeeze3A_934 : i32 to vector<16xi32>
      %mul3A_936 = arith.muli %max3A_11, %mul3A_935 : vector<16xi32>
      %get3A_937 = arith.index_cast %add3A_929 : i32 to index
      %get3A_938 = tpu.vector_load %arg6[%get3A_937] {strides = array<i32>} : memref<80xi32, #tpu.memory_space<vmem>>, vector<16xi32>,
      %get3A_939 = vector.shape_cast %get3A_938 : vector<16xi32> to vector<16xi32>
      %sub3A_940 = arith.constant 1 : i32
      %sub3A_941 = vector.broadcast %sub3A_940 : i32 to vector<16xi32>
      %sub3A_942 = arith.subi %sub3A_941, %mul3A_936 : vector<16xi32>
      %mul3A_943 = arith.muli %get3A_939, %sub3A_942 : vector<16xi32>
      %mul3A_944 = arith.constant 40 : i32
      %mul3A_945 = vector.broadcast %mul3A_944 : i32 to vector<16xi32>
      %mul3A_946 = arith.muli %mul3A_945, %mul3A_936 : vector<16xi32>
      %add3A_947 = arith.addi %mul3A_943, %mul3A_946 : vector<16xi32>
      %swap3A_948 = arith.index_cast %add3A_929 : i32 to index
      %swap3A_949 = tpu.vector_load %arg6[%swap3A_948] {strides = array<i32>} : memref<80xi32, #tpu.memory_space<vmem>>, vector<16xi32>,
      %swap3A_950 = vector.shape_cast %swap3A_949 : vector<16xi32> to vector<16xi32>
      %swap3A_951 = vector.shape_cast %add3A_947 : vector<16xi32> to vector<16xi32>
      tpu.vector_store %arg6[%swap3A_948], %swap3A_951 {strides = array<i32>} : memref<80xi32, #tpu.memory_space<vmem>>, vector<16xi32>,
      %add3A_952 = arith.addi %add3A_929, %squeeze3A_934 : i32
      %get3A_953 = arith.constant 41 : index
      %get3A_954 = tpu.vector_load %arg5[%get3A_953] {strides = array<i32>} : memref<80xi32, #tpu.memory_space<vmem>>, vector<16xi32>,
      %get3A_955 = vector.shape_cast %get3A_954 : vector<16xi32> to vector<16xi32>
      %slice3A_956 = vector.extract_strided_slice %get3A_955 {offsets = [0], sizes = [1], strides = [1]} : vector<16xi32> to vector<1xi32>
      %squeeze3A_957 = vector.extract %slice3A_956[0] : i32 from vector<1xi32>
      %mul3A_958 = vector.broadcast %squeeze3A_957 : i32 to vector<16xi32>
      %mul3A_959 = arith.muli %max3A_11, %mul3A_958 : vector<16xi32>
      %get3A_960 = arith.index_cast %add3A_952 : i32 to index
      %get3A_961 = tpu.vector_load %arg6[%get3A_960] {strides = array<i32>} : memref<80xi32, #tpu.memory_space<vmem>>, vector<16xi32>,
      %get3A_962 = vector.shape_cast %get3A_961 : vector<16xi32> to vector<16xi32>
      %sub3A_963 = arith.constant 1 : i32
      %sub3A_964 = vector.broadcast %sub3A_963 : i32 to vector<16xi32>
      %sub3A_965 = arith.subi %sub3A_964, %mul3A_959 : vector<16xi32>
      %mul3A_966 = arith.muli %get3A_962, %sub3A_965 : vector<16xi32>
      %mul3A_967 = arith.constant 41 : i32
      %mul3A_968 = vector.broadcast %mul3A_967 : i32 to vector<16xi32>
      %mul3A_969 = arith.muli %mul3A_968, %mul3A_959 : vector<16xi32>
      %add3A_970 = arith.addi %mul3A_966, %mul3A_969 : vector<16xi32>
      %swap3A_971 = arith.index_cast %add3A_952 : i32 to index
      %swap3A_972 = tpu.vector_load %arg6[%swap3A_971] {strides = array<i32>} : memref<80xi32, #tpu.memory_space<vmem>>, vector<16xi32>,
      %swap3A_973 = vector.shape_cast %swap3A_972 : vector<16xi32> to vector<16xi32>
      %swap3A_974 = vector.shape_cast %add3A_970 : vector<16xi32> to vector<16xi32>
      tpu.vector_store %arg6[%swap3A_971], %swap3A_974 {strides = array<i32>} : memref<80xi32, #tpu.memory_space<vmem>>, vector<16xi32>,
      %add3A_975 = arith.addi %add3A_952, %squeeze3A_957 : i32
      %get3A_976 = arith.constant 42 : index
      %get3A_977 = tpu.vector_load %arg5[%get3A_976] {strides = array<i32>} : memref<80xi32, #tpu.memory_space<vmem>>, vector<16xi32>,
      %get3A_978 = vector.shape_cast %get3A_977 : vector<16xi32> to vector<16xi32>
      %slice3A_979 = vector.extract_strided_slice %get3A_978 {offsets = [0], sizes = [1], strides = [1]} : vector<16xi32> to vector<1xi32>
      %squeeze3A_980 = vector.extract %slice3A_979[0] : i32 from vector<1xi32>
      %mul3A_981 = vector.broadcast %squeeze3A_980 : i32 to vector<16xi32>
      %mul3A_982 = arith.muli %max3A_11, %mul3A_981 : vector<16xi32>
      %get3A_983 = arith.index_cast %add3A_975 : i32 to index
      %get3A_984 = tpu.vector_load %arg6[%get3A_983] {strides = array<i32>} : memref<80xi32, #tpu.memory_space<vmem>>, vector<16xi32>,
      %get3A_985 = vector.shape_cast %get3A_984 : vector<16xi32> to vector<16xi32>
      %sub3A_986 = arith.constant 1 : i32
      %sub3A_987 = vector.broadcast %sub3A_986 : i32 to vector<16xi32>
      %sub3A_988 = arith.subi %sub3A_987, %mul3A_982 : vector<16xi32>
      %mul3A_989 = arith.muli %get3A_985, %sub3A_988 : vector<16xi32>
      %mul3A_990 = arith.constant 42 : i32
      %mul3A_991 = vector.broadcast %mul3A_990 : i32 to vector<16xi32>
      %mul3A_992 = arith.muli %mul3A_991, %mul3A_982 : vector<16xi32>
      %add3A_993 = arith.addi %mul3A_989, %mul3A_992 : vector<16xi32>
      %swap3A_994 = arith.index_cast %add3A_975 : i32 to index
      %swap3A_995 = tpu.vector_load %arg6[%swap3A_994] {strides = array<i32>} : memref<80xi32, #tpu.memory_space<vmem>>, vector<16xi32>,
      %swap3A_996 = vector.shape_cast %swap3A_995 : vector<16xi32> to vector<16xi32>
      %swap3A_997 = vector.shape_cast %add3A_993 : vector<16xi32> to vector<16xi32>
      tpu.vector_store %arg6[%swap3A_994], %swap3A_997 {strides = array<i32>} : memref<80xi32, #tpu.memory_space<vmem>>, vector<16xi32>,
      %add3A_998 = arith.addi %add3A_975, %squeeze3A_980 : i32
      %get3A_999 = arith.constant 43 : index
      %get3A_1000 = tpu.vector_load %arg5[%get3A_999] {strides = array<i32>} : memref<80xi32, #tpu.memory_space<vmem>>, vector<16xi32>,
      %get3A_1001 = vector.shape_cast %get3A_1000 : vector<16xi32> to vector<16xi32>
      %slice3A_1002 = vector.extract_strided_slice %get3A_1001 {offsets = [0], sizes = [1], strides = [1]} : vector<16xi32> to vector<1xi32>
      %squeeze3A_1003 = vector.extract %slice3A_1002[0] : i32 from vector<1xi32>
      %mul3A_1004 = vector.broadcast %squeeze3A_1003 : i32 to vector<16xi32>
      %mul3A_1005 = arith.muli %max3A_11, %mul3A_1004 : vector<16xi32>
      %get3A_1006 = arith.index_cast %add3A_998 : i32 to index
      %get3A_1007 = tpu.vector_load %arg6[%get3A_1006] {strides = array<i32>} : memref<80xi32, #tpu.memory_space<vmem>>, vector<16xi32>,
      %get3A_1008 = vector.shape_cast %get3A_1007 : vector<16xi32> to vector<16xi32>
      %sub3A_1009 = arith.constant 1 : i32
      %sub3A_1010 = vector.broadcast %sub3A_1009 : i32 to vector<16xi32>
      %sub3A_1011 = arith.subi %sub3A_1010, %mul3A_1005 : vector<16xi32>
      %mul3A_1012 = arith.muli %get3A_1008, %sub3A_1011 : vector<16xi32>
      %mul3A_1013 = arith.constant 43 : i32
      %mul3A_1014 = vector.broadcast %mul3A_1013 : i32 to vector<16xi32>
      %mul3A_1015 = arith.muli %mul3A_1014, %mul3A_1005 : vector<16xi32>
      %add3A_1016 = arith.addi %mul3A_1012, %mul3A_1015 : vector<16xi32>
      %swap3A_1017 = arith.index_cast %add3A_998 : i32 to index
      %swap3A_1018 = tpu.vector_load %arg6[%swap3A_1017] {strides = array<i32>} : memref<80xi32, #tpu.memory_space<vmem>>, vector<16xi32>,
      %swap3A_1019 = vector.shape_cast %swap3A_1018 : vector<16xi32> to vector<16xi32>
      %swap3A_1020 = vector.shape_cast %add3A_1016 : vector<16xi32> to vector<16xi32>
      tpu.vector_store %arg6[%swap3A_1017], %swap3A_1020 {strides = array<i32>} : memref<80xi32, #tpu.memory_space<vmem>>, vector<16xi32>,
      %add3A_1021 = arith.addi %add3A_998, %squeeze3A_1003 : i32
      %get3A_1022 = arith.constant 44 : index
      %get3A_1023 = tpu.vector_load %arg5[%get3A_1022] {strides = array<i32>} : memref<80xi32, #tpu.memory_space<vmem>>, vector<16xi32>,
      %get3A_1024 = vector.shape_cast %get3A_1023 : vector<16xi32> to vector<16xi32>
      %slice3A_1025 = vector.extract_strided_slice %get3A_1024 {offsets = [0], sizes = [1], strides = [1]} : vector<16xi32> to vector<1xi32>
      %squeeze3A_1026 = vector.extract %slice3A_1025[0] : i32 from vector<1xi32>
      %mul3A_1027 = vector.broadcast %squeeze3A_1026 : i32 to vector<16xi32>
      %mul3A_1028 = arith.muli %max3A_11, %mul3A_1027 : vector<16xi32>
      %get3A_1029 = arith.index_cast %add3A_1021 : i32 to index
      %get3A_1030 = tpu.vector_load %arg6[%get3A_1029] {strides = array<i32>} : memref<80xi32, #tpu.memory_space<vmem>>, vector<16xi32>,
      %get3A_1031 = vector.shape_cast %get3A_1030 : vector<16xi32> to vector<16xi32>
      %sub3A_1032 = arith.constant 1 : i32
      %sub3A_1033 = vector.broadcast %sub3A_1032 : i32 to vector<16xi32>
      %sub3A_1034 = arith.subi %sub3A_1033, %mul3A_1028 : vector<16xi32>
      %mul3A_1035 = arith.muli %get3A_1031, %sub3A_1034 : vector<16xi32>
      %mul3A_1036 = arith.constant 44 : i32
      %mul3A_1037 = vector.broadcast %mul3A_1036 : i32 to vector<16xi32>
      %mul3A_1038 = arith.muli %mul3A_1037, %mul3A_1028 : vector<16xi32>
      %add3A_1039 = arith.addi %mul3A_1035, %mul3A_1038 : vector<16xi32>
      %swap3A_1040 = arith.index_cast %add3A_1021 : i32 to index
      %swap3A_1041 = tpu.vector_load %arg6[%swap3A_1040] {strides = array<i32>} : memref<80xi32, #tpu.memory_space<vmem>>, vector<16xi32>,
      %swap3A_1042 = vector.shape_cast %swap3A_1041 : vector<16xi32> to vector<16xi32>
      %swap3A_1043 = vector.shape_cast %add3A_1039 : vector<16xi32> to vector<16xi32>
      tpu.vector_store %arg6[%swap3A_1040], %swap3A_1043 {strides = array<i32>} : memref<80xi32, #tpu.memory_space<vmem>>, vector<16xi32>,
      %add3A_1044 = arith.addi %add3A_1021, %squeeze3A_1026 : i32
      %get3A_1045 = arith.constant 45 : index
      %get3A_1046 = tpu.vector_load %arg5[%get3A_1045] {strides = array<i32>} : memref<80xi32, #tpu.memory_space<vmem>>, vector<16xi32>,
      %get3A_1047 = vector.shape_cast %get3A_1046 : vector<16xi32> to vector<16xi32>
      %slice3A_1048 = vector.extract_strided_slice %get3A_1047 {offsets = [0], sizes = [1], strides = [1]} : vector<16xi32> to vector<1xi32>
      %squeeze3A_1049 = vector.extract %slice3A_1048[0] : i32 from vector<1xi32>
      %mul3A_1050 = vector.broadcast %squeeze3A_1049 : i32 to vector<16xi32>
      %mul3A_1051 = arith.muli %max3A_11, %mul3A_1050 : vector<16xi32>
      %get3A_1052 = arith.index_cast %add3A_1044 : i32 to index
      %get3A_1053 = tpu.vector_load %arg6[%get3A_1052] {strides = array<i32>} : memref<80xi32, #tpu.memory_space<vmem>>, vector<16xi32>,
      %get3A_1054 = vector.shape_cast %get3A_1053 : vector<16xi32> to vector<16xi32>
      %sub3A_1055 = arith.constant 1 : i32
      %sub3A_1056 = vector.broadcast %sub3A_1055 : i32 to vector<16xi32>
      %sub3A_1057 = arith.subi %sub3A_1056, %mul3A_1051 : vector<16xi32>
      %mul3A_1058 = arith.muli %get3A_1054, %sub3A_1057 : vector<16xi32>
      %mul3A_1059 = arith.constant 45 : i32
      %mul3A_1060 = vector.broadcast %mul3A_1059 : i32 to vector<16xi32>
      %mul3A_1061 = arith.muli %mul3A_1060, %mul3A_1051 : vector<16xi32>
      %add3A_1062 = arith.addi %mul3A_1058, %mul3A_1061 : vector<16xi32>
      %swap3A_1063 = arith.index_cast %add3A_1044 : i32 to index
      %swap3A_1064 = tpu.vector_load %arg6[%swap3A_1063] {strides = array<i32>} : memref<80xi32, #tpu.memory_space<vmem>>, vector<16xi32>,
      %swap3A_1065 = vector.shape_cast %swap3A_1064 : vector<16xi32> to vector<16xi32>
      %swap3A_1066 = vector.shape_cast %add3A_1062 : vector<16xi32> to vector<16xi32>
      tpu.vector_store %arg6[%swap3A_1063], %swap3A_1066 {strides = array<i32>} : memref<80xi32, #tpu.memory_space<vmem>>, vector<16xi32>,
      %add3A_1067 = arith.addi %add3A_1044, %squeeze3A_1049 : i32
      %get3A_1068 = arith.constant 46 : index
      %get3A_1069 = tpu.vector_load %arg5[%get3A_1068] {strides = array<i32>} : memref<80xi32, #tpu.memory_space<vmem>>, vector<16xi32>,
      %get3A_1070 = vector.shape_cast %get3A_1069 : vector<16xi32> to vector<16xi32>
      %slice3A_1071 = vector.extract_strided_slice %get3A_1070 {offsets = [0], sizes = [1], strides = [1]} : vector<16xi32> to vector<1xi32>
      %squeeze3A_1072 = vector.extract %slice3A_1071[0] : i32 from vector<1xi32>
      %mul3A_1073 = vector.broadcast %squeeze3A_1072 : i32 to vector<16xi32>
      %mul3A_1074 = arith.muli %max3A_11, %mul3A_1073 : vector<16xi32>
      %get3A_1075 = arith.index_cast %add3A_1067 : i32 to index
      %get3A_1076 = tpu.vector_load %arg6[%get3A_1075] {strides = array<i32>} : memref<80xi32, #tpu.memory_space<vmem>>, vector<16xi32>,
      %get3A_1077 = vector.shape_cast %get3A_1076 : vector<16xi32> to vector<16xi32>
      %sub3A_1078 = arith.constant 1 : i32
      %sub3A_1079 = vector.broadcast %sub3A_1078 : i32 to vector<16xi32>
      %sub3A_1080 = arith.subi %sub3A_1079, %mul3A_1074 : vector<16xi32>
      %mul3A_1081 = arith.muli %get3A_1077, %sub3A_1080 : vector<16xi32>
      %mul3A_1082 = arith.constant 46 : i32
      %mul3A_1083 = vector.broadcast %mul3A_1082 : i32 to vector<16xi32>
      %mul3A_1084 = arith.muli %mul3A_1083, %mul3A_1074 : vector<16xi32>
      %add3A_1085 = arith.addi %mul3A_1081, %mul3A_1084 : vector<16xi32>
      %swap3A_1086 = arith.index_cast %add3A_1067 : i32 to index
      %swap3A_1087 = tpu.vector_load %arg6[%swap3A_1086] {strides = array<i32>} : memref<80xi32, #tpu.memory_space<vmem>>, vector<16xi32>,
      %swap3A_1088 = vector.shape_cast %swap3A_1087 : vector<16xi32> to vector<16xi32>
      %swap3A_1089 = vector.shape_cast %add3A_1085 : vector<16xi32> to vector<16xi32>
      tpu.vector_store %arg6[%swap3A_1086], %swap3A_1089 {strides = array<i32>} : memref<80xi32, #tpu.memory_space<vmem>>, vector<16xi32>,
      %add3A_1090 = arith.addi %add3A_1067, %squeeze3A_1072 : i32
      %get3A_1091 = arith.constant 47 : index
      %get3A_1092 = tpu.vector_load %arg5[%get3A_1091] {strides = array<i32>} : memref<80xi32, #tpu.memory_space<vmem>>, vector<16xi32>,
      %get3A_1093 = vector.shape_cast %get3A_1092 : vector<16xi32> to vector<16xi32>
      %slice3A_1094 = vector.extract_strided_slice %get3A_1093 {offsets = [0], sizes = [1], strides = [1]} : vector<16xi32> to vector<1xi32>
      %squeeze3A_1095 = vector.extract %slice3A_1094[0] : i32 from vector<1xi32>
      %mul3A_1096 = vector.broadcast %squeeze3A_1095 : i32 to vector<16xi32>
      %mul3A_1097 = arith.muli %max3A_11, %mul3A_1096 : vector<16xi32>
      %get3A_1098 = arith.index_cast %add3A_1090 : i32 to index
      %get3A_1099 = tpu.vector_load %arg6[%get3A_1098] {strides = array<i32>} : memref<80xi32, #tpu.memory_space<vmem>>, vector<16xi32>,
      %get3A_1100 = vector.shape_cast %get3A_1099 : vector<16xi32> to vector<16xi32>
      %sub3A_1101 = arith.constant 1 : i32
      %sub3A_1102 = vector.broadcast %sub3A_1101 : i32 to vector<16xi32>
      %sub3A_1103 = arith.subi %sub3A_1102, %mul3A_1097 : vector<16xi32>
      %mul3A_1104 = arith.muli %get3A_1100, %sub3A_1103 : vector<16xi32>
      %mul3A_1105 = arith.constant 47 : i32
      %mul3A_1106 = vector.broadcast %mul3A_1105 : i32 to vector<16xi32>
      %mul3A_1107 = arith.muli %mul3A_1106, %mul3A_1097 : vector<16xi32>
      %add3A_1108 = arith.addi %mul3A_1104, %mul3A_1107 : vector<16xi32>
      %swap3A_1109 = arith.index_cast %add3A_1090 : i32 to index
      %swap3A_1110 = tpu.vector_load %arg6[%swap3A_1109] {strides = array<i32>} : memref<80xi32, #tpu.memory_space<vmem>>, vector<16xi32>,
      %swap3A_1111 = vector.shape_cast %swap3A_1110 : vector<16xi32> to vector<16xi32>
      %swap3A_1112 = vector.shape_cast %add3A_1108 : vector<16xi32> to vector<16xi32>
      tpu.vector_store %arg6[%swap3A_1109], %swap3A_1112 {strides = array<i32>} : memref<80xi32, #tpu.memory_space<vmem>>, vector<16xi32>,
      %add3A_1113 = arith.addi %add3A_1090, %squeeze3A_1095 : i32
      %get3A_1114 = arith.constant 48 : index
      %get3A_1115 = tpu.vector_load %arg5[%get3A_1114] {strides = array<i32>} : memref<80xi32, #tpu.memory_space<vmem>>, vector<16xi32>,
      %get3A_1116 = vector.shape_cast %get3A_1115 : vector<16xi32> to vector<16xi32>
      %slice3A_1117 = vector.extract_strided_slice %get3A_1116 {offsets = [0], sizes = [1], strides = [1]} : vector<16xi32> to vector<1xi32>
      %squeeze3A_1118 = vector.extract %slice3A_1117[0] : i32 from vector<1xi32>
      %mul3A_1119 = vector.broadcast %squeeze3A_1118 : i32 to vector<16xi32>
      %mul3A_1120 = arith.muli %max3A_11, %mul3A_1119 : vector<16xi32>
      %get3A_1121 = arith.index_cast %add3A_1113 : i32 to index
      %get3A_1122 = tpu.vector_load %arg6[%get3A_1121] {strides = array<i32>} : memref<80xi32, #tpu.memory_space<vmem>>, vector<16xi32>,
      %get3A_1123 = vector.shape_cast %get3A_1122 : vector<16xi32> to vector<16xi32>
      %sub3A_1124 = arith.constant 1 : i32
      %sub3A_1125 = vector.broadcast %sub3A_1124 : i32 to vector<16xi32>
      %sub3A_1126 = arith.subi %sub3A_1125, %mul3A_1120 : vector<16xi32>
      %mul3A_1127 = arith.muli %get3A_1123, %sub3A_1126 : vector<16xi32>
      %mul3A_1128 = arith.constant 48 : i32
      %mul3A_1129 = vector.broadcast %mul3A_1128 : i32 to vector<16xi32>
      %mul3A_1130 = arith.muli %mul3A_1129, %mul3A_1120 : vector<16xi32>
      %add3A_1131 = arith.addi %mul3A_1127, %mul3A_1130 : vector<16xi32>
      %swap3A_1132 = arith.index_cast %add3A_1113 : i32 to index
      %swap3A_1133 = tpu.vector_load %arg6[%swap3A_1132] {strides = array<i32>} : memref<80xi32, #tpu.memory_space<vmem>>, vector<16xi32>,
      %swap3A_1134 = vector.shape_cast %swap3A_1133 : vector<16xi32> to vector<16xi32>
      %swap3A_1135 = vector.shape_cast %add3A_1131 : vector<16xi32> to vector<16xi32>
      tpu.vector_store %arg6[%swap3A_1132], %swap3A_1135 {strides = array<i32>} : memref<80xi32, #tpu.memory_space<vmem>>, vector<16xi32>,
      %add3A_1136 = arith.addi %add3A_1113, %squeeze3A_1118 : i32
      %get3A_1137 = arith.constant 49 : index
      %get3A_1138 = tpu.vector_load %arg5[%get3A_1137] {strides = array<i32>} : memref<80xi32, #tpu.memory_space<vmem>>, vector<16xi32>,
      %get3A_1139 = vector.shape_cast %get3A_1138 : vector<16xi32> to vector<16xi32>
      %slice3A_1140 = vector.extract_strided_slice %get3A_1139 {offsets = [0], sizes = [1], strides = [1]} : vector<16xi32> to vector<1xi32>
      %squeeze3A_1141 = vector.extract %slice3A_1140[0] : i32 from vector<1xi32>
      %mul3A_1142 = vector.broadcast %squeeze3A_1141 : i32 to vector<16xi32>
      %mul3A_1143 = arith.muli %max3A_11, %mul3A_1142 : vector<16xi32>
      %get3A_1144 = arith.index_cast %add3A_1136 : i32 to index
      %get3A_1145 = tpu.vector_load %arg6[%get3A_1144] {strides = array<i32>} : memref<80xi32, #tpu.memory_space<vmem>>, vector<16xi32>,
      %get3A_1146 = vector.shape_cast %get3A_1145 : vector<16xi32> to vector<16xi32>
      %sub3A_1147 = arith.constant 1 : i32
      %sub3A_1148 = vector.broadcast %sub3A_1147 : i32 to vector<16xi32>
      %sub3A_1149 = arith.subi %sub3A_1148, %mul3A_1143 : vector<16xi32>
      %mul3A_1150 = arith.muli %get3A_1146, %sub3A_1149 : vector<16xi32>
      %mul3A_1151 = arith.constant 49 : i32
      %mul3A_1152 = vector.broadcast %mul3A_1151 : i32 to vector<16xi32>
      %mul3A_1153 = arith.muli %mul3A_1152, %mul3A_1143 : vector<16xi32>
      %add3A_1154 = arith.addi %mul3A_1150, %mul3A_1153 : vector<16xi32>
      %swap3A_1155 = arith.index_cast %add3A_1136 : i32 to index
      %swap3A_1156 = tpu.vector_load %arg6[%swap3A_1155] {strides = array<i32>} : memref<80xi32, #tpu.memory_space<vmem>>, vector<16xi32>,
      %swap3A_1157 = vector.shape_cast %swap3A_1156 : vector<16xi32> to vector<16xi32>
      %swap3A_1158 = vector.shape_cast %add3A_1154 : vector<16xi32> to vector<16xi32>
      tpu.vector_store %arg6[%swap3A_1155], %swap3A_1158 {strides = array<i32>} : memref<80xi32, #tpu.memory_space<vmem>>, vector<16xi32>,
      %add3A_1159 = arith.addi %add3A_1136, %squeeze3A_1141 : i32
      %get3A_1160 = arith.constant 50 : index
      %get3A_1161 = tpu.vector_load %arg5[%get3A_1160] {strides = array<i32>} : memref<80xi32, #tpu.memory_space<vmem>>, vector<16xi32>,
      %get3A_1162 = vector.shape_cast %get3A_1161 : vector<16xi32> to vector<16xi32>
      %slice3A_1163 = vector.extract_strided_slice %get3A_1162 {offsets = [0], sizes = [1], strides = [1]} : vector<16xi32> to vector<1xi32>
      %squeeze3A_1164 = vector.extract %slice3A_1163[0] : i32 from vector<1xi32>
      %mul3A_1165 = vector.broadcast %squeeze3A_1164 : i32 to vector<16xi32>
      %mul3A_1166 = arith.muli %max3A_11, %mul3A_1165 : vector<16xi32>
      %get3A_1167 = arith.index_cast %add3A_1159 : i32 to index
      %get3A_1168 = tpu.vector_load %arg6[%get3A_1167] {strides = array<i32>} : memref<80xi32, #tpu.memory_space<vmem>>, vector<16xi32>,
      %get3A_1169 = vector.shape_cast %get3A_1168 : vector<16xi32> to vector<16xi32>
      %sub3A_1170 = arith.constant 1 : i32
      %sub3A_1171 = vector.broadcast %sub3A_1170 : i32 to vector<16xi32>
      %sub3A_1172 = arith.subi %sub3A_1171, %mul3A_1166 : vector<16xi32>
      %mul3A_1173 = arith.muli %get3A_1169, %sub3A_1172 : vector<16xi32>
      %mul3A_1174 = arith.constant 50 : i32
      %mul3A_1175 = vector.broadcast %mul3A_1174 : i32 to vector<16xi32>
      %mul3A_1176 = arith.muli %mul3A_1175, %mul3A_1166 : vector<16xi32>
      %add3A_1177 = arith.addi %mul3A_1173, %mul3A_1176 : vector<16xi32>
      %swap3A_1178 = arith.index_cast %add3A_1159 : i32 to index
      %swap3A_1179 = tpu.vector_load %arg6[%swap3A_1178] {strides = array<i32>} : memref<80xi32, #tpu.memory_space<vmem>>, vector<16xi32>,
      %swap3A_1180 = vector.shape_cast %swap3A_1179 : vector<16xi32> to vector<16xi32>
      %swap3A_1181 = vector.shape_cast %add3A_1177 : vector<16xi32> to vector<16xi32>
      tpu.vector_store %arg6[%swap3A_1178], %swap3A_1181 {strides = array<i32>} : memref<80xi32, #tpu.memory_space<vmem>>, vector<16xi32>,
      %add3A_1182 = arith.addi %add3A_1159, %squeeze3A_1164 : i32
      %get3A_1183 = arith.constant 51 : index
      %get3A_1184 = tpu.vector_load %arg5[%get3A_1183] {strides = array<i32>} : memref<80xi32, #tpu.memory_space<vmem>>, vector<16xi32>,
      %get3A_1185 = vector.shape_cast %get3A_1184 : vector<16xi32> to vector<16xi32>
      %slice3A_1186 = vector.extract_strided_slice %get3A_1185 {offsets = [0], sizes = [1], strides = [1]} : vector<16xi32> to vector<1xi32>
      %squeeze3A_1187 = vector.extract %slice3A_1186[0] : i32 from vector<1xi32>
      %mul3A_1188 = vector.broadcast %squeeze3A_1187 : i32 to vector<16xi32>
      %mul3A_1189 = arith.muli %max3A_11, %mul3A_1188 : vector<16xi32>
      %get3A_1190 = arith.index_cast %add3A_1182 : i32 to index
      %get3A_1191 = tpu.vector_load %arg6[%get3A_1190] {strides = array<i32>} : memref<80xi32, #tpu.memory_space<vmem>>, vector<16xi32>,
      %get3A_1192 = vector.shape_cast %get3A_1191 : vector<16xi32> to vector<16xi32>
      %sub3A_1193 = arith.constant 1 : i32
      %sub3A_1194 = vector.broadcast %sub3A_1193 : i32 to vector<16xi32>
      %sub3A_1195 = arith.subi %sub3A_1194, %mul3A_1189 : vector<16xi32>
      %mul3A_1196 = arith.muli %get3A_1192, %sub3A_1195 : vector<16xi32>
      %mul3A_1197 = arith.constant 51 : i32
      %mul3A_1198 = vector.broadcast %mul3A_1197 : i32 to vector<16xi32>
      %mul3A_1199 = arith.muli %mul3A_1198, %mul3A_1189 : vector<16xi32>
      %add3A_1200 = arith.addi %mul3A_1196, %mul3A_1199 : vector<16xi32>
      %swap3A_1201 = arith.index_cast %add3A_1182 : i32 to index
      %swap3A_1202 = tpu.vector_load %arg6[%swap3A_1201] {strides = array<i32>} : memref<80xi32, #tpu.memory_space<vmem>>, vector<16xi32>,
      %swap3A_1203 = vector.shape_cast %swap3A_1202 : vector<16xi32> to vector<16xi32>
      %swap3A_1204 = vector.shape_cast %add3A_1200 : vector<16xi32> to vector<16xi32>
      tpu.vector_store %arg6[%swap3A_1201], %swap3A_1204 {strides = array<i32>} : memref<80xi32, #tpu.memory_space<vmem>>, vector<16xi32>,
      %add3A_1205 = arith.addi %add3A_1182, %squeeze3A_1187 : i32
      %get3A_1206 = arith.constant 52 : index
      %get3A_1207 = tpu.vector_load %arg5[%get3A_1206] {strides = array<i32>} : memref<80xi32, #tpu.memory_space<vmem>>, vector<16xi32>,
      %get3A_1208 = vector.shape_cast %get3A_1207 : vector<16xi32> to vector<16xi32>
      %slice3A_1209 = vector.extract_strided_slice %get3A_1208 {offsets = [0], sizes = [1], strides = [1]} : vector<16xi32> to vector<1xi32>
      %squeeze3A_1210 = vector.extract %slice3A_1209[0] : i32 from vector<1xi32>
      %mul3A_1211 = vector.broadcast %squeeze3A_1210 : i32 to vector<16xi32>
      %mul3A_1212 = arith.muli %max3A_11, %mul3A_1211 : vector<16xi32>
      %get3A_1213 = arith.index_cast %add3A_1205 : i32 to index
      %get3A_1214 = tpu.vector_load %arg6[%get3A_1213] {strides = array<i32>} : memref<80xi32, #tpu.memory_space<vmem>>, vector<16xi32>,
      %get3A_1215 = vector.shape_cast %get3A_1214 : vector<16xi32> to vector<16xi32>
      %sub3A_1216 = arith.constant 1 : i32
      %sub3A_1217 = vector.broadcast %sub3A_1216 : i32 to vector<16xi32>
      %sub3A_1218 = arith.subi %sub3A_1217, %mul3A_1212 : vector<16xi32>
      %mul3A_1219 = arith.muli %get3A_1215, %sub3A_1218 : vector<16xi32>
      %mul3A_1220 = arith.constant 52 : i32
      %mul3A_1221 = vector.broadcast %mul3A_1220 : i32 to vector<16xi32>
      %mul3A_1222 = arith.muli %mul3A_1221, %mul3A_1212 : vector<16xi32>
      %add3A_1223 = arith.addi %mul3A_1219, %mul3A_1222 : vector<16xi32>
      %swap3A_1224 = arith.index_cast %add3A_1205 : i32 to index
      %swap3A_1225 = tpu.vector_load %arg6[%swap3A_1224] {strides = array<i32>} : memref<80xi32, #tpu.memory_space<vmem>>, vector<16xi32>,
      %swap3A_1226 = vector.shape_cast %swap3A_1225 : vector<16xi32> to vector<16xi32>
      %swap3A_1227 = vector.shape_cast %add3A_1223 : vector<16xi32> to vector<16xi32>
      tpu.vector_store %arg6[%swap3A_1224], %swap3A_1227 {strides = array<i32>} : memref<80xi32, #tpu.memory_space<vmem>>, vector<16xi32>,
      %add3A_1228 = arith.addi %add3A_1205, %squeeze3A_1210 : i32
      %get3A_1229 = arith.constant 53 : index
      %get3A_1230 = tpu.vector_load %arg5[%get3A_1229] {strides = array<i32>} : memref<80xi32, #tpu.memory_space<vmem>>, vector<16xi32>,
      %get3A_1231 = vector.shape_cast %get3A_1230 : vector<16xi32> to vector<16xi32>
      %slice3A_1232 = vector.extract_strided_slice %get3A_1231 {offsets = [0], sizes = [1], strides = [1]} : vector<16xi32> to vector<1xi32>
      %squeeze3A_1233 = vector.extract %slice3A_1232[0] : i32 from vector<1xi32>
      %mul3A_1234 = vector.broadcast %squeeze3A_1233 : i32 to vector<16xi32>
      %mul3A_1235 = arith.muli %max3A_11, %mul3A_1234 : vector<16xi32>
      %get3A_1236 = arith.index_cast %add3A_1228 : i32 to index
      %get3A_1237 = tpu.vector_load %arg6[%get3A_1236] {strides = array<i32>} : memref<80xi32, #tpu.memory_space<vmem>>, vector<16xi32>,
      %get3A_1238 = vector.shape_cast %get3A_1237 : vector<16xi32> to vector<16xi32>
      %sub3A_1239 = arith.constant 1 : i32
      %sub3A_1240 = vector.broadcast %sub3A_1239 : i32 to vector<16xi32>
      %sub3A_1241 = arith.subi %sub3A_1240, %mul3A_1235 : vector<16xi32>
      %mul3A_1242 = arith.muli %get3A_1238, %sub3A_1241 : vector<16xi32>
      %mul3A_1243 = arith.constant 53 : i32
      %mul3A_1244 = vector.broadcast %mul3A_1243 : i32 to vector<16xi32>
      %mul3A_1245 = arith.muli %mul3A_1244, %mul3A_1235 : vector<16xi32>
      %add3A_1246 = arith.addi %mul3A_1242, %mul3A_1245 : vector<16xi32>
      %swap3A_1247 = arith.index_cast %add3A_1228 : i32 to index
      %swap3A_1248 = tpu.vector_load %arg6[%swap3A_1247] {strides = array<i32>} : memref<80xi32, #tpu.memory_space<vmem>>, vector<16xi32>,
      %swap3A_1249 = vector.shape_cast %swap3A_1248 : vector<16xi32> to vector<16xi32>
      %swap3A_1250 = vector.shape_cast %add3A_1246 : vector<16xi32> to vector<16xi32>
      tpu.vector_store %arg6[%swap3A_1247], %swap3A_1250 {strides = array<i32>} : memref<80xi32, #tpu.memory_space<vmem>>, vector<16xi32>,
      %add3A_1251 = arith.addi %add3A_1228, %squeeze3A_1233 : i32
      %get3A_1252 = arith.constant 54 : index
      %get3A_1253 = tpu.vector_load %arg5[%get3A_1252] {strides = array<i32>} : memref<80xi32, #tpu.memory_space<vmem>>, vector<16xi32>,
      %get3A_1254 = vector.shape_cast %get3A_1253 : vector<16xi32> to vector<16xi32>
      %slice3A_1255 = vector.extract_strided_slice %get3A_1254 {offsets = [0], sizes = [1], strides = [1]} : vector<16xi32> to vector<1xi32>
      %squeeze3A_1256 = vector.extract %slice3A_1255[0] : i32 from vector<1xi32>
      %mul3A_1257 = vector.broadcast %squeeze3A_1256 : i32 to vector<16xi32>
      %mul3A_1258 = arith.muli %max3A_11, %mul3A_1257 : vector<16xi32>
      %get3A_1259 = arith.index_cast %add3A_1251 : i32 to index
      %get3A_1260 = tpu.vector_load %arg6[%get3A_1259] {strides = array<i32>} : memref<80xi32, #tpu.memory_space<vmem>>, vector<16xi32>,
      %get3A_1261 = vector.shape_cast %get3A_1260 : vector<16xi32> to vector<16xi32>
      %sub3A_1262 = arith.constant 1 : i32
      %sub3A_1263 = vector.broadcast %sub3A_1262 : i32 to vector<16xi32>
      %sub3A_1264 = arith.subi %sub3A_1263, %mul3A_1258 : vector<16xi32>
      %mul3A_1265 = arith.muli %get3A_1261, %sub3A_1264 : vector<16xi32>
      %mul3A_1266 = arith.constant 54 : i32
      %mul3A_1267 = vector.broadcast %mul3A_1266 : i32 to vector<16xi32>
      %mul3A_1268 = arith.muli %mul3A_1267, %mul3A_1258 : vector<16xi32>
      %add3A_1269 = arith.addi %mul3A_1265, %mul3A_1268 : vector<16xi32>
      %swap3A_1270 = arith.index_cast %add3A_1251 : i32 to index
      %swap3A_1271 = tpu.vector_load %arg6[%swap3A_1270] {strides = array<i32>} : memref<80xi32, #tpu.memory_space<vmem>>, vector<16xi32>,
      %swap3A_1272 = vector.shape_cast %swap3A_1271 : vector<16xi32> to vector<16xi32>
      %swap3A_1273 = vector.shape_cast %add3A_1269 : vector<16xi32> to vector<16xi32>
      tpu.vector_store %arg6[%swap3A_1270], %swap3A_1273 {strides = array<i32>} : memref<80xi32, #tpu.memory_space<vmem>>, vector<16xi32>,
      %add3A_1274 = arith.addi %add3A_1251, %squeeze3A_1256 : i32
      %get3A_1275 = arith.constant 55 : index
      %get3A_1276 = tpu.vector_load %arg5[%get3A_1275] {strides = array<i32>} : memref<80xi32, #tpu.memory_space<vmem>>, vector<16xi32>,
      %get3A_1277 = vector.shape_cast %get3A_1276 : vector<16xi32> to vector<16xi32>
      %slice3A_1278 = vector.extract_strided_slice %get3A_1277 {offsets = [0], sizes = [1], strides = [1]} : vector<16xi32> to vector<1xi32>
      %squeeze3A_1279 = vector.extract %slice3A_1278[0] : i32 from vector<1xi32>
      %mul3A_1280 = vector.broadcast %squeeze3A_1279 : i32 to vector<16xi32>
      %mul3A_1281 = arith.muli %max3A_11, %mul3A_1280 : vector<16xi32>
      %get3A_1282 = arith.index_cast %add3A_1274 : i32 to index
      %get3A_1283 = tpu.vector_load %arg6[%get3A_1282] {strides = array<i32>} : memref<80xi32, #tpu.memory_space<vmem>>, vector<16xi32>,
      %get3A_1284 = vector.shape_cast %get3A_1283 : vector<16xi32> to vector<16xi32>
      %sub3A_1285 = arith.constant 1 : i32
      %sub3A_1286 = vector.broadcast %sub3A_1285 : i32 to vector<16xi32>
      %sub3A_1287 = arith.subi %sub3A_1286, %mul3A_1281 : vector<16xi32>
      %mul3A_1288 = arith.muli %get3A_1284, %sub3A_1287 : vector<16xi32>
      %mul3A_1289 = arith.constant 55 : i32
      %mul3A_1290 = vector.broadcast %mul3A_1289 : i32 to vector<16xi32>
      %mul3A_1291 = arith.muli %mul3A_1290, %mul3A_1281 : vector<16xi32>
      %add3A_1292 = arith.addi %mul3A_1288, %mul3A_1291 : vector<16xi32>
      %swap3A_1293 = arith.index_cast %add3A_1274 : i32 to index
      %swap3A_1294 = tpu.vector_load %arg6[%swap3A_1293] {strides = array<i32>} : memref<80xi32, #tpu.memory_space<vmem>>, vector<16xi32>,
      %swap3A_1295 = vector.shape_cast %swap3A_1294 : vector<16xi32> to vector<16xi32>
      %swap3A_1296 = vector.shape_cast %add3A_1292 : vector<16xi32> to vector<16xi32>
      tpu.vector_store %arg6[%swap3A_1293], %swap3A_1296 {strides = array<i32>} : memref<80xi32, #tpu.memory_space<vmem>>, vector<16xi32>,
      %add3A_1297 = arith.addi %add3A_1274, %squeeze3A_1279 : i32
      %get3A_1298 = arith.constant 56 : index
      %get3A_1299 = tpu.vector_load %arg5[%get3A_1298] {strides = array<i32>} : memref<80xi32, #tpu.memory_space<vmem>>, vector<16xi32>,
      %get3A_1300 = vector.shape_cast %get3A_1299 : vector<16xi32> to vector<16xi32>
      %slice3A_1301 = vector.extract_strided_slice %get3A_1300 {offsets = [0], sizes = [1], strides = [1]} : vector<16xi32> to vector<1xi32>
      %squeeze3A_1302 = vector.extract %slice3A_1301[0] : i32 from vector<1xi32>
      %mul3A_1303 = vector.broadcast %squeeze3A_1302 : i32 to vector<16xi32>
      %mul3A_1304 = arith.muli %max3A_11, %mul3A_1303 : vector<16xi32>
      %get3A_1305 = arith.index_cast %add3A_1297 : i32 to index
      %get3A_1306 = tpu.vector_load %arg6[%get3A_1305] {strides = array<i32>} : memref<80xi32, #tpu.memory_space<vmem>>, vector<16xi32>,
      %get3A_1307 = vector.shape_cast %get3A_1306 : vector<16xi32> to vector<16xi32>
      %sub3A_1308 = arith.constant 1 : i32
      %sub3A_1309 = vector.broadcast %sub3A_1308 : i32 to vector<16xi32>
      %sub3A_1310 = arith.subi %sub3A_1309, %mul3A_1304 : vector<16xi32>
      %mul3A_1311 = arith.muli %get3A_1307, %sub3A_1310 : vector<16xi32>
      %mul3A_1312 = arith.constant 56 : i32
      %mul3A_1313 = vector.broadcast %mul3A_1312 : i32 to vector<16xi32>
      %mul3A_1314 = arith.muli %mul3A_1313, %mul3A_1304 : vector<16xi32>
      %add3A_1315 = arith.addi %mul3A_1311, %mul3A_1314 : vector<16xi32>
      %swap3A_1316 = arith.index_cast %add3A_1297 : i32 to index
      %swap3A_1317 = tpu.vector_load %arg6[%swap3A_1316] {strides = array<i32>} : memref<80xi32, #tpu.memory_space<vmem>>, vector<16xi32>,
      %swap3A_1318 = vector.shape_cast %swap3A_1317 : vector<16xi32> to vector<16xi32>
      %swap3A_1319 = vector.shape_cast %add3A_1315 : vector<16xi32> to vector<16xi32>
      tpu.vector_store %arg6[%swap3A_1316], %swap3A_1319 {strides = array<i32>} : memref<80xi32, #tpu.memory_space<vmem>>, vector<16xi32>,
      %add3A_1320 = arith.addi %add3A_1297, %squeeze3A_1302 : i32
      %get3A_1321 = arith.constant 57 : index
      %get3A_1322 = tpu.vector_load %arg5[%get3A_1321] {strides = array<i32>} : memref<80xi32, #tpu.memory_space<vmem>>, vector<16xi32>,
      %get3A_1323 = vector.shape_cast %get3A_1322 : vector<16xi32> to vector<16xi32>
      %slice3A_1324 = vector.extract_strided_slice %get3A_1323 {offsets = [0], sizes = [1], strides = [1]} : vector<16xi32> to vector<1xi32>
      %squeeze3A_1325 = vector.extract %slice3A_1324[0] : i32 from vector<1xi32>
      %mul3A_1326 = vector.broadcast %squeeze3A_1325 : i32 to vector<16xi32>
      %mul3A_1327 = arith.muli %max3A_11, %mul3A_1326 : vector<16xi32>
      %get3A_1328 = arith.index_cast %add3A_1320 : i32 to index
      %get3A_1329 = tpu.vector_load %arg6[%get3A_1328] {strides = array<i32>} : memref<80xi32, #tpu.memory_space<vmem>>, vector<16xi32>,
      %get3A_1330 = vector.shape_cast %get3A_1329 : vector<16xi32> to vector<16xi32>
      %sub3A_1331 = arith.constant 1 : i32
      %sub3A_1332 = vector.broadcast %sub3A_1331 : i32 to vector<16xi32>
      %sub3A_1333 = arith.subi %sub3A_1332, %mul3A_1327 : vector<16xi32>
      %mul3A_1334 = arith.muli %get3A_1330, %sub3A_1333 : vector<16xi32>
      %mul3A_1335 = arith.constant 57 : i32
      %mul3A_1336 = vector.broadcast %mul3A_1335 : i32 to vector<16xi32>
      %mul3A_1337 = arith.muli %mul3A_1336, %mul3A_1327 : vector<16xi32>
      %add3A_1338 = arith.addi %mul3A_1334, %mul3A_1337 : vector<16xi32>
      %swap3A_1339 = arith.index_cast %add3A_1320 : i32 to index
      %swap3A_1340 = tpu.vector_load %arg6[%swap3A_1339] {strides = array<i32>} : memref<80xi32, #tpu.memory_space<vmem>>, vector<16xi32>,
      %swap3A_1341 = vector.shape_cast %swap3A_1340 : vector<16xi32> to vector<16xi32>
      %swap3A_1342 = vector.shape_cast %add3A_1338 : vector<16xi32> to vector<16xi32>
      tpu.vector_store %arg6[%swap3A_1339], %swap3A_1342 {strides = array<i32>} : memref<80xi32, #tpu.memory_space<vmem>>, vector<16xi32>,
      %add3A_1343 = arith.addi %add3A_1320, %squeeze3A_1325 : i32
      %get3A_1344 = arith.constant 58 : index
      %get3A_1345 = tpu.vector_load %arg5[%get3A_1344] {strides = array<i32>} : memref<80xi32, #tpu.memory_space<vmem>>, vector<16xi32>,
      %get3A_1346 = vector.shape_cast %get3A_1345 : vector<16xi32> to vector<16xi32>
      %slice3A_1347 = vector.extract_strided_slice %get3A_1346 {offsets = [0], sizes = [1], strides = [1]} : vector<16xi32> to vector<1xi32>
      %squeeze3A_1348 = vector.extract %slice3A_1347[0] : i32 from vector<1xi32>
      %mul3A_1349 = vector.broadcast %squeeze3A_1348 : i32 to vector<16xi32>
      %mul3A_1350 = arith.muli %max3A_11, %mul3A_1349 : vector<16xi32>
      %get3A_1351 = arith.index_cast %add3A_1343 : i32 to index
      %get3A_1352 = tpu.vector_load %arg6[%get3A_1351] {strides = array<i32>} : memref<80xi32, #tpu.memory_space<vmem>>, vector<16xi32>,
      %get3A_1353 = vector.shape_cast %get3A_1352 : vector<16xi32> to vector<16xi32>
      %sub3A_1354 = arith.constant 1 : i32
      %sub3A_1355 = vector.broadcast %sub3A_1354 : i32 to vector<16xi32>
      %sub3A_1356 = arith.subi %sub3A_1355, %mul3A_1350 : vector<16xi32>
      %mul3A_1357 = arith.muli %get3A_1353, %sub3A_1356 : vector<16xi32>
      %mul3A_1358 = arith.constant 58 : i32
      %mul3A_1359 = vector.broadcast %mul3A_1358 : i32 to vector<16xi32>
      %mul3A_1360 = arith.muli %mul3A_1359, %mul3A_1350 : vector<16xi32>
      %add3A_1361 = arith.addi %mul3A_1357, %mul3A_1360 : vector<16xi32>
      %swap3A_1362 = arith.index_cast %add3A_1343 : i32 to index
      %swap3A_1363 = tpu.vector_load %arg6[%swap3A_1362] {strides = array<i32>} : memref<80xi32, #tpu.memory_space<vmem>>, vector<16xi32>,
      %swap3A_1364 = vector.shape_cast %swap3A_1363 : vector<16xi32> to vector<16xi32>
      %swap3A_1365 = vector.shape_cast %add3A_1361 : vector<16xi32> to vector<16xi32>
      tpu.vector_store %arg6[%swap3A_1362], %swap3A_1365 {strides = array<i32>} : memref<80xi32, #tpu.memory_space<vmem>>, vector<16xi32>,
      %add3A_1366 = arith.addi %add3A_1343, %squeeze3A_1348 : i32
      %get3A_1367 = arith.constant 59 : index
      %get3A_1368 = tpu.vector_load %arg5[%get3A_1367] {strides = array<i32>} : memref<80xi32, #tpu.memory_space<vmem>>, vector<16xi32>,
      %get3A_1369 = vector.shape_cast %get3A_1368 : vector<16xi32> to vector<16xi32>
      %slice3A_1370 = vector.extract_strided_slice %get3A_1369 {offsets = [0], sizes = [1], strides = [1]} : vector<16xi32> to vector<1xi32>
      %squeeze3A_1371 = vector.extract %slice3A_1370[0] : i32 from vector<1xi32>
      %mul3A_1372 = vector.broadcast %squeeze3A_1371 : i32 to vector<16xi32>
      %mul3A_1373 = arith.muli %max3A_11, %mul3A_1372 : vector<16xi32>
      %get3A_1374 = arith.index_cast %add3A_1366 : i32 to index
      %get3A_1375 = tpu.vector_load %arg6[%get3A_1374] {strides = array<i32>} : memref<80xi32, #tpu.memory_space<vmem>>, vector<16xi32>,
      %get3A_1376 = vector.shape_cast %get3A_1375 : vector<16xi32> to vector<16xi32>
      %sub3A_1377 = arith.constant 1 : i32
      %sub3A_1378 = vector.broadcast %sub3A_1377 : i32 to vector<16xi32>
      %sub3A_1379 = arith.subi %sub3A_1378, %mul3A_1373 : vector<16xi32>
      %mul3A_1380 = arith.muli %get3A_1376, %sub3A_1379 : vector<16xi32>
      %mul3A_1381 = arith.constant 59 : i32
      %mul3A_1382 = vector.broadcast %mul3A_1381 : i32 to vector<16xi32>
      %mul3A_1383 = arith.muli %mul3A_1382, %mul3A_1373 : vector<16xi32>
      %add3A_1384 = arith.addi %mul3A_1380, %mul3A_1383 : vector<16xi32>
      %swap3A_1385 = arith.index_cast %add3A_1366 : i32 to index
      %swap3A_1386 = tpu.vector_load %arg6[%swap3A_1385] {strides = array<i32>} : memref<80xi32, #tpu.memory_space<vmem>>, vector<16xi32>,
      %swap3A_1387 = vector.shape_cast %swap3A_1386 : vector<16xi32> to vector<16xi32>
      %swap3A_1388 = vector.shape_cast %add3A_1384 : vector<16xi32> to vector<16xi32>
      tpu.vector_store %arg6[%swap3A_1385], %swap3A_1388 {strides = array<i32>} : memref<80xi32, #tpu.memory_space<vmem>>, vector<16xi32>,
      %add3A_1389 = arith.addi %add3A_1366, %squeeze3A_1371 : i32
      %get3A_1390 = arith.constant 60 : index
      %get3A_1391 = tpu.vector_load %arg5[%get3A_1390] {strides = array<i32>} : memref<80xi32, #tpu.memory_space<vmem>>, vector<16xi32>,
      %get3A_1392 = vector.shape_cast %get3A_1391 : vector<16xi32> to vector<16xi32>
      %slice3A_1393 = vector.extract_strided_slice %get3A_1392 {offsets = [0], sizes = [1], strides = [1]} : vector<16xi32> to vector<1xi32>
      %squeeze3A_1394 = vector.extract %slice3A_1393[0] : i32 from vector<1xi32>
      %mul3A_1395 = vector.broadcast %squeeze3A_1394 : i32 to vector<16xi32>
      %mul3A_1396 = arith.muli %max3A_11, %mul3A_1395 : vector<16xi32>
      %get3A_1397 = arith.index_cast %add3A_1389 : i32 to index
      %get3A_1398 = tpu.vector_load %arg6[%get3A_1397] {strides = array<i32>} : memref<80xi32, #tpu.memory_space<vmem>>, vector<16xi32>,
      %get3A_1399 = vector.shape_cast %get3A_1398 : vector<16xi32> to vector<16xi32>
      %sub3A_1400 = arith.constant 1 : i32
      %sub3A_1401 = vector.broadcast %sub3A_1400 : i32 to vector<16xi32>
      %sub3A_1402 = arith.subi %sub3A_1401, %mul3A_1396 : vector<16xi32>
      %mul3A_1403 = arith.muli %get3A_1399, %sub3A_1402 : vector<16xi32>
      %mul3A_1404 = arith.constant 60 : i32
      %mul3A_1405 = vector.broadcast %mul3A_1404 : i32 to vector<16xi32>
      %mul3A_1406 = arith.muli %mul3A_1405, %mul3A_1396 : vector<16xi32>
      %add3A_1407 = arith.addi %mul3A_1403, %mul3A_1406 : vector<16xi32>
      %swap3A_1408 = arith.index_cast %add3A_1389 : i32 to index
      %swap3A_1409 = tpu.vector_load %arg6[%swap3A_1408] {strides = array<i32>} : memref<80xi32, #tpu.memory_space<vmem>>, vector<16xi32>,
      %swap3A_1410 = vector.shape_cast %swap3A_1409 : vector<16xi32> to vector<16xi32>
      %swap3A_1411 = vector.shape_cast %add3A_1407 : vector<16xi32> to vector<16xi32>
      tpu.vector_store %arg6[%swap3A_1408], %swap3A_1411 {strides = array<i32>} : memref<80xi32, #tpu.memory_space<vmem>>, vector<16xi32>,
      %add3A_1412 = arith.addi %add3A_1389, %squeeze3A_1394 : i32
      %get3A_1413 = arith.constant 61 : index
      %get3A_1414 = tpu.vector_load %arg5[%get3A_1413] {strides = array<i32>} : memref<80xi32, #tpu.memory_space<vmem>>, vector<16xi32>,
      %get3A_1415 = vector.shape_cast %get3A_1414 : vector<16xi32> to vector<16xi32>
      %slice3A_1416 = vector.extract_strided_slice %get3A_1415 {offsets = [0], sizes = [1], strides = [1]} : vector<16xi32> to vector<1xi32>
      %squeeze3A_1417 = vector.extract %slice3A_1416[0] : i32 from vector<1xi32>
      %mul3A_1418 = vector.broadcast %squeeze3A_1417 : i32 to vector<16xi32>
      %mul3A_1419 = arith.muli %max3A_11, %mul3A_1418 : vector<16xi32>
      %get3A_1420 = arith.index_cast %add3A_1412 : i32 to index
      %get3A_1421 = tpu.vector_load %arg6[%get3A_1420] {strides = array<i32>} : memref<80xi32, #tpu.memory_space<vmem>>, vector<16xi32>,
      %get3A_1422 = vector.shape_cast %get3A_1421 : vector<16xi32> to vector<16xi32>
      %sub3A_1423 = arith.constant 1 : i32
      %sub3A_1424 = vector.broadcast %sub3A_1423 : i32 to vector<16xi32>
      %sub3A_1425 = arith.subi %sub3A_1424, %mul3A_1419 : vector<16xi32>
      %mul3A_1426 = arith.muli %get3A_1422, %sub3A_1425 : vector<16xi32>
      %mul3A_1427 = arith.constant 61 : i32
      %mul3A_1428 = vector.broadcast %mul3A_1427 : i32 to vector<16xi32>
      %mul3A_1429 = arith.muli %mul3A_1428, %mul3A_1419 : vector<16xi32>
      %add3A_1430 = arith.addi %mul3A_1426, %mul3A_1429 : vector<16xi32>
      %swap3A_1431 = arith.index_cast %add3A_1412 : i32 to index
      %swap3A_1432 = tpu.vector_load %arg6[%swap3A_1431] {strides = array<i32>} : memref<80xi32, #tpu.memory_space<vmem>>, vector<16xi32>,
      %swap3A_1433 = vector.shape_cast %swap3A_1432 : vector<16xi32> to vector<16xi32>
      %swap3A_1434 = vector.shape_cast %add3A_1430 : vector<16xi32> to vector<16xi32>
      tpu.vector_store %arg6[%swap3A_1431], %swap3A_1434 {strides = array<i32>} : memref<80xi32, #tpu.memory_space<vmem>>, vector<16xi32>,
      %add3A_1435 = arith.addi %add3A_1412, %squeeze3A_1417 : i32
      %get3A_1436 = arith.constant 62 : index
      %get3A_1437 = tpu.vector_load %arg5[%get3A_1436] {strides = array<i32>} : memref<80xi32, #tpu.memory_space<vmem>>, vector<16xi32>,
      %get3A_1438 = vector.shape_cast %get3A_1437 : vector<16xi32> to vector<16xi32>
      %slice3A_1439 = vector.extract_strided_slice %get3A_1438 {offsets = [0], sizes = [1], strides = [1]} : vector<16xi32> to vector<1xi32>
      %squeeze3A_1440 = vector.extract %slice3A_1439[0] : i32 from vector<1xi32>
      %mul3A_1441 = vector.broadcast %squeeze3A_1440 : i32 to vector<16xi32>
      %mul3A_1442 = arith.muli %max3A_11, %mul3A_1441 : vector<16xi32>
      %get3A_1443 = arith.index_cast %add3A_1435 : i32 to index
      %get3A_1444 = tpu.vector_load %arg6[%get3A_1443] {strides = array<i32>} : memref<80xi32, #tpu.memory_space<vmem>>, vector<16xi32>,
      %get3A_1445 = vector.shape_cast %get3A_1444 : vector<16xi32> to vector<16xi32>
      %sub3A_1446 = arith.constant 1 : i32
      %sub3A_1447 = vector.broadcast %sub3A_1446 : i32 to vector<16xi32>
      %sub3A_1448 = arith.subi %sub3A_1447, %mul3A_1442 : vector<16xi32>
      %mul3A_1449 = arith.muli %get3A_1445, %sub3A_1448 : vector<16xi32>
      %mul3A_1450 = arith.constant 62 : i32
      %mul3A_1451 = vector.broadcast %mul3A_1450 : i32 to vector<16xi32>
      %mul3A_1452 = arith.muli %mul3A_1451, %mul3A_1442 : vector<16xi32>
      %add3A_1453 = arith.addi %mul3A_1449, %mul3A_1452 : vector<16xi32>
      %swap3A_1454 = arith.index_cast %add3A_1435 : i32 to index
      %swap3A_1455 = tpu.vector_load %arg6[%swap3A_1454] {strides = array<i32>} : memref<80xi32, #tpu.memory_space<vmem>>, vector<16xi32>,
      %swap3A_1456 = vector.shape_cast %swap3A_1455 : vector<16xi32> to vector<16xi32>
      %swap3A_1457 = vector.shape_cast %add3A_1453 : vector<16xi32> to vector<16xi32>
      tpu.vector_store %arg6[%swap3A_1454], %swap3A_1457 {strides = array<i32>} : memref<80xi32, #tpu.memory_space<vmem>>, vector<16xi32>,
      %add3A_1458 = arith.addi %add3A_1435, %squeeze3A_1440 : i32
      %get3A_1459 = arith.constant 63 : index
      %get3A_1460 = tpu.vector_load %arg5[%get3A_1459] {strides = array<i32>} : memref<80xi32, #tpu.memory_space<vmem>>, vector<16xi32>,
      %get3A_1461 = vector.shape_cast %get3A_1460 : vector<16xi32> to vector<16xi32>
      %slice3A_1462 = vector.extract_strided_slice %get3A_1461 {offsets = [0], sizes = [1], strides = [1]} : vector<16xi32> to vector<1xi32>
      %squeeze3A_1463 = vector.extract %slice3A_1462[0] : i32 from vector<1xi32>
      %mul3A_1464 = vector.broadcast %squeeze3A_1463 : i32 to vector<16xi32>
      %mul3A_1465 = arith.muli %max3A_11, %mul3A_1464 : vector<16xi32>
      %get3A_1466 = arith.index_cast %add3A_1458 : i32 to index
      %get3A_1467 = tpu.vector_load %arg6[%get3A_1466] {strides = array<i32>} : memref<80xi32, #tpu.memory_space<vmem>>, vector<16xi32>,
      %get3A_1468 = vector.shape_cast %get3A_1467 : vector<16xi32> to vector<16xi32>
      %sub3A_1469 = arith.constant 1 : i32
      %sub3A_1470 = vector.broadcast %sub3A_1469 : i32 to vector<16xi32>
      %sub3A_1471 = arith.subi %sub3A_1470, %mul3A_1465 : vector<16xi32>
      %mul3A_1472 = arith.muli %get3A_1468, %sub3A_1471 : vector<16xi32>
      %mul3A_1473 = arith.constant 63 : i32
      %mul3A_1474 = vector.broadcast %mul3A_1473 : i32 to vector<16xi32>
      %mul3A_1475 = arith.muli %mul3A_1474, %mul3A_1465 : vector<16xi32>
      %add3A_1476 = arith.addi %mul3A_1472, %mul3A_1475 : vector<16xi32>
      %swap3A_1477 = arith.index_cast %add3A_1458 : i32 to index
      %swap3A_1478 = tpu.vector_load %arg6[%swap3A_1477] {strides = array<i32>} : memref<80xi32, #tpu.memory_space<vmem>>, vector<16xi32>,
      %swap3A_1479 = vector.shape_cast %swap3A_1478 : vector<16xi32> to vector<16xi32>
      %swap3A_1480 = vector.shape_cast %add3A_1476 : vector<16xi32> to vector<16xi32>
      tpu.vector_store %arg6[%swap3A_1477], %swap3A_1480 {strides = array<i32>} : memref<80xi32, #tpu.memory_space<vmem>>, vector<16xi32>,
      %add3A_1481 = arith.addi %add3A_1458, %squeeze3A_1463 : i32
      %sub3A_1482 = arith.constant 1 : i32
      %sub3A_1483 = arith.subi %add3A_1481, %sub3A_1482 : i32
      %get3A_1484 = arith.index_cast %sub3A_1483 : i32 to index
      %get3A_1485 = tpu.vector_load %arg6[%get3A_1484] {strides = array<i32>} : memref<80xi32, #tpu.memory_space<vmem>>, vector<16xi32>,
      %get3A_1486 = vector.shape_cast %get3A_1485 : vector<16xi32> to vector<16xi32>
      %slice3A_1487 = vector.extract_strided_slice %get3A_1486 {offsets = [0], sizes = [1], strides = [1]} : vector<16xi32> to vector<1xi32>
      %squeeze3A_1488 = vector.extract %slice3A_1487[0] : i32 from vector<1xi32>
      %add3A_1489 = arith.constant 0 : i32
      %add3A_1490 = vector.broadcast %add3A_1489 : i32 to vector<16xi32>
      %add3A_1491 = arith.addi %iota3A, %add3A_1490 : vector<16xi32>
      %broadcast_in_dim3A_1492 = vector.broadcast %add3A_1481 : i32 to vector<16xi32>
      %sub3A_1493 = arith.subi %broadcast_in_dim3A_1492, %add3A_1491 : vector<16xi32>
      %max3A_1494 = arith.constant 0 : i32
      %max3A_1495 = vector.broadcast %max3A_1494 : i32 to vector<16xi32>
      %max3A_1496 = arith.maxsi %sub3A_1493, %max3A_1495 : vector<16xi32>
      %min3A = arith.constant 1 : i32
      %min3A_1497 = vector.broadcast %min3A : i32 to vector<16xi32>
      %min3A_1498 = arith.minsi %max3A_1496, %min3A_1497 : vector<16xi32>
      %get3A_1499 = arith.constant 0 : index
      %get3A_1500 = tpu.vector_load %arg6[%get3A_1499] {strides = array<i32>} : memref<80xi32, #tpu.memory_space<vmem>>, vector<16xi32>,
      %get3A_1501 = vector.shape_cast %get3A_1500 : vector<16xi32> to vector<16xi32>
      %mul3A_1502 = arith.muli %get3A_1501, %min3A_1498 : vector<16xi32>
      %sub3A_1503 = arith.constant 1 : i32
      %sub3A_1504 = vector.broadcast %sub3A_1503 : i32 to vector<16xi32>
      %sub3A_1505 = arith.subi %sub3A_1504, %min3A_1498 : vector<16xi32>
      %mul3A_1506 = vector.broadcast %squeeze3A_1488 : i32 to vector<16xi32>
      %mul3A_1507 = arith.muli %mul3A_1506, %sub3A_1505 : vector<16xi32>
      %add3A_1508 = arith.addi %mul3A_1502, %mul3A_1507 : vector<16xi32>
      %swap3A_1509 = arith.constant 0 : index
      %swap3A_1510 = tpu.vector_load %arg6[%swap3A_1509] {strides = array<i32>} : memref<80xi32, #tpu.memory_space<vmem>>, vector<16xi32>,
      %swap3A_1511 = vector.shape_cast %swap3A_1510 : vector<16xi32> to vector<16xi32>
      %swap3A_1512 = vector.shape_cast %add3A_1508 : vector<16xi32> to vector<16xi32>
      tpu.vector_store %arg6[%swap3A_1509], %swap3A_1512 {strides = array<i32>} : memref<80xi32, #tpu.memory_space<vmem>>, vector<16xi32>,
      %add3A_1513 = arith.constant 16 : i32
      %add3A_1514 = vector.broadcast %add3A_1513 : i32 to vector<16xi32>
      %add3A_1515 = arith.addi %iota3A, %add3A_1514 : vector<16xi32>
      %broadcast_in_dim3A_1516 = vector.broadcast %add3A_1481 : i32 to vector<16xi32>
      %sub3A_1517 = arith.subi %broadcast_in_dim3A_1516, %add3A_1515 : vector<16xi32>
      %max3A_1518 = arith.constant 0 : i32
      %max3A_1519 = vector.broadcast %max3A_1518 : i32 to vector<16xi32>
      %max3A_1520 = arith.maxsi %sub3A_1517, %max3A_1519 : vector<16xi32>
      %min3A_1521 = arith.constant 1 : i32
      %min3A_1522 = vector.broadcast %min3A_1521 : i32 to vector<16xi32>
      %min3A_1523 = arith.minsi %max3A_1520, %min3A_1522 : vector<16xi32>
      %get3A_1524 = arith.constant 16 : index
      %get3A_1525 = tpu.vector_load %arg6[%get3A_1524] {strides = array<i32>} : memref<80xi32, #tpu.memory_space<vmem>>, vector<16xi32>,
      %get3A_1526 = vector.shape_cast %get3A_1525 : vector<16xi32> to vector<16xi32>
      %mul3A_1527 = arith.muli %get3A_1526, %min3A_1523 : vector<16xi32>
      %sub3A_1528 = arith.constant 1 : i32
      %sub3A_1529 = vector.broadcast %sub3A_1528 : i32 to vector<16xi32>
      %sub3A_1530 = arith.subi %sub3A_1529, %min3A_1523 : vector<16xi32>
      %mul3A_1531 = vector.broadcast %squeeze3A_1488 : i32 to vector<16xi32>
      %mul3A_1532 = arith.muli %mul3A_1531, %sub3A_1530 : vector<16xi32>
      %add3A_1533 = arith.addi %mul3A_1527, %mul3A_1532 : vector<16xi32>
      %swap3A_1534 = arith.constant 16 : index
      %swap3A_1535 = tpu.vector_load %arg6[%swap3A_1534] {strides = array<i32>} : memref<80xi32, #tpu.memory_space<vmem>>, vector<16xi32>,
      %swap3A_1536 = vector.shape_cast %swap3A_1535 : vector<16xi32> to vector<16xi32>
      %swap3A_1537 = vector.shape_cast %add3A_1533 : vector<16xi32> to vector<16xi32>
      tpu.vector_store %arg6[%swap3A_1534], %swap3A_1537 {strides = array<i32>} : memref<80xi32, #tpu.memory_space<vmem>>, vector<16xi32>,
      %add3A_1538 = arith.constant 32 : i32
      %add3A_1539 = vector.broadcast %add3A_1538 : i32 to vector<16xi32>
      %add3A_1540 = arith.addi %iota3A, %add3A_1539 : vector<16xi32>
      %broadcast_in_dim3A_1541 = vector.broadcast %add3A_1481 : i32 to vector<16xi32>
      %sub3A_1542 = arith.subi %broadcast_in_dim3A_1541, %add3A_1540 : vector<16xi32>
      %max3A_1543 = arith.constant 0 : i32
      %max3A_1544 = vector.broadcast %max3A_1543 : i32 to vector<16xi32>
      %max3A_1545 = arith.maxsi %sub3A_1542, %max3A_1544 : vector<16xi32>
      %min3A_1546 = arith.constant 1 : i32
      %min3A_1547 = vector.broadcast %min3A_1546 : i32 to vector<16xi32>
      %min3A_1548 = arith.minsi %max3A_1545, %min3A_1547 : vector<16xi32>
      %get3A_1549 = arith.constant 32 : index
      %get3A_1550 = tpu.vector_load %arg6[%get3A_1549] {strides = array<i32>} : memref<80xi32, #tpu.memory_space<vmem>>, vector<16xi32>,
      %get3A_1551 = vector.shape_cast %get3A_1550 : vector<16xi32> to vector<16xi32>
      %mul3A_1552 = arith.muli %get3A_1551, %min3A_1548 : vector<16xi32>
      %sub3A_1553 = arith.constant 1 : i32
      %sub3A_1554 = vector.broadcast %sub3A_1553 : i32 to vector<16xi32>
      %sub3A_1555 = arith.subi %sub3A_1554, %min3A_1548 : vector<16xi32>
      %mul3A_1556 = vector.broadcast %squeeze3A_1488 : i32 to vector<16xi32>
      %mul3A_1557 = arith.muli %mul3A_1556, %sub3A_1555 : vector<16xi32>
      %add3A_1558 = arith.addi %mul3A_1552, %mul3A_1557 : vector<16xi32>
      %swap3A_1559 = arith.constant 32 : index
      %swap3A_1560 = tpu.vector_load %arg6[%swap3A_1559] {strides = array<i32>} : memref<80xi32, #tpu.memory_space<vmem>>, vector<16xi32>,
      %swap3A_1561 = vector.shape_cast %swap3A_1560 : vector<16xi32> to vector<16xi32>
      %swap3A_1562 = vector.shape_cast %add3A_1558 : vector<16xi32> to vector<16xi32>
      tpu.vector_store %arg6[%swap3A_1559], %swap3A_1562 {strides = array<i32>} : memref<80xi32, #tpu.memory_space<vmem>>, vector<16xi32>,
      %add3A_1563 = arith.constant 48 : i32
      %add3A_1564 = vector.broadcast %add3A_1563 : i32 to vector<16xi32>
      %add3A_1565 = arith.addi %iota3A, %add3A_1564 : vector<16xi32>
      %broadcast_in_dim3A_1566 = vector.broadcast %add3A_1481 : i32 to vector<16xi32>
      %sub3A_1567 = arith.subi %broadcast_in_dim3A_1566, %add3A_1565 : vector<16xi32>
      %max3A_1568 = arith.constant 0 : i32
      %max3A_1569 = vector.broadcast %max3A_1568 : i32 to vector<16xi32>
      %max3A_1570 = arith.maxsi %sub3A_1567, %max3A_1569 : vector<16xi32>
      %min3A_1571 = arith.constant 1 : i32
      %min3A_1572 = vector.broadcast %min3A_1571 : i32 to vector<16xi32>
      %min3A_1573 = arith.minsi %max3A_1570, %min3A_1572 : vector<16xi32>
      %get3A_1574 = arith.constant 48 : index
      %get3A_1575 = tpu.vector_load %arg6[%get3A_1574] {strides = array<i32>} : memref<80xi32, #tpu.memory_space<vmem>>, vector<16xi32>,
      %get3A_1576 = vector.shape_cast %get3A_1575 : vector<16xi32> to vector<16xi32>
      %mul3A_1577 = arith.muli %get3A_1576, %min3A_1573 : vector<16xi32>
      %sub3A_1578 = arith.constant 1 : i32
      %sub3A_1579 = vector.broadcast %sub3A_1578 : i32 to vector<16xi32>
      %sub3A_1580 = arith.subi %sub3A_1579, %min3A_1573 : vector<16xi32>
      %mul3A_1581 = vector.broadcast %squeeze3A_1488 : i32 to vector<16xi32>
      %mul3A_1582 = arith.muli %mul3A_1581, %sub3A_1580 : vector<16xi32>
      %add3A_1583 = arith.addi %mul3A_1577, %mul3A_1582 : vector<16xi32>
      %swap3A_1584 = arith.constant 48 : index
      %swap3A_1585 = tpu.vector_load %arg6[%swap3A_1584] {strides = array<i32>} : memref<80xi32, #tpu.memory_space<vmem>>, vector<16xi32>,
      %swap3A_1586 = vector.shape_cast %swap3A_1585 : vector<16xi32> to vector<16xi32>
      %swap3A_1587 = vector.shape_cast %add3A_1583 : vector<16xi32> to vector<16xi32>
      tpu.vector_store %arg6[%swap3A_1584], %swap3A_1587 {strides = array<i32>} : memref<80xi32, #tpu.memory_space<vmem>>, vector<16xi32>,
      %broadcast_in_dim3A_1588 = vector.broadcast %add3A_1481 : i32 to vector<16xi32>
      %swap3A_1589 = arith.constant 0 : index
      %swap3A_1590 = tpu.vector_load %arg7[%swap3A_1589] {strides = array<i32>} : memref<16xi32, #tpu.memory_space<vmem>>, vector<16xi32>,
      %swap3A_1591 = vector.shape_cast %swap3A_1590 : vector<16xi32> to vector<16xi32>
      %swap3A_1592 = vector.shape_cast %broadcast_in_dim3A_1588 : vector<16xi32> to vector<16xi32>
      tpu.vector_store %arg7[%swap3A_1589], %swap3A_1592 {strides = array<i32>} : memref<16xi32, #tpu.memory_space<vmem>>, vector<16xi32>,
      "tpu.region"() ({
        %run_scoped3A = tpu.sem_alloc : memref<!tpu.dma_semaphore, #tpu.memory_space<semaphore_mem>>
        %dma_start3A = arith.constant 0 : i32
        %dma_start3A_1593 = tpu.memref_slice %arg6[%dma_start3A] : memref<80xi32, #tpu.memory_space<vmem>> -> memref<64xi32, #tpu.memory_space<vmem>>
        %dma_start3A_1594 = arith.constant 0 : i32
        %dma_start3A_1595 = tpu.memref_slice %arg6[%dma_start3A_1594] : memref<80xi32, #tpu.memory_space<vmem>> -> memref<64xi32, #tpu.memory_space<vmem>>
        tpu.enqueue_dma source(%dma_start3A_1595 : memref<64xi32, #tpu.memory_space<vmem>>) target(%arg3 : memref<64xi32, #tpu.memory_space<hbm>>) target_semaphore(%run_scoped3A : memref<!tpu.dma_semaphore, #tpu.memory_space<semaphore_mem>>)
        %dma_wait3A = arith.constant 0 : i32
        %dma_wait3A_1596 = tpu.memref_slice %arg6[%dma_wait3A] : memref<80xi32, #tpu.memory_space<vmem>> -> memref<64xi32, #tpu.memory_space<vmem>>
        %dma_wait3A_1597 = arith.constant 0 : i32
        %dma_wait3A_1598 = tpu.memref_slice %arg6[%dma_wait3A_1597] : memref<80xi32, #tpu.memory_space<vmem>> -> memref<64xi32, #tpu.memory_space<vmem>>
        tpu.wait_dma2 semaphore(%run_scoped3A : memref<!tpu.dma_semaphore, #tpu.memory_space<semaphore_mem>>) src(%dma_wait3A_1598 : memref<64xi32, #tpu.memory_space<vmem>>) dst(%arg3 : memref<64xi32, #tpu.memory_space<hbm>>)
        tpu.yield
      }) : () -> ()
      "tpu.region"() ({
        %run_scoped3A = tpu.sem_alloc : memref<!tpu.dma_semaphore, #tpu.memory_space<semaphore_mem>>
        tpu.enqueue_dma source(%arg7 : memref<16xi32, #tpu.memory_space<vmem>>) target(%arg4 : memref<16xi32, #tpu.memory_space<hbm>>) target_semaphore(%run_scoped3A : memref<!tpu.dma_semaphore, #tpu.memory_space<semaphore_mem>>)
        tpu.wait_dma2 semaphore(%run_scoped3A : memref<!tpu.dma_semaphore, #tpu.memory_space<semaphore_mem>>) src(%arg7 : memref<16xi32, #tpu.memory_space<vmem>>) dst(%arg4 : memref<16xi32, #tpu.memory_space<hbm>>)
        tpu.yield
      }) : () -> ()
    } else {
    }
    return
  }
}

module attributes {stable_mosaic.version = 14 : i64} {
  func.func @_expert_body(%arg0: i32, %arg1: memref<64xi32, #tpu.memory_space<smem>>, %arg2: memref<1xi32, #tpu.memory_space<smem>>, %arg3: memref<128x1024xf32, #tpu.memory_space<vmem>>, %arg4: memref<128x64xf32, #tpu.memory_space<vmem>>, %arg5: memref<1x512x1024xf32, #tpu.memory_space<vmem>>, %arg6: memref<1x512x1024xf32, #tpu.memory_space<vmem>>, %arg7: memref<1x512x1024xf32, #tpu.memory_space<vmem>>, %arg8: memref<1x512x1024xf32, #tpu.memory_space<vmem>>, %arg9: memref<128x1024xf32, #tpu.memory_space<vmem>>) attributes {dimension_semantics = [#tpu.dimension_semantics<arbitrary>], iteration_bounds = array<i64: 64>, scalar_prefetch = 2 : i64, scratch_operands = 0 : i64, tpu.core_type = #tpu.core_type<tc>, window_params = [{pipeline_mode = #tpu.pipeline_mode<synchronous>, transform_indices = @transform_0, window_bounds = array<i64: 128, 1024>}, {pipeline_mode = #tpu.pipeline_mode<synchronous>, transform_indices = @transform_1, window_bounds = array<i64: 128, 64>}, {transform_indices = @transform_2, window_bounds = array<i64: 1, 512, 1024>}, {transform_indices = @transform_3, window_bounds = array<i64: 1, 512, 1024>}, {transform_indices = @transform_4, window_bounds = array<i64: 1, 512, 1024>}, {transform_indices = @transform_5, window_bounds = array<i64: 1, 512, 1024>}, {pipeline_mode = #tpu.pipeline_mode<synchronous>, transform_indices = @transform_6, window_bounds = array<i64: 128, 1024>}]} {
    %eq3A = arith.constant 0 : i32
    %eq3A_0 = arith.cmpi eq, %arg0, %eq3A : i32
    %convert_element_type3A = arith.extui %eq3A_0 : i1 to i32
    %cond3A = arith.constant 0 : i32
    %cond3A_1 = arith.cmpi ne, %convert_element_type3A, %cond3A : i32
    scf.if %cond3A_1 {
      %broadcast_in_dim3A = arith.constant 0.000000e+00 : f32
      %broadcast_in_dim3A_6 = vector.broadcast %broadcast_in_dim3A : f32 to vector<128x1024xf32>
      %swap3A = arith.constant 0 : index
      %swap3A_7 = arith.constant 0 : index
      %swap3A_8 = vector.load %arg9[%swap3A, %swap3A_7] : memref<128x1024xf32, #tpu.memory_space<vmem>>, vector<128x1024xf32>
      tpu.vector_store %arg9[%swap3A, %swap3A_7], %broadcast_in_dim3A_6 {strides = array<i32>} : memref<128x1024xf32, #tpu.memory_space<vmem>>, vector<128x1024xf32>,
    } else {
    }
    %get3A = arith.constant 0 : index
    %get3A_2 = memref.load %arg2[%get3A] : memref<1xi32, #tpu.memory_space<smem>>
    %lt3A = arith.cmpi slt, %arg0, %get3A_2 : i32
    %convert_element_type3A_3 = arith.extui %lt3A : i1 to i32
    %cond3A_4 = arith.constant 0 : i32
    %cond3A_5 = arith.cmpi ne, %convert_element_type3A_3, %cond3A_4 : i32
    scf.if %cond3A_5 {
      %get3A_6 = arith.constant 0 : index
      %get3A_7 = arith.constant 0 : index
      %get3A_8 = vector.load %arg9[%get3A_6, %get3A_7] : memref<128x1024xf32, #tpu.memory_space<vmem>>, vector<128x1024xf32>
      %get3A_9 = arith.index_cast %arg0 : i32 to index
      %get3A_10 = memref.load %arg1[%get3A_9] : memref<64xi32, #tpu.memory_space<smem>>
      %iota3A = tpu.iota {dimensions = array<i32: 1>} : vector<128x64xi32>
      %eq3A_11 = vector.broadcast %get3A_10 : i32 to vector<128x64xi32>
      %eq3A_12 = arith.cmpi eq, %iota3A, %eq3A_11 : vector<128x64xi32>
      %get3A_13 = arith.constant 0 : index
      %get3A_14 = arith.constant 0 : index
      %get3A_15 = vector.load %arg4[%get3A_13, %get3A_14] : memref<128x64xf32, #tpu.memory_space<vmem>>, vector<128x64xf32>
      %jit3A = arith.constant 0.000000e+00 : f32
      %broadcast_in_dim3A = vector.broadcast %jit3A : f32 to vector<128x64xf32>
      %select_n3A = arith.select %eq3A_12, %get3A_15, %broadcast_in_dim3A : vector<128x64xi1>, vector<128x64xf32>
      %reduce_sum3A = arith.constant dense<0.000000e+00> : vector<128xf32>
      %reduce_sum3A_16 = vector.multi_reduction <add>, %select_n3A, %reduce_sum3A [1] : vector<128x64xf32> to vector<128xf32>
      %broadcast_in_dim3A_17 = vector.shape_cast %reduce_sum3A_16 : vector<128xf32> to vector<128x1xf32>
      %get3A_18 = arith.constant 0 : index
      %get3A_19 = arith.constant 0 : index
      %get3A_20 = vector.load %arg3[%get3A_18, %get3A_19] : memref<128x1024xf32, #tpu.memory_space<vmem>>, vector<128x512xf32>
      %get3A_21 = arith.constant 0 : index
      %get3A_22 = arith.constant 0 : index
      %get3A_23 = arith.constant 0 : index
      %get3A_24 = vector.load %arg5[%get3A_21, %get3A_22, %get3A_23] : memref<1x512x1024xf32, #tpu.memory_space<vmem>>, vector<1x512x1024xf32>
      %get3A_25 = vector.shape_cast %get3A_24 : vector<1x512x1024xf32> to vector<512x1024xf32>
      %dot_general3A = arith.constant dense<0.000000e+00> : vector<128x1024xf32>
      %dot_general3A_26 = tpu.matmul %get3A_20, %get3A_25, %dot_general3A {dimension_numbers = #tpu.dot_dimension_numbers<[1], [0], [0], [1], [0, 0, 1, 1], [], []>, transpose_lhs_hint = false} : vector<128x512xf32>, vector<512x1024xf32>, vector<128x1024xf32> -> vector<128x1024xf32>
      %get3A_27 = arith.constant 0 : index
      %get3A_28 = arith.constant 512 : index
      %get3A_29 = vector.load %arg3[%get3A_27, %get3A_28] : memref<128x1024xf32, #tpu.memory_space<vmem>>, vector<128x512xf32>
      %get3A_30 = arith.constant 0 : index
      %get3A_31 = arith.constant 0 : index
      %get3A_32 = arith.constant 0 : index
      %get3A_33 = vector.load %arg6[%get3A_30, %get3A_31, %get3A_32] : memref<1x512x1024xf32, #tpu.memory_space<vmem>>, vector<1x512x1024xf32>
      %get3A_34 = vector.shape_cast %get3A_33 : vector<1x512x1024xf32> to vector<512x1024xf32>
      %dot_general3A_35 = arith.constant dense<0.000000e+00> : vector<128x1024xf32>
      %dot_general3A_36 = tpu.matmul %get3A_29, %get3A_34, %dot_general3A_35 {dimension_numbers = #tpu.dot_dimension_numbers<[1], [0], [0], [1], [0, 0, 1, 1], [], []>, transpose_lhs_hint = false} : vector<128x512xf32>, vector<512x1024xf32>, vector<128x1024xf32> -> vector<128x1024xf32>
      %add3A = arith.addf %dot_general3A_26, %dot_general3A_36 : vector<128x1024xf32>
      %logistic3A = arith.negf %add3A : vector<128x1024xf32>
      %logistic3A_37 = math.exp %logistic3A : vector<128x1024xf32>
      %logistic3A_38 = arith.constant 1.000000e+00 : f32
      %logistic3A_39 = vector.broadcast %logistic3A_38 : f32 to vector<128x1024xf32>
      %logistic3A_40 = arith.addf %logistic3A_39, %logistic3A_37 : vector<128x1024xf32>
      %logistic3A_41 = arith.divf %logistic3A_39, %logistic3A_40 : vector<128x1024xf32>
      %mul3A = arith.mulf %add3A, %logistic3A_41 : vector<128x1024xf32>
      %mul3A_42 = vector.broadcast %broadcast_in_dim3A_17 : vector<128x1xf32> to vector<128x1024xf32>
      %mul3A_43 = arith.mulf %mul3A, %mul3A_42 : vector<128x1024xf32>
      %slice3A = vector.extract_strided_slice %mul3A_43 {offsets = [0, 0], sizes = [128, 512], strides = [1, 1]} : vector<128x1024xf32> to vector<128x512xf32>
      %get3A_44 = arith.constant 0 : index
      %get3A_45 = arith.constant 0 : index
      %get3A_46 = arith.constant 0 : index
      %get3A_47 = vector.load %arg7[%get3A_44, %get3A_45, %get3A_46] : memref<1x512x1024xf32, #tpu.memory_space<vmem>>, vector<1x512x1024xf32>
      %get3A_48 = vector.shape_cast %get3A_47 : vector<1x512x1024xf32> to vector<512x1024xf32>
      %dot_general3A_49 = arith.constant dense<0.000000e+00> : vector<128x1024xf32>
      %dot_general3A_50 = tpu.matmul %slice3A, %get3A_48, %dot_general3A_49 {dimension_numbers = #tpu.dot_dimension_numbers<[1], [0], [0], [1], [0, 0, 1, 1], [], []>, transpose_lhs_hint = false} : vector<128x512xf32>, vector<512x1024xf32>, vector<128x1024xf32> -> vector<128x1024xf32>
      %slice3A_51 = vector.extract_strided_slice %mul3A_43 {offsets = [0, 512], sizes = [128, 512], strides = [1, 1]} : vector<128x1024xf32> to vector<128x512xf32>
      %get3A_52 = arith.constant 0 : index
      %get3A_53 = arith.constant 0 : index
      %get3A_54 = arith.constant 0 : index
      %get3A_55 = vector.load %arg8[%get3A_52, %get3A_53, %get3A_54] : memref<1x512x1024xf32, #tpu.memory_space<vmem>>, vector<1x512x1024xf32>
      %get3A_56 = vector.shape_cast %get3A_55 : vector<1x512x1024xf32> to vector<512x1024xf32>
      %dot_general3A_57 = arith.constant dense<0.000000e+00> : vector<128x1024xf32>
      %dot_general3A_58 = tpu.matmul %slice3A_51, %get3A_56, %dot_general3A_57 {dimension_numbers = #tpu.dot_dimension_numbers<[1], [0], [0], [1], [0, 0, 1, 1], [], []>, transpose_lhs_hint = false} : vector<128x512xf32>, vector<512x1024xf32>, vector<128x1024xf32> -> vector<128x1024xf32>
      %add3A_59 = arith.addf %dot_general3A_50, %dot_general3A_58 : vector<128x1024xf32>
      %add3A_60 = arith.addf %get3A_8, %add3A_59 : vector<128x1024xf32>
      %swap3A = arith.constant 0 : index
      %swap3A_61 = arith.constant 0 : index
      %swap3A_62 = vector.load %arg9[%swap3A, %swap3A_61] : memref<128x1024xf32, #tpu.memory_space<vmem>>, vector<128x1024xf32>
      tpu.vector_store %arg9[%swap3A, %swap3A_61], %add3A_60 {strides = array<i32>} : memref<128x1024xf32, #tpu.memory_space<vmem>>, vector<128x1024xf32>,
    } else {
    }
    return
  }
  func.func @transform_0(%arg0: i32, %arg1: memref<64xi32, #tpu.memory_space<smem>>, %arg2: memref<1xi32, #tpu.memory_space<smem>>) -> (i32, i32) {
    %c0_i32 = arith.constant 0 : i32
    %c0_i32_0 = arith.constant 0 : i32
    %c0_i32_1 = arith.constant 0 : i32
    return %c0_i32, %c0_i32_0 : i32, i32
  }
  func.func @transform_1(%arg0: i32, %arg1: memref<64xi32, #tpu.memory_space<smem>>, %arg2: memref<1xi32, #tpu.memory_space<smem>>) -> (i32, i32) {
    %c0_i32 = arith.constant 0 : i32
    %c0_i32_0 = arith.constant 0 : i32
    %c0_i32_1 = arith.constant 0 : i32
    return %c0_i32, %c0_i32_0 : i32, i32
  }
  func.func @transform_2(%arg0: i32, %arg1: memref<64xi32, #tpu.memory_space<smem>>, %arg2: memref<1xi32, #tpu.memory_space<smem>>) -> (i32, i32, i32) {
    %get3A = arith.index_cast %arg0 : i32 to index
    %get3A_0 = memref.load %arg1[%get3A] : memref<64xi32, #tpu.memory_space<smem>>
    %c0_i32 = arith.constant 0 : i32
    %c0_i32_1 = arith.constant 0 : i32
    %c0_i32_2 = arith.constant 0 : i32
    return %get3A_0, %c0_i32, %c0_i32_1 : i32, i32, i32
  }
  func.func @transform_3(%arg0: i32, %arg1: memref<64xi32, #tpu.memory_space<smem>>, %arg2: memref<1xi32, #tpu.memory_space<smem>>) -> (i32, i32, i32) {
    %get3A = arith.index_cast %arg0 : i32 to index
    %get3A_0 = memref.load %arg1[%get3A] : memref<64xi32, #tpu.memory_space<smem>>
    %c1_i32 = arith.constant 1 : i32
    %c0_i32 = arith.constant 0 : i32
    %c0_i32_1 = arith.constant 0 : i32
    return %get3A_0, %c1_i32, %c0_i32 : i32, i32, i32
  }
  func.func @transform_4(%arg0: i32, %arg1: memref<64xi32, #tpu.memory_space<smem>>, %arg2: memref<1xi32, #tpu.memory_space<smem>>) -> (i32, i32, i32) {
    %get3A = arith.index_cast %arg0 : i32 to index
    %get3A_0 = memref.load %arg1[%get3A] : memref<64xi32, #tpu.memory_space<smem>>
    %c0_i32 = arith.constant 0 : i32
    %c0_i32_1 = arith.constant 0 : i32
    %c0_i32_2 = arith.constant 0 : i32
    return %get3A_0, %c0_i32, %c0_i32_1 : i32, i32, i32
  }
  func.func @transform_5(%arg0: i32, %arg1: memref<64xi32, #tpu.memory_space<smem>>, %arg2: memref<1xi32, #tpu.memory_space<smem>>) -> (i32, i32, i32) {
    %get3A = arith.index_cast %arg0 : i32 to index
    %get3A_0 = memref.load %arg1[%get3A] : memref<64xi32, #tpu.memory_space<smem>>
    %c1_i32 = arith.constant 1 : i32
    %c0_i32 = arith.constant 0 : i32
    %c0_i32_1 = arith.constant 0 : i32
    return %get3A_0, %c1_i32, %c0_i32 : i32, i32, i32
  }
  func.func @transform_6(%arg0: i32, %arg1: memref<64xi32, #tpu.memory_space<smem>>, %arg2: memref<1xi32, #tpu.memory_space<smem>>) -> (i32, i32) {
    %c0_i32 = arith.constant 0 : i32
    %c0_i32_0 = arith.constant 0 : i32
    %c0_i32_1 = arith.constant 0 : i32
    return %c0_i32, %c0_i32_0 : i32, i32
  }
}

module attributes {stable_mosaic.version = 14 : i64} {
  func.func @_router_body(%arg0: memref<128x1024xf32, #tpu.memory_space<vmem>>, %arg1: memref<1024x64xf32, #tpu.memory_space<vmem>>, %arg2: memref<128x64xf32, #tpu.memory_space<vmem>>, %arg3: memref<1x64xi32, #tpu.memory_space<vmem>>) attributes {dimension_semantics = [], scalar_prefetch = 0 : i64, scratch_operands = 0 : i64, tpu.core_type = #tpu.core_type<tc>} {
    %get3A = arith.constant 0 : index
    %get3A_0 = arith.constant 0 : index
    %get3A_1 = vector.load %arg0[%get3A, %get3A_0] : memref<128x1024xf32, #tpu.memory_space<vmem>>, vector<128x1024xf32>
    %get3A_2 = arith.constant 0 : index
    %get3A_3 = arith.constant 0 : index
    %get3A_4 = vector.load %arg1[%get3A_2, %get3A_3] : memref<1024x64xf32, #tpu.memory_space<vmem>>, vector<1024x64xf32>
    %dot_general3A = arith.constant dense<0.000000e+00> : vector<128x64xf32>
    %dot_general3A_5 = tpu.matmul %get3A_1, %get3A_4, %dot_general3A {dimension_numbers = #tpu.dot_dimension_numbers<[1], [0], [0], [1], [0, 0, 1, 1], [], []>, transpose_lhs_hint = false} : vector<128x1024xf32>, vector<1024x64xf32>, vector<128x64xf32> -> vector<128x64xf32>
    %reduce_max3A = arith.constant dense<0xFF800000> : vector<128xf32>
    %reduce_max3A_6 = vector.multi_reduction <maximumf>, %dot_general3A_5, %reduce_max3A [1] : vector<128x64xf32> to vector<128xf32>
    %broadcast_in_dim3A = vector.shape_cast %reduce_max3A_6 : vector<128xf32> to vector<128x1xf32>
    %sub3A = vector.broadcast %broadcast_in_dim3A : vector<128x1xf32> to vector<128x64xf32>
    %sub3A_7 = arith.subf %dot_general3A_5, %sub3A : vector<128x64xf32>
    %exp3A = math.exp %sub3A_7 : vector<128x64xf32>
    %reduce_sum3A = arith.constant dense<0.000000e+00> : vector<128xf32>
    %reduce_sum3A_8 = vector.multi_reduction <add>, %exp3A, %reduce_sum3A [1] : vector<128x64xf32> to vector<128xf32>
    %broadcast_in_dim3A_9 = vector.shape_cast %reduce_sum3A_8 : vector<128xf32> to vector<128x1xf32>
    %argmax3A = tpu.reduce_index %dot_general3A_5 {axis = 1 : i32, kind = #tpu.reduction_kind<arg_max>} : vector<128x64xf32> -> vector<128xi32>
    %iota3A = tpu.iota {dimensions = array<i32: 1>} : vector<128x64xi32>
    %broadcast_in_dim3A_10 = vector.shape_cast %argmax3A : vector<128xi32> to vector<128x1xi32>
    %eq3A = vector.broadcast %broadcast_in_dim3A_10 : vector<128x1xi32> to vector<128x64xi32>
    %eq3A_11 = arith.cmpi eq, %iota3A, %eq3A : vector<128x64xi32>
    %div3A = vector.broadcast %broadcast_in_dim3A_9 : vector<128x1xf32> to vector<128x64xf32>
    %div3A_12 = arith.divf %exp3A, %div3A : vector<128x64xf32>
    %jit3A = arith.constant 0.000000e+00 : f32
    %broadcast_in_dim3A_13 = vector.broadcast %jit3A : f32 to vector<128x64xf32>
    %select_n3A = arith.select %eq3A_11, %div3A_12, %broadcast_in_dim3A_13 : vector<128x64xi1>, vector<128x64xf32>
    %swap3A = arith.constant 0 : index
    %swap3A_14 = arith.constant 0 : index
    %swap3A_15 = vector.load %arg2[%swap3A, %swap3A_14] : memref<128x64xf32, #tpu.memory_space<vmem>>, vector<128x64xf32>
    tpu.vector_store %arg2[%swap3A, %swap3A_14], %select_n3A {strides = array<i32>} : memref<128x64xf32, #tpu.memory_space<vmem>>, vector<128x64xf32>,
    %convert_element_type3A = arith.extui %eq3A_11 : vector<128x64xi1> to vector<128x64xi32>
    %convert_element_type3A_16 = arith.sitofp %convert_element_type3A : vector<128x64xi32> to vector<128x64xf32>
    %reduce_sum3A_17 = arith.constant dense<0.000000e+00> : vector<64xf32>
    %reduce_sum3A_18 = vector.multi_reduction <add>, %convert_element_type3A_16, %reduce_sum3A_17 [0] : vector<128x64xf32> to vector<64xf32>
    %broadcast_in_dim3A_19 = vector.shape_cast %reduce_sum3A_18 : vector<64xf32> to vector<1x64xf32>
    %gt3A = arith.constant 0.000000e+00 : f32
    %gt3A_20 = vector.broadcast %gt3A : f32 to vector<1x64xf32>
    %gt3A_21 = arith.cmpf ogt, %broadcast_in_dim3A_19, %gt3A_20 : vector<1x64xf32>
    %convert_element_type3A_22 = arith.extui %gt3A_21 : vector<1x64xi1> to vector<1x64xi32>
    %swap3A_23 = arith.constant 0 : index
    %swap3A_24 = arith.constant 0 : index
    %swap3A_25 = vector.load %arg3[%swap3A_23, %swap3A_24] : memref<1x64xi32, #tpu.memory_space<vmem>>, vector<1x64xi32>
    tpu.vector_store %arg3[%swap3A_23, %swap3A_24], %convert_element_type3A_22 {strides = array<i32>} : memref<1x64xi32, #tpu.memory_space<vmem>>, vector<1x64xi32>,
    return
  }
}

</mosaic_0001>

<sc_bundles>
// kernel: kernel.5.cloned.1.call-start
scs
__scs_entry_jumppad:
0x0: {  	(pc) =	sbr.rel $0x88, $3  }
0x1: {  	(tag) =	ssettag $0x0;
	lr =	simm.s32 $0x1  }
0x2: {  	[smem:$0x3F9D] =	sst lr;
	_ =	strace $0xD0000000  }
0x3: {  	_ = 	snop  }
0x4: {  	_ = 	snop  }
0x5: {  	_ = 	snop  }
0x6: {  	_ = 	snop  }
0x7: {  	_ = 	snop  }
__scs_overlays_trampoline_lowered:
0x8: {  	[smem:$0x3FAC] =	sst s0  }
0x9: {  	[smem:$0x3FAD] =	sst s1  }
0xa: {  	[smem:$0x3FAE] =	sst s2  }
0xb: {  	[smem:$0x3FAF] =	sst s3  }
0xc: {  	[smem:$0x3FB0] =	sst s4  }
0xd: {  	[smem:$0x3FB1] =	sst s5  }
0xe: {  	[smem:$0x3FB2] =	sst s6  }
0xf: {  	[smem:$0x3FB3] =	sst s7  }
0x10: {  	[smem:$0x3FB4] =	sst s8  }
0x11: {  	[smem:$0x3FB5] =	sst s9;
	s0 =	simm.s32 @!p0 $0x0  }
0x12: {  	s1 =	sld [smem:$0x3F9B];
	s0 =	simm.s32 @p0 $0x1  }
0x13: {  	[smem:$0x3FB6] =	sst s0;
	s0 =	simm.s32 @!p1 $0x0  }
0x14: {  	s2 =	sld [smem:$0x3F9A];
	s0 =	simm.s32 @p1 $0x1  }
0x15: {  	[smem:$0x3FB7] =	sst s0;
	s0 =	simm.s32 @!p2 $0x0  }
0x16: {  	s3 =	sld [smem:$0x3FDB];
	s0 =	simm.s32 @p2 $0x1  }
0x17: {  	s4 =	simm.s32 $0x1BF5;
	[smem:$0x3FB9] =	sst s0  }
0x18: {  	s0 =	sld [smem:$0x3F9C];
	_ =	swait.ge [sflag:s4], $0x0  }
0x19: {  	s7 =	sld [smem:$0x3F9D]  }
0x1a: {  	s8 =	sadd.s32 $0xFFFFE003, lr  }
0x1b: {  	s9 =	sadd.s32 $0xFFFFFEF7, lr;
	s5 =	simm.s32 $0xFFFFFFFF;
	p2 =	slt.u32 s8, $0xFFFFF086  }
0x1c: {  	p1 =	slt.u32 s9, $0xF7A;
	s5 =	simm.s32 @!p2 $0x0  }
0x1d: {  	s5 =	simm.s32 @p1 $0x1;
	p0 =	seq.s32 s7, s2  }
0x1e: {  	s7 =	smul.u32 @!p0 $0xF7A, s2;
	p2 =	seq.s32 @!p0 s5, $0x0  }
0x1f: {  	s9 =	smul.u32 $0xF7A, s1;
	s8 =	simm.s32 @!p0 $0x1BF5;
	p2 =	por !p2, p0  }
0x20: {  	[sflag:s8] =	ssyncset.s32 @!p0 $0xFFFFF086;
	s6 =	sadd.s32 @!p0 s3, s7;
	s7 =	simm.s32 @!p0 $0x108  }
0x21: {  	s3 =	sadd.s32 s3, s9;
	s6 =	sadd.s32 @!p0 $0x88, s6;
	s7 =	simm.s32 @p2 $0x1082  }
0x22: {  	[simem:s7], [sflag:s8] =	dma.local @!p0 [hbm:s6], $0xF7A  }
0x23: {  	s9 =	sor.u32 $0xD0000000, s2;
	s6 =	simm.s32 $0x108;
	_ =	swait.ge @!p0 [sflag:s8], $0x0  }
0x24: {  	s3 =	sadd.s32 $0x88, s3;
	s6 =	simm.s32 @!p1 $0x1082;
	[sflag:s4] =	ssyncset.s32 $0xFFFFF086  }
0x25: {  	[simem:s6], [sflag:s4] =	dma.local [hbm:s3], $0xF7A  }
0x26: {  	[smem:$0x3F9D] =	sst s1;
	(tag) =	ssettag s2;
	_ =	strace s9  }
0x27: {  	s1 =	sld [smem:$0x3FAD]  }
0x28: {  	s2 =	sld [smem:$0x3FAE]  }
0x29: {  	s4 =	sld [smem:$0x3FB0]  }
0x2a: {  	p0 =	seq.s32 s5, $0x0;
	s5 =	sld [smem:$0x3FB1]  }
0x2b: {  	s6 =	sld [smem:$0x3FB2]  }
0x2c: {  	s7 =	sld [smem:$0x3FB3]  }
0x2d: {  	s3 =	simm.s32 $0x108;
	s8 =	sld [smem:$0x3FB4]  }
0x2e: {  	s3 =	simm.s32 @!p0 $0x1082;
	s9 =	sld [smem:$0x3FB5]  }
0x2f: {  	lr =	sadd.s32 s0, s3;
	s0 =	sld [smem:$0x3FAC]  }
0x30: {  	s3 =	sld [smem:$0x3FAF]  }
0x31: {  	[smem:$0x3FB8] =	sst s10  }
0x32: {  	s10 =	sld [smem:$0x3FB6];
	_ =	sdelay $0x3  }
0x33: {  	p0 =	seq.s32 s10, $0x1;
	s10 =	sld [smem:$0x3FB8];
	_ =	sdelay $0x3  }
0x34: {  	[smem:$0x3FB8] =	sst s10  }
0x35: {  	s10 =	sld [smem:$0x3FB7];
	_ =	sdelay $0x3  }
0x36: {  	p1 =	seq.s32 s10, $0x1;
	s10 =	sld [smem:$0x3FB8];
	_ =	sdelay $0x3  }
0x37: {  	[smem:$0x3FB8] =	sst s10  }
0x38: {  	s10 =	sld [smem:$0x3FB9]  }
0x39: {  	_ = 	snop;
	(pc) =	sbr.ind lr, $3  }
0x3a: {  	_ = 	snop  }
0x3b: {  	_ = 	snop  }
0x3c: {  	p2 =	seq.s32 s10, $0x1;
	s10 =	sld [smem:$0x3FB8]  }
0x3d: {  	_ =	shalt  }
0x3e: {  	_ =	shalt  }
0x3f: {  	_ =	shalt  }
0x40: {  	_ =	shalt  }
0x41: {  	_ =	shalt  }
0x42: {  	_ =	shalt  }
0x43: {  	_ =	shalt  }
0x44: {  	_ =	shalt  }
0x45: {  	_ =	shalt  }
0x46: {  	_ =	shalt  }
0x47: {  	_ =	shalt  }
0x48: {  	_ =	shalt  }
0x49: {  	_ =	shalt  }
0x4a: {  	_ =	shalt  }
0x4b: {  	_ =	shalt  }
0x4c: {  	_ =	shalt  }
0x4d: {  	_ =	shalt  }
0x4e: {  	_ =	shalt  }
0x4f: {  	_ =	shalt  }
0x50: {  	_ =	shalt  }
0x51: {  	_ =	shalt  }
0x52: {  	_ =	shalt  }
0x53: {  	_ =	shalt  }
0x54: {  	_ =	shalt  }
0x55: {  	_ =	shalt  }
0x56: {  	_ =	shalt  }
0x57: {  	_ =	shalt  }
0x58: {  	_ =	shalt  }
0x59: {  	_ =	shalt  }
0x5a: {  	_ =	shalt  }
0x5b: {  	_ =	shalt  }
0x5c: {  	_ =	shalt  }
0x5d: {  	_ =	shalt  }
0x5e: {  	_ =	shalt  }
0x5f: {  	_ =	shalt  }
0x60: {  	_ =	shalt  }
0x61: {  	_ =	shalt  }
0x62: {  	_ =	shalt  }
0x63: {  	_ =	shalt  }
0x64: {  	_ =	shalt  }
0x65: {  	_ =	shalt  }
0x66: {  	_ =	shalt  }
0x67: {  	_ =	shalt  }
0x68: {  	_ =	shalt  }
0x69: {  	_ =	shalt  }
0x6a: {  	_ =	shalt  }
0x6b: {  	_ =	shalt  }
0x6c: {  	_ =	shalt  }
0x6d: {  	_ =	shalt  }
0x6e: {  	_ =	shalt  }
0x6f: {  	_ =	shalt  }
0x70: {  	_ =	shalt  }
0x71: {  	_ =	shalt  }
0x72: {  	_ =	shalt  }
0x73: {  	_ =	shalt  }
0x74: {  	_ =	shalt  }
0x75: {  	_ =	shalt  }
0x76: {  	_ =	shalt  }
0x77: {  	_ =	shalt  }
0x78: {  	_ =	shalt  }
0x79: {  	_ =	shalt  }
0x7a: {  	_ =	shalt  }
0x7b: {  	_ =	shalt  }
0x7c: {  	_ =	shalt  }
0x7d: {  	_ =	shalt  }
0x7e: {  	_ =	shalt  }
0x7f: {  	_ =	shalt  }
0x80: {  	_ =	shalt  }
0x81: {  	_ =	shalt  }
0x82: {  	_ =	shalt  }
0x83: {  	_ =	shalt  }
0x84: {  	_ =	shalt  }
0x85: {  	_ =	shalt  }
0x86: {  	_ =	shalt  }
0x87: {  	_ =	shalt  }
.Lfunc_end0:
.L_simem_size_0:
called_computation_lowered:
.L_overlay_start_0:
0x88: {  	s2 =	sld [smem:$0x3FD9]  }
0x89: {  	s3 =	sld [smem:$0x3FFE];
	_ =	sdelay $0x1  }
0x8a: {  	s1 =	srdreg.scid  }
0x8b: {  	s0 =	sand.u32 $0x1, s1  }
0x8c: {  	s17 =	sshll.u32 s0, $0xA;
	s2 =	sadd.s32 s3, s2  }
0x8d: {  	s2 =	sadd.s32 s2, s17  }
0x8e: {  	[smem:$0x3FC4] =	sst s2  }
0x8f: {  	_ = 	snop  }
0x90: {  	s2 =	sld [smem:$0x3FD0];
	(tm) =	ssettm $0x1  }
0x91: {  	s18 =	sld [smem:$0x3FFB];
	_ =	sdelay $0x3  }
0x92: {  	_ =	strace s18  }
0x93: {  	s3 =	sld [smem:$0x3FFC];
	_ =	sdelay $0x3  }
0x94: {  	_ =	strace s3  }
0x95: {  	s3 =	sld [smem:$0x3FFD];
	_ =	sdelay $0x3  }
0x96: {  	_ =	strace s3  }
0x97: {  	_ =	strace $0x8FFFFFFF  }
0x98: {  	s19 =	sld [smem:$0x3FDB];
	_ =	sdelay $0x1  }
0x99: {  	s4 =	simm.s32 $_scs_section_size  }
0x9a: {  	s5 =	simm.s32 $_size__tile_overlayer_lowered;
	s6 =	simm.s32 $_tile_overlayer_lowered  }
0x9b: {  	s22 =	simm.s32 $0x1BFF;
	s21 =	sshll.u32 s6, $0x1;
	s3 =	sadd.s32 s4, s19  }
0x9c: {  	s7 =	simm.s32 $0x0;
	s20 =	sshll.u32 s5, $0x1;
	s5 =	sadd.s32 s21, s3  }
0x9d: {  	[timem:s7], [sflag:s22] =	dma.local [hbm:s5], s20  }
0x9e: {  	_ =	swait.ge [sflag:s22], s20  }
0x9f: {  	s4 =	ssub.s32 $0x0, s20;
	[sflag:s22] =	ssyncset.done $0x0  }
0xa0: {  	[sflag:s22] =	ssyncadd.s32 s4;
	_ =	sdelay $0x1  }
0xa1: {  	s23 =	simm.s32 $0x1B8B  }
0xa2: {  	_ =	swait.ge [sflag:s23], $0x1  }
0xa3: {  	[sflag:s23] =	ssyncset.done $0x0  }
0xa4: {  	s25 =	simm.s32 $0x1B8E;
	s24 =	sld [smem:$0x3FFE];
	[sflag:s23] =	ssyncadd.s32 $0xFFFFFFFF  }
0xa5: {  	s26 =	simm.s32 $execute0_lowered;
	[smem:$0x3FD2] =	sst s25  }
0xa6: {  	s5 =	sshll.u32 s26, $0x1;
	_ =	strace $0x80000046;
	[dreg:$0x1] =	wrdreg $0xFFFFFFFF  }
0xa7: {  	s28 =	simm.s32 $_size_execute0_lowered;
	s3 =	sadd.s32 s3, s5;
	[dreg:$0x0] =	wrdreg $0x0  }
0xa8: {  	s5 =	sshll.u32 s28, $0x1;
	[dreg:$0x2] =	wrdreg s3  }
0xa9: {  	[dreg:$0x3] =	wrdreg s5  }
0xaa: {  	[dreg:$0x4] =	wrdreg $0xC0  }
0xab: {  	_ =	task [dreg:s7], $0x5FFFF  }
0xac: {  	[dreg:$0x1] =	wrdreg $0xFFFFFFFF  }
0xad: {  	[dreg:$0x0] =	wrdreg $0x60  }
0xae: {  	[dreg:$0x2] =	wrdreg s2  }
0xaf: {  	[dreg:$0x3] =	wrdreg s24  }
0xb0: {  	[dreg:$0x4] =	wrdreg $0x9  }
0xb1: {  	_ =	task.clear_ibuf [dreg:s7], $0x5FFFF;
	_ =	strace $0x90000046  }
0xb2: {  	s29 =	simm.s32 $0x9;
	_ =	strace $0x80000048  }
0xb3: {  	_ =	swait.ge [sflag:s29], $0x1  }
0xb4: {  	[sflag:s29] =	ssyncadd.s32 $0xFFFFFFFF  }
0xb5: {  	_ =	strace $0x90000048  }
0xb6: {  	_ =	sfence  }
0xb7: {  	s30 =	sld [smem:$0x0];
	_ =	sdelay $0x2  }
0xb8: {  	s31 =	sshll.u32 s1, $0xD;
	s1 =	sshrl.u32 s1, $0x2  }
0xb9: {  	s3 =	sand.u32 $0x4000, s31;
	s1 =	sadd.s32 s1, s30  }
0xba: {  	s0 =	sor.u32 s3, s0;
	s1 =	sshll.u32 s1, $0x11  }
0xbb: {  	s0 =	sor.u32 s1, s0  }
0xbc: {  	s0 =	sadd.s32 $0x8F2B, s0  }
0xbd: {  	[sflag:s0] =	ssyncadd.remote.s32 $0x1  }
0xbe: {  	_ =	sfence.sel $0xFFFF  }
0xbf: {  	[dreg:$0x0] =	wrdreg $0xFFFFFFFF;
	(pc) =	sbr.abs _section_cstart, $3  }
0xc0: {  	[dreg:$0x1] =	wrdreg $0xFFFFFFFF  }
0xc1: {  	_ =	task.clear_ibuf [dreg:s7], $0x2FFFF;
	_ =	strace $0x9FFFFFFF  }
0xc2: {  	(tm) =	ssettm $0x7FFFFFFF  }
0xc3: {  	_ =	shalt  }
tec
execute0_lowered:
.L_overlay_start_1:
0x0: {  	(tag) =	ssettag $0x1  }
0x1: {  	s0 =	rddreg [dreg:$0x0];
	s1 =	srdreg.scid  }
0x2: {  	[dreg:$0x3] =	wrdreg s0;
	s2 =	sand.u32 $0x1, s1;
	s0 =	stileid.u32  }
0x3: {  	s4 =	sor.u32 s0, s2  }
0x4: {  	p0 =	sne.s32 s4, $0x0  }
.Ltmp0:
0x5: {  	_ = 	snop;
	(pc) =	sbr.rel @p0 .LBB2_3-.Ltmp0, $3  }
0x6: {  	_ =	sdelay $0x1  }
0x7: {  	s3 =	rddreg [dreg:$0x1]  }
0x8: {  	s1 =	rddreg [dreg:$0x2];
	_ =	strace $0x80000047  }
0x9: {  	v0 =	vimm.s32 $0x0;
	vm0 =	vcmask $0x300  }
0xa: {  	v1 =	vsel vm0, $0xFFFFFFFF, v0;
	v2 =	vsel vm0, $0x2, v0  }
0xb: {  	v10 =	vsel vm0, $0xA, v0;
	v11 =	vsel vm0, $0xB, v0;
	v12 =	vsel vm0, $0xC, v0  }
0xc: {  	v13 =	vsel vm0, $0xD, v0;
	v14 =	vsel vm0, $0xE, v0;
	v15 =	vsel vm0, $0xF, v0  }
0xd: {  	v16 =	vsel vm0, $0x10, v0;
	v17 =	vsel vm0, $0x11, v0;
	v18 =	vsel vm0, $0x12, v0  }
0xe: {  	v19 =	vsel vm0, $0x13, v0;
	v20 =	vsel vm0, $0x14, v0;
	v21 =	vsel vm0, $0x15, v0  }
0xf: {  	v22 =	vsel vm0, $0x16, v0;
	v23 =	vsel vm0, $0x17, v0;
	v24 =	vsel vm0, $0x18, v0  }
0x10: {  	v25 =	vsel vm0, $0x19, v0;
	v26 =	vsel vm0, $0x1A, v0;
	v27 =	vsel vm0, $0x1B, v0  }
0x11: {  	v28 =	vsel vm0, $0x1C, v0;
	v29 =	vsel vm0, $0x1D, v0;
	v30 =	vsel vm0, $0x1E, v0  }
0x12: {  	v31 =	vsel vm0, $0x1F, v0;
	v32 =	vsel vm0, $0x20, v0;
	v33 =	vsel vm0, $0x21, v0  }
0x13: {  	v34 =	vsel vm0, $0x22, v0;
	v35 =	vsel vm0, $0x23, v0;
	v36 =	vsel vm0, $0x24, v0  }
0x14: {  	v37 =	vsel vm0, $0x25, v0;
	v38 =	vsel vm0, $0x26, v0;
	v39 =	vsel vm0, $0x27, v0  }
0x15: {  	v40 =	vsel vm0, $0x28, v0;
	v41 =	vsel vm0, $0x29, v0;
	v42 =	vsel vm0, $0x2A, v0  }
0x16: {  	v43 =	vsel vm0, $0x2B, v0;
	v44 =	vsel vm0, $0x2C, v0;
	v45 =	vsel vm0, $0x2D, v0  }
0x17: {  	v46 =	vsel vm0, $0x2E, v0;
	v47 =	vsel vm0, $0x2F, v0;
	[tilespmem:$0x1FF80] =	vst v2;
	v2 =	vsel vm0, $0x3, v0  }
0x18: {  	v48 =	vsel vm0, $0x30, v0;
	v49 =	vsel vm0, $0x31, v0;
	[tilespmem:$0x1FF90] =	vst v2;
	v2 =	vsel vm0, $0x4, v0  }
0x19: {  	v50 =	vsel vm0, $0x32, v0;
	v51 =	vsel vm0, $0x33, v0;
	[tilespmem:$0x1FFA0] =	vst v2;
	v2 =	vsel vm0, $0x5, v0  }
0x1a: {  	v52 =	vsel vm0, $0x34, v0;
	v53 =	vsel vm0, $0x35, v0;
	[tilespmem:$0x1FFB0] =	vst v2;
	v2 =	vsel vm0, $0x6, v0  }
0x1b: {  	s4 =	sadd.s32 $0x1400, s3;
	v54 =	vsel vm0, $0x36, v0;
	v55 =	vsel vm0, $0x37, v0;
	[tilespmem:$0x1FFC0] =	vst v2;
	v2 =	vsel vm0, $0x7, v0  }
0x1c: {  	s29 =	sadd.s32 $0x1600, s3;
	s2 =	ssub.s32 $0x2, s2;
	[dreg:$0x4] =	wrdreg s4;
	v56 =	vsel vm0, $0x38, v0;
	v57 =	vsel vm0, $0x39, v0;
	[tilespmem:$0x1FFD0] =	vst v2;
	v2 =	vsel vm0, $0x8, v0  }
0x1d: {  	s31 =	simm.s32 $0x80;
	s5 =	simm.s32 $0x100;
	[dreg:$0x6] =	wrdreg s29;
	v58 =	vsel vm0, $0x3A, v0;
	v59 =	vsel vm0, $0x3B, v0;
	[tilespmem:$0x1FFE0] =	vst v2;
	v2 =	vsel vm0, $0x9, v0  }
0x1e: {  	s3 =	simm.s32 $0x0;
	s30 =	sshrl.u32 s2, $0x1;
	v60 =	vsel vm0, $0x3C, v0;
	v61 =	vsel vm0, $0x3D, v0;
	[dreg:$0x5] =	wrdreg s31;
	[tilespmem:$0x1FFF0] =	vst v2;
	v2 =	vlaneseq.u32  }
0x1f: {  	s4 =	simm.s32 $0x1;
	v62 =	vsel vm0, $0x3E, v0;
	[dreg:$0x7] =	wrdreg s5;
	s2 =	ssub.s32 s2, s30;
	v63 =	vmul.u32 $0xFFFFFFFF, v2;
	v2 =	vsel vm0, $0x3F, v0  }
.LBB2_2:
0x20: {  	s5 =	rddreg [dreg:$0x3]  }
0x21: {  	[tilespmem:s3], [sflag:$0x1] =	stream.linear.gather [hbm4b:s5+s3], $0x40, $0x38;
	[tilespmem:$0x180] =	vst v63  }
0x22: {  	_ =	swait.ge [sflag:s4], $0x40  }
0x23: {  	[sflag:s4] =	ssyncset.done $0x0  }
0x24: {  	[sflag:s4] =	ssyncadd.s32 $0xFFFFFFC0  }
0x25: {  	v3 =	vld [tilespmem:$0x0];
	_ =	sdelay $0x4  }
0x26: {  	(v2sf) =	vpush v3, $0x0;
	_ =	sdelay $0x6  }
0x27: {  	v4 =	vld [tilespmem:$0x80]  }
0x28: {  	v5 =	vld [tilespmem:$0x1];
	v3 =	vbroadcast v3, $0x0;
	_ =	sdelay $0x1  }
0x29: {  	v3 =	vmul.u32 v1, v3;
	_ =	sdelay $0x1  }
0x2a: {  	v3 =	vadd.s32 $0x1, v3  }
0x2b: {  	(v2sf) =	vpush v5, $0x0;
	v3 =	vmul.u32 v4, v3  }
0x2c: {  	[tilespmem:$0x40] =	vst v0  }
0x2d: {  	[tilespmem:$0x80] =	vst v3;
	s13 =	spop (v2sf)  }
0x2e: {  	v3 =	vld [tilespmem:s13+$0x80]  }
0x2f: {  	v4 =	vbroadcast v5, $0x0;
	_ =	sdelay $0x1  }
0x30: {  	v4 =	vand.u32 v1, v4  }
0x31: {  	v5 =	vsub.s32 $0x1, v4  }
0x32: {  	v3 =	vmul.u32 v3, v5;
	_ =	sdelay $0x1  }
0x33: {  	v3 =	vadd.s32 v4, v3  }
0x34: {  	[tilespmem:s13+$0x80] =	vst v3  }
0x35: {  	v3 =	vld [tilespmem:$0x2];
	_ =	sdelay $0x2  }
0x36: {  	s6 =	spop (v2sf)  }
0x37: {  	s5 =	sadd.s32 s13, s6  }
0x38: {  	v4 =	vld [tilespmem:s5+$0x80];
	(v2sf) =	vpush v3, $0x0;
	v3 =	vbroadcast v3, $0x0;
	_ =	sdelay $0x1  }
0x39: {  	v5 =	vmul.u32 v1, v3;
	_ =	sdelay $0x1  }
0x3a: {  	v5 =	vadd.s32 $0x1, v5  }
0x3b: {  	v4 =	vmul.u32 v4, v5;
	v5 =	vld [tilespmem:$0x1FF80];
	_ =	sdelay $0x4  }
0x3c: {  	v3 =	vmul.u32 v5, v3;
	_ =	sdelay $0x1  }
0x3d: {  	v3 =	vadd.s32 v3, v4  }
0x3e: {  	[tilespmem:s5+$0x80] =	vst v3  }
0x3f: {  	v3 =	vld [tilespmem:$0x3];
	_ =	sdelay $0x2  }
0x40: {  	s14 =	spop (v2sf)  }
0x41: {  	s5 =	sadd.s32 s5, s14  }
0x42: {  	v4 =	vld [tilespmem:s5+$0x80];
	(v2sf) =	vpush v3, $0x0;
	v3 =	vbroadcast v3, $0x0;
	_ =	sdelay $0x1  }
0x43: {  	v5 =	vmul.u32 v1, v3;
	_ =	sdelay $0x1  }
0x44: {  	v5 =	vadd.s32 $0x1, v5  }
0x45: {  	v4 =	vmul.u32 v4, v5;
	v5 =	vld [tilespmem:$0x1FF90];
	_ =	sdelay $0x4  }
0x46: {  	v3 =	vmul.u32 v5, v3;
	_ =	sdelay $0x1  }
0x47: {  	v3 =	vadd.s32 v3, v4  }
0x48: {  	[tilespmem:s5+$0x80] =	vst v3  }
0x49: {  	v3 =	vld [tilespmem:$0x4];
	_ =	sdelay $0x2  }
0x4a: {  	s15 =	spop (v2sf)  }
0x4b: {  	s5 =	sadd.s32 s5, s15  }
0x4c: {  	v4 =	vld [tilespmem:s5+$0x80];
	(v2sf) =	vpush v3, $0x0;
	v3 =	vbroadcast v3, $0x0;
	_ =	sdelay $0x1  }
0x4d: {  	v5 =	vmul.u32 v1, v3;
	_ =	sdelay $0x1  }
0x4e: {  	v5 =	vadd.s32 $0x1, v5  }
0x4f: {  	v4 =	vmul.u32 v4, v5;
	v5 =	vld [tilespmem:$0x1FFA0];
	_ =	sdelay $0x4  }
0x50: {  	v3 =	vmul.u32 v5, v3;
	_ =	sdelay $0x1  }
0x51: {  	v3 =	vadd.s32 v3, v4  }
0x52: {  	[tilespmem:s5+$0x80] =	vst v3  }
0x53: {  	v3 =	vld [tilespmem:$0x5];
	_ =	sdelay $0x2  }
0x54: {  	s16 =	spop (v2sf)  }
0x55: {  	s5 =	sadd.s32 s5, s16  }
0x56: {  	v4 =	vld [tilespmem:s5+$0x80];
	(v2sf) =	vpush v3, $0x0;
	v3 =	vbroadcast v3, $0x0;
	_ =	sdelay $0x1  }
0x57: {  	v5 =	vmul.u32 v1, v3;
	_ =	sdelay $0x1  }
0x58: {  	v5 =	vadd.s32 $0x1, v5  }
0x59: {  	v4 =	vmul.u32 v4, v5;
	v5 =	vld [tilespmem:$0x1FFB0];
	_ =	sdelay $0x4  }
0x5a: {  	v3 =	vmul.u32 v5, v3;
	_ =	sdelay $0x1  }
0x5b: {  	v3 =	vadd.s32 v3, v4  }
0x5c: {  	[tilespmem:s5+$0x80] =	vst v3  }
0x5d: {  	v3 =	vld [tilespmem:$0x6];
	_ =	sdelay $0x2  }
0x5e: {  	s17 =	spop (v2sf)  }
0x5f: {  	s5 =	sadd.s32 s5, s17  }
0x60: {  	v4 =	vld [tilespmem:s5+$0x80];
	(v2sf) =	vpush v3, $0x0;
	v3 =	vbroadcast v3, $0x0;
	_ =	sdelay $0x1  }
0x61: {  	v5 =	vmul.u32 v1, v3;
	_ =	sdelay $0x1  }
0x62: {  	v5 =	vadd.s32 $0x1, v5  }
0x63: {  	v4 =	vmul.u32 v4, v5;
	v5 =	vld [tilespmem:$0x1FFC0];
	_ =	sdelay $0x4  }
0x64: {  	v3 =	vmul.u32 v5, v3;
	_ =	sdelay $0x1  }
0x65: {  	v3 =	vadd.s32 v3, v4  }
0x66: {  	[tilespmem:s5+$0x80] =	vst v3  }
0x67: {  	v3 =	vld [tilespmem:$0x7];
	_ =	sdelay $0x2  }
0x68: {  	s18 =	spop (v2sf)  }
0x69: {  	s5 =	sadd.s32 s5, s18  }
0x6a: {  	v4 =	vld [tilespmem:s5+$0x80];
	(v2sf) =	vpush v3, $0x0;
	v3 =	vbroadcast v3, $0x0;
	_ =	sdelay $0x1  }
0x6b: {  	v5 =	vmul.u32 v1, v3;
	_ =	sdelay $0x1  }
0x6c: {  	v5 =	vadd.s32 $0x1, v5  }
0x6d: {  	v4 =	vmul.u32 v4, v5;
	v5 =	vld [tilespmem:$0x1FFD0];
	_ =	sdelay $0x4  }
0x6e: {  	v3 =	vmul.u32 v5, v3;
	_ =	sdelay $0x1  }
0x6f: {  	v3 =	vadd.s32 v3, v4  }
0x70: {  	[tilespmem:s5+$0x80] =	vst v3  }
0x71: {  	v3 =	vld [tilespmem:$0x8];
	_ =	sdelay $0x2  }
0x72: {  	s19 =	spop (v2sf)  }
0x73: {  	s5 =	sadd.s32 s5, s19  }
0x74: {  	v4 =	vld [tilespmem:s5+$0x80];
	(v2sf) =	vpush v3, $0x0;
	v3 =	vbroadcast v3, $0x0;
	_ =	sdelay $0x1  }
0x75: {  	v5 =	vmul.u32 v1, v3;
	_ =	sdelay $0x1  }
0x76: {  	v5 =	vadd.s32 $0x1, v5  }
0x77: {  	v4 =	vmul.u32 v4, v5;
	v5 =	vld [tilespmem:$0x1FFE0];
	_ =	sdelay $0x4  }
0x78: {  	v3 =	vmul.u32 v5, v3;
	_ =	sdelay $0x1  }
0x79: {  	v3 =	vadd.s32 v3, v4  }
0x7a: {  	[tilespmem:s5+$0x80] =	vst v3  }
0x7b: {  	v3 =	vld [tilespmem:$0x9];
	_ =	sdelay $0x2  }
0x7c: {  	s20 =	spop (v2sf)  }
0x7d: {  	s5 =	sadd.s32 s5, s20  }
0x7e: {  	v4 =	vld [tilespmem:s5+$0x80];
	(v2sf) =	vpush v3, $0x0;
	v3 =	vbroadcast v3, $0x0;
	_ =	sdelay $0x1  }
0x7f: {  	v5 =	vmul.u32 v1, v3;
	_ =	sdelay $0x1  }
0x80: {  	v5 =	vadd.s32 $0x1, v5  }
0x81: {  	v4 =	vmul.u32 v4, v5;
	v5 =	vld [tilespmem:$0x1FFF0];
	_ =	sdelay $0x4  }
0x82: {  	v3 =	vmul.u32 v5, v3;
	_ =	sdelay $0x1  }
0x83: {  	v3 =	vadd.s32 v3, v4  }
0x84: {  	[tilespmem:s5+$0x80] =	vst v3  }
0x85: {  	v3 =	vld [tilespmem:$0xA];
	_ =	sdelay $0x2  }
0x86: {  	s21 =	spop (v2sf)  }
0x87: {  	s5 =	sadd.s32 s5, s21  }
0x88: {  	v4 =	vld [tilespmem:s5+$0x80];
	(v2sf) =	vpush v3, $0x0;
	v3 =	vbroadcast v3, $0x0;
	_ =	sdelay $0x1  }
0x89: {  	v5 =	vmul.u32 v1, v3;
	_ =	sdelay $0x1  }
0x8a: {  	v5 =	vadd.s32 $0x1, v5  }
0x8b: {  	v3 =	vmul.u32 v10, v3;
	v4 =	vmul.u32 v4, v5;
	_ =	sdelay $0x1  }
0x8c: {  	v3 =	vadd.s32 v3, v4  }
0x8d: {  	[tilespmem:s5+$0x80] =	vst v3  }
0x8e: {  	v3 =	vld [tilespmem:$0xB];
	_ =	sdelay $0x4  }
0x8f: {  	(v2sf) =	vpush v3, $0x0  }
0x90: {  	s22 =	spop (v2sf)  }
0x91: {  	s5 =	sadd.s32 s5, s22  }
0x92: {  	v3 =	vbroadcast v3, $0x0;
	v4 =	vld [tilespmem:s5+$0x80];
	_ =	sdelay $0x1  }
0x93: {  	v5 =	vmul.u32 v1, v3;
	_ =	sdelay $0x1  }
0x94: {  	v5 =	vadd.s32 $0x1, v5  }
0x95: {  	v3 =	vmul.u32 v11, v3;
	v4 =	vmul.u32 v4, v5;
	_ =	sdelay $0x1  }
0x96: {  	v3 =	vadd.s32 v3, v4  }
0x97: {  	[tilespmem:s5+$0x80] =	vst v3  }
0x98: {  	v3 =	vld [tilespmem:$0xC];
	_ =	sdelay $0x2  }
0x99: {  	s23 =	spop (v2sf)  }
0x9a: {  	s5 =	sadd.s32 s5, s23  }
0x9b: {  	(v2sf) =	vpush v3, $0x0;
	v3 =	vbroadcast v3, $0x0;
	v4 =	vld [tilespmem:s5+$0x80];
	_ =	sdelay $0x1  }
0x9c: {  	v5 =	vmul.u32 v1, v3;
	_ =	sdelay $0x1  }
0x9d: {  	v5 =	vadd.s32 $0x1, v5  }
0x9e: {  	v3 =	vmul.u32 v12, v3;
	v4 =	vmul.u32 v4, v5;
	_ =	sdelay $0x1  }
0x9f: {  	v3 =	vadd.s32 v3, v4  }
0xa0: {  	[tilespmem:s5+$0x80] =	vst v3  }
0xa1: {  	v3 =	vld [tilespmem:$0xD];
	_ =	sdelay $0x4  }
0xa2: {  	(v2sf) =	vpush v3, $0x0  }
0xa3: {  	s24 =	spop (v2sf)  }
0xa4: {  	s5 =	sadd.s32 s5, s24  }
0xa5: {  	v3 =	vbroadcast v3, $0x0;
	v4 =	vld [tilespmem:s5+$0x80];
	_ =	sdelay $0x1  }
0xa6: {  	v5 =	vmul.u32 v1, v3;
	_ =	sdelay $0x1  }
0xa7: {  	v5 =	vadd.s32 $0x1, v5  }
0xa8: {  	v3 =	vmul.u32 v13, v3;
	v4 =	vmul.u32 v4, v5;
	_ =	sdelay $0x1  }
0xa9: {  	v3 =	vadd.s32 v3, v4  }
0xaa: {  	[tilespmem:s5+$0x80] =	vst v3  }
0xab: {  	v3 =	vld [tilespmem:$0xE];
	_ =	sdelay $0x2  }
0xac: {  	s25 =	spop (v2sf)  }
0xad: {  	s5 =	sadd.s32 s5, s25  }
0xae: {  	(v2sf) =	vpush v3, $0x0;
	v3 =	vbroadcast v3, $0x0;
	v4 =	vld [tilespmem:s5+$0x80];
	_ =	sdelay $0x1  }
0xaf: {  	v5 =	vmul.u32 v1, v3;
	_ =	sdelay $0x1  }
0xb0: {  	v5 =	vadd.s32 $0x1, v5  }
0xb1: {  	v3 =	vmul.u32 v14, v3;
	v4 =	vmul.u32 v4, v5;
	_ =	sdelay $0x1  }
0xb2: {  	v3 =	vadd.s32 v3, v4  }
0xb3: {  	[tilespmem:s5+$0x80] =	vst v3  }
0xb4: {  	v3 =	vld [tilespmem:$0xF];
	_ =	sdelay $0x4  }
0xb5: {  	(v2sf) =	vpush v3, $0x0  }
0xb6: {  	s26 =	spop (v2sf)  }
0xb7: {  	s5 =	sadd.s32 s5, s26  }
0xb8: {  	v3 =	vbroadcast v3, $0x0;
	v4 =	vld [tilespmem:s5+$0x80];
	_ =	sdelay $0x1  }
0xb9: {  	v5 =	vmul.u32 v1, v3;
	_ =	sdelay $0x1  }
0xba: {  	v5 =	vadd.s32 $0x1, v5  }
0xbb: {  	v3 =	vmul.u32 v15, v3;
	v4 =	vmul.u32 v4, v5;
	_ =	sdelay $0x1  }
0xbc: {  	v3 =	vadd.s32 v3, v4  }
0xbd: {  	[tilespmem:s5+$0x80] =	vst v3  }
0xbe: {  	v3 =	vld [tilespmem:$0x10];
	_ =	sdelay $0x2  }
0xbf: {  	s28 =	spop (v2sf)  }
0xc0: {  	s5 =	sadd.s32 s5, s28  }
0xc1: {  	(v2sf) =	vpush v3, $0x0;
	v3 =	vbroadcast v3, $0x0;
	v4 =	vld [tilespmem:s5+$0x80];
	_ =	sdelay $0x1  }
0xc2: {  	v5 =	vmul.u32 v1, v3;
	_ =	sdelay $0x1  }
0xc3: {  	v5 =	vadd.s32 $0x1, v5  }
0xc4: {  	v3 =	vmul.u32 v16, v3;
	v4 =	vmul.u32 v4, v5;
	_ =	sdelay $0x1  }
0xc5: {  	v3 =	vadd.s32 v3, v4  }
0xc6: {  	[tilespmem:s5+$0x80] =	vst v3  }
0xc7: {  	v3 =	vld [tilespmem:$0x11];
	_ =	sdelay $0x4  }
0xc8: {  	(v2sf) =	vpush v3, $0x0  }
0xc9: {  	s29 =	spop (v2sf)  }
0xca: {  	s5 =	sadd.s32 s5, s29  }
0xcb: {  	v3 =	vbroadcast v3, $0x0;
	v4 =	vld [tilespmem:s5+$0x80];
	_ =	sdelay $0x1  }
0xcc: {  	v5 =	vmul.u32 v1, v3;
	_ =	sdelay $0x1  }
0xcd: {  	v5 =	vadd.s32 $0x1, v5  }
0xce: {  	v3 =	vmul.u32 v17, v3;
	v4 =	vmul.u32 v4, v5;
	_ =	sdelay $0x1  }
0xcf: {  	v3 =	vadd.s32 v3, v4  }
0xd0: {  	[tilespmem:s5+$0x80] =	vst v3  }
0xd1: {  	v3 =	vld [tilespmem:$0x12];
	_ =	sdelay $0x2  }
0xd2: {  	s30 =	spop (v2sf)  }
0xd3: {  	s5 =	sadd.s32 s5, s30  }
0xd4: {  	(v2sf) =	vpush v3, $0x0;
	v3 =	vbroadcast v3, $0x0;
	v4 =	vld [tilespmem:s5+$0x80];
	_ =	sdelay $0x1  }
0xd5: {  	v5 =	vmul.u32 v1, v3;
	_ =	sdelay $0x1  }
0xd6: {  	v5 =	vadd.s32 $0x1, v5  }
0xd7: {  	v3 =	vmul.u32 v18, v3;
	v4 =	vmul.u32 v4, v5;
	_ =	sdelay $0x1  }
0xd8: {  	v3 =	vadd.s32 v3, v4  }
0xd9: {  	[tilespmem:s5+$0x80] =	vst v3  }
0xda: {  	v3 =	vld [tilespmem:$0x13];
	_ =	sdelay $0x4  }
0xdb: {  	(v2sf) =	vpush v3, $0x0  }
0xdc: {  	s31 =	spop (v2sf)  }
0xdd: {  	s5 =	sadd.s32 s5, s31  }
0xde: {  	v3 =	vbroadcast v3, $0x0;
	v4 =	vld [tilespmem:s5+$0x80];
	_ =	sdelay $0x1  }
0xdf: {  	v5 =	vmul.u32 v1, v3;
	_ =	sdelay $0x1  }
0xe0: {  	v5 =	vadd.s32 $0x1, v5  }
0xe1: {  	v3 =	vmul.u32 v19, v3;
	v4 =	vmul.u32 v4, v5;
	_ =	sdelay $0x1  }
0xe2: {  	v3 =	vadd.s32 v3, v4  }
0xe3: {  	[tilespmem:s5+$0x80] =	vst v3  }
0xe4: {  	v3 =	vld [tilespmem:$0x14];
	_ =	sdelay $0x2  }
0xe5: {  	s7 =	spop (v2sf)  }
0xe6: {  	s5 =	sadd.s32 s5, s7  }
0xe7: {  	(v2sf) =	vpush v3, $0x0;
	v3 =	vbroadcast v3, $0x0;
	v4 =	vld [tilespmem:s5+$0x80];
	_ =	sdelay $0x1  }
0xe8: {  	v5 =	vmul.u32 v1, v3;
	_ =	sdelay $0x1  }
0xe9: {  	v5 =	vadd.s32 $0x1, v5  }
0xea: {  	v3 =	vmul.u32 v20, v3;
	v4 =	vmul.u32 v4, v5;
	_ =	sdelay $0x1  }
0xeb: {  	v3 =	vadd.s32 v3, v4  }
0xec: {  	[tilespmem:s5+$0x80] =	vst v3  }
0xed: {  	v3 =	vld [tilespmem:$0x15];
	_ =	sdelay $0x4  }
0xee: {  	(v2sf) =	vpush v3, $0x0  }
0xef: {  	s8 =	spop (v2sf)  }
0xf0: {  	s5 =	sadd.s32 s5, s8  }
0xf1: {  	v3 =	vbroadcast v3, $0x0;
	v4 =	vld [tilespmem:s5+$0x80];
	_ =	sdelay $0x1  }
0xf2: {  	v5 =	vmul.u32 v1, v3;
	_ =	sdelay $0x1  }
0xf3: {  	v5 =	vadd.s32 $0x1, v5  }
0xf4: {  	v3 =	vmul.u32 v21, v3;
	v4 =	vmul.u32 v4, v5;
	_ =	sdelay $0x1  }
0xf5: {  	v3 =	vadd.s32 v3, v4  }
0xf6: {  	[tilespmem:s5+$0x80] =	vst v3  }
0xf7: {  	v3 =	vld [tilespmem:$0x16];
	_ =	sdelay $0x2  }
0xf8: {  	s9 =	spop (v2sf)  }
0xf9: {  	s5 =	sadd.s32 s5, s9  }
0xfa: {  	(v2sf) =	vpush v3, $0x0;
	v3 =	vbroadcast v3, $0x0;
	v4 =	vld [tilespmem:s5+$0x80];
	_ =	sdelay $0x1  }
0xfb: {  	v5 =	vmul.u32 v1, v3;
	_ =	sdelay $0x1  }
0xfc: {  	v5 =	vadd.s32 $0x1, v5  }
0xfd: {  	v3 =	vmul.u32 v22, v3;
	v4 =	vmul.u32 v4, v5;
	_ =	sdelay $0x1  }
0xfe: {  	v3 =	vadd.s32 v3, v4  }
0xff: {  	[tilespmem:s5+$0x80] =	vst v3  }
0x100: {  	v3 =	vld [tilespmem:$0x17];
	_ =	sdelay $0x4  }
0x101: {  	(v2sf) =	vpush v3, $0x0  }
0x102: {  	s10 =	spop (v2sf)  }
0x103: {  	s5 =	sadd.s32 s5, s10  }
0x104: {  	v3 =	vbroadcast v3, $0x0;
	v4 =	vld [tilespmem:s5+$0x80];
	_ =	sdelay $0x1  }
0x105: {  	v5 =	vmul.u32 v1, v3;
	_ =	sdelay $0x1  }
0x106: {  	v5 =	vadd.s32 $0x1, v5  }
0x107: {  	v3 =	vmul.u32 v23, v3;
	v4 =	vmul.u32 v4, v5;
	_ =	sdelay $0x1  }
0x108: {  	v3 =	vadd.s32 v3, v4  }
0x109: {  	[tilespmem:s5+$0x80] =	vst v3  }
0x10a: {  	v3 =	vld [tilespmem:$0x18];
	_ =	sdelay $0x2  }
0x10b: {  	s11 =	spop (v2sf)  }
0x10c: {  	s5 =	sadd.s32 s5, s11  }
0x10d: {  	(v2sf) =	vpush v3, $0x0;
	v3 =	vbroadcast v3, $0x0;
	v4 =	vld [tilespmem:s5+$0x80];
	_ =	sdelay $0x1  }
0x10e: {  	v5 =	vmul.u32 v1, v3;
	_ =	sdelay $0x1  }
0x10f: {  	v5 =	vadd.s32 $0x1, v5  }
0x110: {  	v3 =	vmul.u32 v24, v3;
	v4 =	vmul.u32 v4, v5;
	_ =	sdelay $0x1  }
0x111: {  	v3 =	vadd.s32 v3, v4  }
0x112: {  	[tilespmem:s5+$0x80] =	vst v3  }
0x113: {  	v3 =	vld [tilespmem:$0x19];
	_ =	sdelay $0x4  }
0x114: {  	(v2sf) =	vpush v3, $0x0  }
0x115: {  	s12 =	spop (v2sf)  }
0x116: {  	s5 =	sadd.s32 s5, s12  }
0x117: {  	v3 =	vbroadcast v3, $0x0;
	v4 =	vld [tilespmem:s5+$0x80];
	_ =	sdelay $0x1  }
0x118: {  	v5 =	vmul.u32 v1, v3;
	_ =	sdelay $0x1  }
0x119: {  	v5 =	vadd.s32 $0x1, v5  }
0x11a: {  	v3 =	vmul.u32 v25, v3;
	v4 =	vmul.u32 v4, v5;
	_ =	sdelay $0x1  }
0x11b: {  	v3 =	vadd.s32 v3, v4  }
0x11c: {  	[tilespmem:s5+$0x80] =	vst v3  }
0x11d: {  	v3 =	vld [tilespmem:$0x1A];
	_ =	sdelay $0x2  }
0x11e: {  	s13 =	spop (v2sf)  }
0x11f: {  	s5 =	sadd.s32 s5, s13  }
0x120: {  	(v2sf) =	vpush v3, $0x0;
	v3 =	vbroadcast v3, $0x0;
	v4 =	vld [tilespmem:s5+$0x80];
	_ =	sdelay $0x1  }
0x121: {  	v5 =	vmul.u32 v1, v3;
	_ =	sdelay $0x1  }
0x122: {  	v5 =	vadd.s32 $0x1, v5  }
0x123: {  	v3 =	vmul.u32 v26, v3;
	v4 =	vmul.u32 v4, v5;
	_ =	sdelay $0x1  }
0x124: {  	v3 =	vadd.s32 v3, v4  }
0x125: {  	[tilespmem:s5+$0x80] =	vst v3  }
0x126: {  	v3 =	vld [tilespmem:$0x1B];
	_ =	sdelay $0x4  }
0x127: {  	(v2sf) =	vpush v3, $0x0  }
0x128: {  	s14 =	spop (v2sf)  }
0x129: {  	s5 =	sadd.s32 s5, s14  }
0x12a: {  	v3 =	vbroadcast v3, $0x0;
	v4 =	vld [tilespmem:s5+$0x80];
	_ =	sdelay $0x1  }
0x12b: {  	v5 =	vmul.u32 v1, v3;
	_ =	sdelay $0x1  }
0x12c: {  	v5 =	vadd.s32 $0x1, v5  }
0x12d: {  	v3 =	vmul.u32 v27, v3;
	v4 =	vmul.u32 v4, v5;
	_ =	sdelay $0x1  }
0x12e: {  	v3 =	vadd.s32 v3, v4  }
0x12f: {  	[tilespmem:s5+$0x80] =	vst v3  }
0x130: {  	v3 =	vld [tilespmem:$0x1C];
	_ =	sdelay $0x2  }
0x131: {  	s15 =	spop (v2sf)  }
0x132: {  	s5 =	sadd.s32 s5, s15  }
0x133: {  	(v2sf) =	vpush v3, $0x0;
	v3 =	vbroadcast v3, $0x0;
	v4 =	vld [tilespmem:s5+$0x80];
	_ =	sdelay $0x1  }
0x134: {  	v5 =	vmul.u32 v1, v3;
	_ =	sdelay $0x1  }
0x135: {  	v5 =	vadd.s32 $0x1, v5  }
0x136: {  	v3 =	vmul.u32 v28, v3;
	v4 =	vmul.u32 v4, v5;
	_ =	sdelay $0x1  }
0x137: {  	v3 =	vadd.s32 v3, v4  }
0x138: {  	[tilespmem:s5+$0x80] =	vst v3  }
0x139: {  	v3 =	vld [tilespmem:$0x1D];
	_ =	sdelay $0x4  }
0x13a: {  	(v2sf) =	vpush v3, $0x0  }
0x13b: {  	s16 =	spop (v2sf)  }
0x13c: {  	s5 =	sadd.s32 s5, s16  }
0x13d: {  	v3 =	vbroadcast v3, $0x0;
	v4 =	vld [tilespmem:s5+$0x80];
	_ =	sdelay $0x1  }
0x13e: {  	v5 =	vmul.u32 v1, v3;
	_ =	sdelay $0x1  }
0x13f: {  	v5 =	vadd.s32 $0x1, v5  }
0x140: {  	v3 =	vmul.u32 v29, v3;
	v4 =	vmul.u32 v4, v5;
	_ =	sdelay $0x1  }
0x141: {  	v3 =	vadd.s32 v3, v4  }
0x142: {  	[tilespmem:s5+$0x80] =	vst v3  }
0x143: {  	v3 =	vld [tilespmem:$0x1E];
	_ =	sdelay $0x2  }
0x144: {  	s17 =	spop (v2sf)  }
0x145: {  	s5 =	sadd.s32 s5, s17  }
0x146: {  	(v2sf) =	vpush v3, $0x0;
	v3 =	vbroadcast v3, $0x0;
	v4 =	vld [tilespmem:s5+$0x80];
	_ =	sdelay $0x1  }
0x147: {  	v5 =	vmul.u32 v1, v3;
	_ =	sdelay $0x1  }
0x148: {  	v5 =	vadd.s32 $0x1, v5  }
0x149: {  	v3 =	vmul.u32 v30, v3;
	v4 =	vmul.u32 v4, v5;
	_ =	sdelay $0x1  }
0x14a: {  	v3 =	vadd.s32 v3, v4  }
0x14b: {  	[tilespmem:s5+$0x80] =	vst v3  }
0x14c: {  	v3 =	vld [tilespmem:$0x1F];
	_ =	sdelay $0x4  }
0x14d: {  	(v2sf) =	vpush v3, $0x0  }
0x14e: {  	s18 =	spop (v2sf)  }
0x14f: {  	s5 =	sadd.s32 s5, s18  }
0x150: {  	v3 =	vbroadcast v3, $0x0;
	v4 =	vld [tilespmem:s5+$0x80];
	_ =	sdelay $0x1  }
0x151: {  	v5 =	vmul.u32 v1, v3;
	_ =	sdelay $0x1  }
0x152: {  	v5 =	vadd.s32 $0x1, v5  }
0x153: {  	v3 =	vmul.u32 v31, v3;
	v4 =	vmul.u32 v4, v5;
	_ =	sdelay $0x1  }
0x154: {  	v3 =	vadd.s32 v3, v4  }
0x155: {  	[tilespmem:s5+$0x80] =	vst v3  }
0x156: {  	v3 =	vld [tilespmem:$0x20];
	_ =	sdelay $0x2  }
0x157: {  	s19 =	spop (v2sf)  }
0x158: {  	s5 =	sadd.s32 s5, s19  }
0x159: {  	(v2sf) =	vpush v3, $0x0;
	v3 =	vbroadcast v3, $0x0;
	v4 =	vld [tilespmem:s5+$0x80];
	_ =	sdelay $0x1  }
0x15a: {  	v5 =	vmul.u32 v1, v3;
	_ =	sdelay $0x1  }
0x15b: {  	v5 =	vadd.s32 $0x1, v5  }
0x15c: {  	v3 =	vmul.u32 v32, v3;
	v4 =	vmul.u32 v4, v5;
	_ =	sdelay $0x1  }
0x15d: {  	v3 =	vadd.s32 v3, v4  }
0x15e: {  	[tilespmem:s5+$0x80] =	vst v3  }
0x15f: {  	v3 =	vld [tilespmem:$0x21];
	_ =	sdelay $0x4  }
0x160: {  	(v2sf) =	vpush v3, $0x0  }
0x161: {  	s20 =	spop (v2sf)  }
0x162: {  	s5 =	sadd.s32 s5, s20  }
0x163: {  	v3 =	vbroadcast v3, $0x0;
	v4 =	vld [tilespmem:s5+$0x80];
	_ =	sdelay $0x1  }
0x164: {  	v5 =	vmul.u32 v1, v3;
	_ =	sdelay $0x1  }
0x165: {  	v5 =	vadd.s32 $0x1, v5  }
0x166: {  	v3 =	vmul.u32 v33, v3;
	v4 =	vmul.u32 v4, v5;
	_ =	sdelay $0x1  }
0x167: {  	v3 =	vadd.s32 v3, v4  }
0x168: {  	[tilespmem:s5+$0x80] =	vst v3  }
0x169: {  	v3 =	vld [tilespmem:$0x22];
	_ =	sdelay $0x2  }
0x16a: {  	s21 =	spop (v2sf)  }
0x16b: {  	s5 =	sadd.s32 s5, s21  }
0x16c: {  	(v2sf) =	vpush v3, $0x0;
	v3 =	vbroadcast v3, $0x0;
	v4 =	vld [tilespmem:s5+$0x80];
	_ =	sdelay $0x1  }
0x16d: {  	v5 =	vmul.u32 v1, v3;
	_ =	sdelay $0x1  }
0x16e: {  	v5 =	vadd.s32 $0x1, v5  }
0x16f: {  	v3 =	vmul.u32 v34, v3;
	v4 =	vmul.u32 v4, v5;
	_ =	sdelay $0x1  }
0x170: {  	v3 =	vadd.s32 v3, v4  }
0x171: {  	[tilespmem:s5+$0x80] =	vst v3  }
0x172: {  	v3 =	vld [tilespmem:$0x23];
	_ =	sdelay $0x4  }
0x173: {  	(v2sf) =	vpush v3, $0x0  }
0x174: {  	s22 =	spop (v2sf)  }
0x175: {  	s5 =	sadd.s32 s5, s22  }
0x176: {  	v3 =	vbroadcast v3, $0x0;
	v4 =	vld [tilespmem:s5+$0x80];
	_ =	sdelay $0x1  }
0x177: {  	v5 =	vmul.u32 v1, v3;
	_ =	sdelay $0x1  }
0x178: {  	v5 =	vadd.s32 $0x1, v5  }
0x179: {  	v3 =	vmul.u32 v35, v3;
	v4 =	vmul.u32 v4, v5;
	_ =	sdelay $0x1  }
0x17a: {  	v3 =	vadd.s32 v3, v4  }
0x17b: {  	[tilespmem:s5+$0x80] =	vst v3  }
0x17c: {  	v3 =	vld [tilespmem:$0x24];
	_ =	sdelay $0x2  }
0x17d: {  	s23 =	spop (v2sf)  }
0x17e: {  	s5 =	sadd.s32 s5, s23  }
0x17f: {  	(v2sf) =	vpush v3, $0x0;
	v3 =	vbroadcast v3, $0x0;
	v4 =	vld [tilespmem:s5+$0x80];
	_ =	sdelay $0x1  }
0x180: {  	v5 =	vmul.u32 v1, v3;
	_ =	sdelay $0x1  }
0x181: {  	v5 =	vadd.s32 $0x1, v5  }
0x182: {  	v3 =	vmul.u32 v36, v3;
	v4 =	vmul.u32 v4, v5;
	_ =	sdelay $0x1  }
0x183: {  	v3 =	vadd.s32 v3, v4  }
0x184: {  	[tilespmem:s5+$0x80] =	vst v3  }
0x185: {  	v3 =	vld [tilespmem:$0x25];
	_ =	sdelay $0x4  }
0x186: {  	(v2sf) =	vpush v3, $0x0  }
0x187: {  	s24 =	spop (v2sf)  }
0x188: {  	s5 =	sadd.s32 s5, s24  }
0x189: {  	v3 =	vbroadcast v3, $0x0;
	v4 =	vld [tilespmem:s5+$0x80];
	_ =	sdelay $0x1  }
0x18a: {  	v5 =	vmul.u32 v1, v3;
	_ =	sdelay $0x1  }
0x18b: {  	v5 =	vadd.s32 $0x1, v5  }
0x18c: {  	v3 =	vmul.u32 v37, v3;
	v4 =	vmul.u32 v4, v5;
	_ =	sdelay $0x1  }
0x18d: {  	v3 =	vadd.s32 v3, v4  }
0x18e: {  	[tilespmem:s5+$0x80] =	vst v3  }
0x18f: {  	v3 =	vld [tilespmem:$0x26];
	_ =	sdelay $0x2  }
0x190: {  	s25 =	spop (v2sf)  }
0x191: {  	s5 =	sadd.s32 s5, s25  }
0x192: {  	(v2sf) =	vpush v3, $0x0;
	v3 =	vbroadcast v3, $0x0;
	v4 =	vld [tilespmem:s5+$0x80];
	_ =	sdelay $0x1  }
0x193: {  	v5 =	vmul.u32 v1, v3;
	_ =	sdelay $0x1  }
0x194: {  	v5 =	vadd.s32 $0x1, v5  }
0x195: {  	v3 =	vmul.u32 v38, v3;
	v4 =	vmul.u32 v4, v5;
	_ =	sdelay $0x1  }
0x196: {  	v3 =	vadd.s32 v3, v4  }
0x197: {  	[tilespmem:s5+$0x80] =	vst v3  }
0x198: {  	v3 =	vld [tilespmem:$0x27];
	_ =	sdelay $0x4  }
0x199: {  	(v2sf) =	vpush v3, $0x0  }
0x19a: {  	s26 =	spop (v2sf)  }
0x19b: {  	s5 =	sadd.s32 s5, s26  }
0x19c: {  	v3 =	vbroadcast v3, $0x0;
	v4 =	vld [tilespmem:s5+$0x80];
	_ =	sdelay $0x1  }
0x19d: {  	v5 =	vmul.u32 v1, v3;
	_ =	sdelay $0x1  }
0x19e: {  	v5 =	vadd.s32 $0x1, v5  }
0x19f: {  	v3 =	vmul.u32 v39, v3;
	v4 =	vmul.u32 v4, v5;
	_ =	sdelay $0x1  }
0x1a0: {  	v3 =	vadd.s32 v3, v4  }
0x1a1: {  	[tilespmem:s5+$0x80] =	vst v3  }
0x1a2: {  	v3 =	vld [tilespmem:$0x28];
	_ =	sdelay $0x2  }
0x1a3: {  	s28 =	spop (v2sf)  }
0x1a4: {  	s5 =	sadd.s32 s5, s28  }
0x1a5: {  	(v2sf) =	vpush v3, $0x0;
	v3 =	vbroadcast v3, $0x0;
	v4 =	vld [tilespmem:s5+$0x80];
	_ =	sdelay $0x1  }
0x1a6: {  	v5 =	vmul.u32 v1, v3;
	_ =	sdelay $0x1  }
0x1a7: {  	v5 =	vadd.s32 $0x1, v5  }
0x1a8: {  	v3 =	vmul.u32 v40, v3;
	v4 =	vmul.u32 v4, v5;
	_ =	sdelay $0x1  }
0x1a9: {  	v3 =	vadd.s32 v3, v4  }
0x1aa: {  	[tilespmem:s5+$0x80] =	vst v3  }
0x1ab: {  	v3 =	vld [tilespmem:$0x29];
	_ =	sdelay $0x4  }
0x1ac: {  	(v2sf) =	vpush v3, $0x0  }
0x1ad: {  	s29 =	spop (v2sf)  }
0x1ae: {  	s5 =	sadd.s32 s5, s29  }
0x1af: {  	v3 =	vbroadcast v3, $0x0;
	v4 =	vld [tilespmem:s5+$0x80];
	_ =	sdelay $0x1  }
0x1b0: {  	v5 =	vmul.u32 v1, v3;
	_ =	sdelay $0x1  }
0x1b1: {  	v5 =	vadd.s32 $0x1, v5  }
0x1b2: {  	v3 =	vmul.u32 v41, v3;
	v4 =	vmul.u32 v4, v5;
	_ =	sdelay $0x1  }
0x1b3: {  	v3 =	vadd.s32 v3, v4  }
0x1b4: {  	[tilespmem:s5+$0x80] =	vst v3  }
0x1b5: {  	v3 =	vld [tilespmem:$0x2A];
	_ =	sdelay $0x2  }
0x1b6: {  	s30 =	spop (v2sf)  }
0x1b7: {  	s5 =	sadd.s32 s5, s30  }
0x1b8: {  	(v2sf) =	vpush v3, $0x0;
	v3 =	vbroadcast v3, $0x0;
	v4 =	vld [tilespmem:s5+$0x80];
	_ =	sdelay $0x1  }
0x1b9: {  	v5 =	vmul.u32 v1, v3;
	_ =	sdelay $0x1  }
0x1ba: {  	v5 =	vadd.s32 $0x1, v5  }
0x1bb: {  	v3 =	vmul.u32 v42, v3;
	v4 =	vmul.u32 v4, v5;
	_ =	sdelay $0x1  }
0x1bc: {  	v3 =	vadd.s32 v3, v4  }
0x1bd: {  	[tilespmem:s5+$0x80] =	vst v3  }
0x1be: {  	v3 =	vld [tilespmem:$0x2B];
	_ =	sdelay $0x4  }
0x1bf: {  	(v2sf) =	vpush v3, $0x0  }
0x1c0: {  	s31 =	spop (v2sf)  }
0x1c1: {  	s5 =	sadd.s32 s5, s31  }
0x1c2: {  	v3 =	vbroadcast v3, $0x0;
	v4 =	vld [tilespmem:s5+$0x80];
	_ =	sdelay $0x1  }
0x1c3: {  	v5 =	vmul.u32 v1, v3;
	_ =	sdelay $0x1  }
0x1c4: {  	v5 =	vadd.s32 $0x1, v5  }
0x1c5: {  	v3 =	vmul.u32 v43, v3;
	v4 =	vmul.u32 v4, v5;
	_ =	sdelay $0x1  }
0x1c6: {  	v3 =	vadd.s32 v3, v4  }
0x1c7: {  	[tilespmem:s5+$0x80] =	vst v3  }
0x1c8: {  	v3 =	vld [tilespmem:$0x2C];
	_ =	sdelay $0x2  }
0x1c9: {  	s7 =	spop (v2sf)  }
0x1ca: {  	s5 =	sadd.s32 s5, s7  }
0x1cb: {  	(v2sf) =	vpush v3, $0x0;
	v3 =	vbroadcast v3, $0x0;
	v4 =	vld [tilespmem:s5+$0x80];
	_ =	sdelay $0x1  }
0x1cc: {  	v5 =	vmul.u32 v1, v3;
	_ =	sdelay $0x1  }
0x1cd: {  	v5 =	vadd.s32 $0x1, v5  }
0x1ce: {  	v3 =	vmul.u32 v44, v3;
	v4 =	vmul.u32 v4, v5;
	_ =	sdelay $0x1  }
0x1cf: {  	v3 =	vadd.s32 v3, v4  }
0x1d0: {  	[tilespmem:s5+$0x80] =	vst v3  }
0x1d1: {  	v3 =	vld [tilespmem:$0x2D];
	_ =	sdelay $0x4  }
0x1d2: {  	(v2sf) =	vpush v3, $0x0  }
0x1d3: {  	s8 =	spop (v2sf)  }
0x1d4: {  	s5 =	sadd.s32 s5, s8  }
0x1d5: {  	v3 =	vbroadcast v3, $0x0;
	v4 =	vld [tilespmem:s5+$0x80];
	_ =	sdelay $0x1  }
0x1d6: {  	v5 =	vmul.u32 v1, v3;
	_ =	sdelay $0x1  }
0x1d7: {  	v5 =	vadd.s32 $0x1, v5  }
0x1d8: {  	v3 =	vmul.u32 v45, v3;
	v4 =	vmul.u32 v4, v5;
	_ =	sdelay $0x1  }
0x1d9: {  	v3 =	vadd.s32 v3, v4  }
0x1da: {  	[tilespmem:s5+$0x80] =	vst v3  }
0x1db: {  	v3 =	vld [tilespmem:$0x2E];
	_ =	sdelay $0x2  }
0x1dc: {  	s9 =	spop (v2sf)  }
0x1dd: {  	s5 =	sadd.s32 s5, s9  }
0x1de: {  	(v2sf) =	vpush v3, $0x0;
	v3 =	vbroadcast v3, $0x0;
	v4 =	vld [tilespmem:s5+$0x80];
	_ =	sdelay $0x1  }
0x1df: {  	v5 =	vmul.u32 v1, v3;
	_ =	sdelay $0x1  }
0x1e0: {  	v5 =	vadd.s32 $0x1, v5  }
0x1e1: {  	v3 =	vmul.u32 v46, v3;
	v4 =	vmul.u32 v4, v5;
	_ =	sdelay $0x1  }
0x1e2: {  	v3 =	vadd.s32 v3, v4  }
0x1e3: {  	[tilespmem:s5+$0x80] =	vst v3  }
0x1e4: {  	v3 =	vld [tilespmem:$0x2F];
	_ =	sdelay $0x4  }
0x1e5: {  	(v2sf) =	vpush v3, $0x0  }
0x1e6: {  	s10 =	spop (v2sf)  }
0x1e7: {  	s5 =	sadd.s32 s5, s10  }
0x1e8: {  	v3 =	vbroadcast v3, $0x0;
	v4 =	vld [tilespmem:s5+$0x80];
	_ =	sdelay $0x1  }
0x1e9: {  	v5 =	vmul.u32 v1, v3;
	_ =	sdelay $0x1  }
0x1ea: {  	v5 =	vadd.s32 $0x1, v5  }
0x1eb: {  	v3 =	vmul.u32 v47, v3;
	v4 =	vmul.u32 v4, v5;
	_ =	sdelay $0x1  }
0x1ec: {  	v3 =	vadd.s32 v3, v4  }
0x1ed: {  	[tilespmem:s5+$0x80] =	vst v3  }
0x1ee: {  	v3 =	vld [tilespmem:$0x30];
	_ =	sdelay $0x2  }
0x1ef: {  	s11 =	spop (v2sf)  }
0x1f0: {  	s5 =	sadd.s32 s5, s11  }
0x1f1: {  	(v2sf) =	vpush v3, $0x0;
	v3 =	vbroadcast v3, $0x0;
	v4 =	vld [tilespmem:s5+$0x80];
	_ =	sdelay $0x1  }
0x1f2: {  	v5 =	vmul.u32 v1, v3;
	_ =	sdelay $0x1  }
0x1f3: {  	v5 =	vadd.s32 $0x1, v5  }
0x1f4: {  	v3 =	vmul.u32 v48, v3;
	v4 =	vmul.u32 v4, v5;
	_ =	sdelay $0x1  }
0x1f5: {  	v3 =	vadd.s32 v3, v4  }
0x1f6: {  	[tilespmem:s5+$0x80] =	vst v3  }
0x1f7: {  	v3 =	vld [tilespmem:$0x31];
	_ =	sdelay $0x4  }
0x1f8: {  	(v2sf) =	vpush v3, $0x0  }
0x1f9: {  	s12 =	spop (v2sf)  }
0x1fa: {  	s5 =	sadd.s32 s5, s12  }
0x1fb: {  	v3 =	vbroadcast v3, $0x0;
	v4 =	vld [tilespmem:s5+$0x80];
	_ =	sdelay $0x1  }
0x1fc: {  	v5 =	vmul.u32 v1, v3;
	_ =	sdelay $0x1  }
0x1fd: {  	v5 =	vadd.s32 $0x1, v5  }
0x1fe: {  	v3 =	vmul.u32 v49, v3;
	v4 =	vmul.u32 v4, v5;
	_ =	sdelay $0x1  }
0x1ff: {  	v3 =	vadd.s32 v3, v4  }
0x200: {  	[tilespmem:s5+$0x80] =	vst v3  }
0x201: {  	v3 =	vld [tilespmem:$0x32];
	_ =	sdelay $0x2  }
0x202: {  	s13 =	spop (v2sf)  }
0x203: {  	s5 =	sadd.s32 s5, s13  }
0x204: {  	(v2sf) =	vpush v3, $0x0;
	v3 =	vbroadcast v3, $0x0;
	v4 =	vld [tilespmem:s5+$0x80];
	_ =	sdelay $0x1  }
0x205: {  	v5 =	vmul.u32 v1, v3;
	_ =	sdelay $0x1  }
0x206: {  	v5 =	vadd.s32 $0x1, v5  }
0x207: {  	v3 =	vmul.u32 v50, v3;
	v4 =	vmul.u32 v4, v5;
	_ =	sdelay $0x1  }
0x208: {  	v3 =	vadd.s32 v3, v4  }
0x209: {  	[tilespmem:s5+$0x80] =	vst v3  }
0x20a: {  	v3 =	vld [tilespmem:$0x33];
	_ =	sdelay $0x4  }
0x20b: {  	(v2sf) =	vpush v3, $0x0  }
0x20c: {  	s14 =	spop (v2sf)  }
0x20d: {  	s5 =	sadd.s32 s5, s14  }
0x20e: {  	v3 =	vbroadcast v3, $0x0;
	v4 =	vld [tilespmem:s5+$0x80];
	_ =	sdelay $0x1  }
0x20f: {  	v5 =	vmul.u32 v1, v3;
	_ =	sdelay $0x1  }
0x210: {  	v5 =	vadd.s32 $0x1, v5  }
0x211: {  	v3 =	vmul.u32 v51, v3;
	v4 =	vmul.u32 v4, v5;
	_ =	sdelay $0x1  }
0x212: {  	v3 =	vadd.s32 v3, v4  }
0x213: {  	[tilespmem:s5+$0x80] =	vst v3  }
0x214: {  	v3 =	vld [tilespmem:$0x34];
	_ =	sdelay $0x2  }
0x215: {  	s15 =	spop (v2sf)  }
0x216: {  	s5 =	sadd.s32 s5, s15  }
0x217: {  	(v2sf) =	vpush v3, $0x0;
	v3 =	vbroadcast v3, $0x0;
	v4 =	vld [tilespmem:s5+$0x80];
	_ =	sdelay $0x1  }
0x218: {  	v5 =	vmul.u32 v1, v3;
	_ =	sdelay $0x1  }
0x219: {  	v5 =	vadd.s32 $0x1, v5  }
0x21a: {  	v3 =	vmul.u32 v52, v3;
	v4 =	vmul.u32 v4, v5;
	_ =	sdelay $0x1  }
0x21b: {  	v3 =	vadd.s32 v3, v4  }
0x21c: {  	[tilespmem:s5+$0x80] =	vst v3  }
0x21d: {  	v3 =	vld [tilespmem:$0x35];
	_ =	sdelay $0x4  }
0x21e: {  	(v2sf) =	vpush v3, $0x0  }
0x21f: {  	s16 =	spop (v2sf)  }
0x220: {  	s5 =	sadd.s32 s5, s16  }
0x221: {  	v3 =	vbroadcast v3, $0x0;
	v4 =	vld [tilespmem:s5+$0x80];
	_ =	sdelay $0x1  }
0x222: {  	v5 =	vmul.u32 v1, v3;
	_ =	sdelay $0x1  }
0x223: {  	v5 =	vadd.s32 $0x1, v5  }
0x224: {  	v3 =	vmul.u32 v53, v3;
	v4 =	vmul.u32 v4, v5;
	_ =	sdelay $0x1  }
0x225: {  	v3 =	vadd.s32 v3, v4  }
0x226: {  	[tilespmem:s5+$0x80] =	vst v3  }
0x227: {  	v3 =	vld [tilespmem:$0x36];
	_ =	sdelay $0x2  }
0x228: {  	s17 =	spop (v2sf)  }
0x229: {  	s5 =	sadd.s32 s5, s17  }
0x22a: {  	(v2sf) =	vpush v3, $0x0;
	v3 =	vbroadcast v3, $0x0;
	v4 =	vld [tilespmem:s5+$0x80];
	_ =	sdelay $0x1  }
0x22b: {  	v5 =	vmul.u32 v1, v3;
	_ =	sdelay $0x1  }
0x22c: {  	v5 =	vadd.s32 $0x1, v5  }
0x22d: {  	v3 =	vmul.u32 v54, v3;
	v4 =	vmul.u32 v4, v5;
	_ =	sdelay $0x1  }
0x22e: {  	v3 =	vadd.s32 v3, v4  }
0x22f: {  	[tilespmem:s5+$0x80] =	vst v3  }
0x230: {  	v3 =	vld [tilespmem:$0x37];
	_ =	sdelay $0x4  }
0x231: {  	(v2sf) =	vpush v3, $0x0  }
0x232: {  	s18 =	spop (v2sf)  }
0x233: {  	s5 =	sadd.s32 s5, s18  }
0x234: {  	v3 =	vbroadcast v3, $0x0;
	v4 =	vld [tilespmem:s5+$0x80];
	_ =	sdelay $0x1  }
0x235: {  	v5 =	vmul.u32 v1, v3;
	_ =	sdelay $0x1  }
0x236: {  	v5 =	vadd.s32 $0x1, v5  }
0x237: {  	v3 =	vmul.u32 v55, v3;
	v4 =	vmul.u32 v4, v5;
	_ =	sdelay $0x1  }
0x238: {  	v3 =	vadd.s32 v3, v4  }
0x239: {  	[tilespmem:s5+$0x80] =	vst v3  }
0x23a: {  	v3 =	vld [tilespmem:$0x38];
	_ =	sdelay $0x2  }
0x23b: {  	s19 =	spop (v2sf)  }
0x23c: {  	s5 =	sadd.s32 s5, s19  }
0x23d: {  	(v2sf) =	vpush v3, $0x0;
	v3 =	vbroadcast v3, $0x0;
	v4 =	vld [tilespmem:s5+$0x80];
	_ =	sdelay $0x1  }
0x23e: {  	v5 =	vmul.u32 v1, v3;
	_ =	sdelay $0x1  }
0x23f: {  	v5 =	vadd.s32 $0x1, v5  }
0x240: {  	v3 =	vmul.u32 v56, v3;
	v4 =	vmul.u32 v4, v5;
	_ =	sdelay $0x1  }
0x241: {  	v3 =	vadd.s32 v3, v4  }
0x242: {  	[tilespmem:s5+$0x80] =	vst v3  }
0x243: {  	v3 =	vld [tilespmem:$0x39];
	_ =	sdelay $0x4  }
0x244: {  	(v2sf) =	vpush v3, $0x0  }
0x245: {  	s20 =	spop (v2sf)  }
0x246: {  	s5 =	sadd.s32 s5, s20  }
0x247: {  	v3 =	vbroadcast v3, $0x0;
	v4 =	vld [tilespmem:s5+$0x80];
	_ =	sdelay $0x1  }
0x248: {  	v5 =	vmul.u32 v1, v3;
	_ =	sdelay $0x1  }
0x249: {  	v5 =	vadd.s32 $0x1, v5  }
0x24a: {  	v3 =	vmul.u32 v57, v3;
	v4 =	vmul.u32 v4, v5;
	_ =	sdelay $0x1  }
0x24b: {  	v3 =	vadd.s32 v3, v4  }
0x24c: {  	[tilespmem:s5+$0x80] =	vst v3  }
0x24d: {  	v3 =	vld [tilespmem:$0x3A];
	_ =	sdelay $0x2  }
0x24e: {  	s21 =	spop (v2sf)  }
0x24f: {  	s5 =	sadd.s32 s5, s21  }
0x250: {  	(v2sf) =	vpush v3, $0x0;
	v3 =	vbroadcast v3, $0x0;
	v4 =	vld [tilespmem:s5+$0x80];
	_ =	sdelay $0x1  }
0x251: {  	v5 =	vmul.u32 v1, v3;
	_ =	sdelay $0x1  }
0x252: {  	v5 =	vadd.s32 $0x1, v5  }
0x253: {  	v3 =	vmul.u32 v58, v3;
	v4 =	vmul.u32 v4, v5;
	_ =	sdelay $0x1  }
0x254: {  	v3 =	vadd.s32 v3, v4  }
0x255: {  	[tilespmem:s5+$0x80] =	vst v3  }
0x256: {  	v3 =	vld [tilespmem:$0x3B];
	_ =	sdelay $0x4  }
0x257: {  	(v2sf) =	vpush v3, $0x0  }
0x258: {  	s22 =	spop (v2sf)  }
0x259: {  	s5 =	sadd.s32 s5, s22  }
0x25a: {  	v3 =	vbroadcast v3, $0x0;
	v4 =	vld [tilespmem:s5+$0x80];
	_ =	sdelay $0x1  }
0x25b: {  	v5 =	vmul.u32 v1, v3;
	_ =	sdelay $0x1  }
0x25c: {  	v5 =	vadd.s32 $0x1, v5  }
0x25d: {  	v3 =	vmul.u32 v59, v3;
	v4 =	vmul.u32 v4, v5;
	_ =	sdelay $0x1  }
0x25e: {  	v3 =	vadd.s32 v3, v4  }
0x25f: {  	[tilespmem:s5+$0x80] =	vst v3  }
0x260: {  	v3 =	vld [tilespmem:$0x3C];
	_ =	sdelay $0x2  }
0x261: {  	s23 =	spop (v2sf)  }
0x262: {  	s5 =	sadd.s32 s5, s23  }
0x263: {  	(v2sf) =	vpush v3, $0x0;
	v3 =	vbroadcast v3, $0x0;
	v4 =	vld [tilespmem:s5+$0x80];
	_ =	sdelay $0x1  }
0x264: {  	v5 =	vmul.u32 v1, v3;
	_ =	sdelay $0x1  }
0x265: {  	v5 =	vadd.s32 $0x1, v5  }
0x266: {  	v3 =	vmul.u32 v60, v3;
	v4 =	vmul.u32 v4, v5;
	_ =	sdelay $0x1  }
0x267: {  	v3 =	vadd.s32 v3, v4  }
0x268: {  	[tilespmem:s5+$0x80] =	vst v3  }
0x269: {  	v3 =	vld [tilespmem:$0x3D];
	_ =	sdelay $0x4  }
0x26a: {  	(v2sf) =	vpush v3, $0x0  }
0x26b: {  	s24 =	spop (v2sf)  }
0x26c: {  	s5 =	sadd.s32 s5, s24  }
0x26d: {  	v3 =	vbroadcast v3, $0x0;
	v4 =	vld [tilespmem:s5+$0x80];
	_ =	sdelay $0x1  }
0x26e: {  	v5 =	vmul.u32 v1, v3;
	_ =	sdelay $0x1  }
0x26f: {  	v5 =	vadd.s32 $0x1, v5  }
0x270: {  	v3 =	vmul.u32 v61, v3;
	v4 =	vmul.u32 v4, v5;
	_ =	sdelay $0x1  }
0x271: {  	v3 =	vadd.s32 v3, v4  }
0x272: {  	[tilespmem:s5+$0x80] =	vst v3  }
0x273: {  	v3 =	vld [tilespmem:$0x3E];
	_ =	sdelay $0x2  }
0x274: {  	s25 =	spop (v2sf)  }
0x275: {  	s5 =	sadd.s32 s5, s25  }
0x276: {  	v4 =	vbroadcast v3, $0x0;
	v5 =	vld [tilespmem:s5+$0x80];
	_ =	sdelay $0x1  }
0x277: {  	v6 =	vmul.u32 v1, v4;
	_ =	sdelay $0x1  }
0x278: {  	(v2sf) =	vpush v3, $0x0;
	v3 =	vadd.s32 $0x1, v6  }
0x279: {  	v4 =	vmul.u32 v62, v4;
	v3 =	vmul.u32 v5, v3;
	_ =	sdelay $0x1  }
0x27a: {  	v3 =	vadd.s32 v4, v3  }
0x27b: {  	[tilespmem:s5+$0x80] =	vst v3  }
0x27c: {  	v3 =	vld [tilespmem:$0x3F];
	_ =	sdelay $0x4  }
0x27d: {  	(v2sf) =	vpush v3, $0x0;
	_ =	sdelay $0x4  }
0x27e: {  	s26 =	spop (v2sf)  }
0x27f: {  	s5 =	sadd.s32 s5, s26  }
0x280: {  	v3 =	vbroadcast v3, $0x0;
	v4 =	vld [tilespmem:s5+$0x80];
	_ =	sdelay $0x1  }
0x281: {  	v5 =	vmul.u32 v1, v3;
	_ =	sdelay $0x1  }
0x282: {  	v5 =	vadd.s32 $0x1, v5  }
0x283: {  	v3 =	vmul.u32 v2, v3;
	v4 =	vmul.u32 v4, v5;
	_ =	sdelay $0x1  }
0x284: {  	v3 =	vadd.s32 v3, v4  }
0x285: {  	[tilespmem:s5+$0x80] =	vst v3;
	s28 =	spop (v2sf)  }
0x286: {  	v3 =	vld [tilespmem:$0x80];
	s5 =	sadd.s32 s5, s28  }
0x287: {  	v4 =	vld.msk [tilespmem:s5+$0x7F ss:$0x0], $0xffff  }
0x288: {  	v5 =	vld [tilespmem:$0x90];
	v6 =	vadd.s32 s5, v63  }
0x289: {  	v7 =	vld [tilespmem:$0xA0];
	vm0 =	vlt.s32 v6, $0x1;
	v6 =	vadd.s32 $0xFFFFFFF0, v63  }
0x28a: {  	v8 =	vld [tilespmem:$0xB0];
	v6 =	vadd.s32 s5, v6  }
0x28b: {  	v9 =	vadd.s32 $0xFFFFFFE0, v63;
	vm14 =	vlt.s32 v6, $0x1  }
0x28c: {  	v6 =	vadd.s32 s5, v9;
	v9 =	vadd.s32 $0xFFFFFFD0, v63;
	v3 =	vsel vm0, v4, v3  }
0x28d: {  	vm1 =	vlt.s32 v6, $0x1;
	[tilespmem:$0x80] =	vst v3;
	v3 =	vsel vm14, v4, v5;
	v5 =	vadd.s32 s5, v9  }
0x28e: {  	[tilespmem:$0x90] =	vst v3;
	vm15 =	vlt.s32 v5, $0x1;
	v3 =	vsel vm1, v4, v7  }
0x28f: {  	[tilespmem:$0xA0] =	vst v3;
	v3 =	vsel vm15, v4, v8  }
0x290: {  	s29 =	rddreg [dreg:$0x4];
	[tilespmem:$0xB0] =	vst v3;
	v3 =	vmov s5  }
0x291: {  	s7 =	rddreg [dreg:$0x5];
	[tilespmem:$0x100] =	vst v3  }
0x292: {  	[hbm4b:s29+s3] =	stream.linear.scatter [tilespmem:s7], [sflag:$0x1], $0x40, $0x38;
	[tilespmem:$0x180] =	vst v63  }
0x293: {  	_ =	swait.ge [sflag:s4], $0x40  }
0x294: {  	p0 =	sne.s32 s2, $0x1;
	s30 =	rddreg [dreg:$0x6];
	[sflag:s4] =	ssyncset.done $0x0  }
.Ltmp1:
0x295: {  	s31 =	rddreg [dreg:$0x7];
	[sflag:s4] =	ssyncadd.s32 $0xFFFFFFC0;
	(pc) =	sbr.rel @p0 .LBB2_2-.Ltmp1, $4  }
0x296: {  	[hbm4b:s30+s3] =	stream.linear.scatter [tilespmem:s31], [sflag:$0x1], $0x80, $0x38;
	[tilespmem:$0x180] =	vst v63  }
0x297: {  	_ =	swait.ge [sflag:s4], $0x80  }
0x298: {  	[sflag:s4] =	ssyncset.done $0x0  }
0x299: {  	s2 =	sadd.s32 $0xFFFFFFFF, s2;
	[sflag:s4] =	ssyncadd.s32 $0xFFFFFF80  }
.LBB2_3:
0x29a: {  	_ =	sfence.sel $0x180000  }
0x29b: {  	[bflag:$0x0] =	sbarrier.arrive $0xFFFF  }
0x29c: {  	p0 =	sne.s32 s0, $0x0;
	_ =	strace $0x90000047  }
0x29d: {  	s0 =	sadd.s32 @!p0 $0x100000, s1;
	[bflag:$0x2] =	sbarrier.arrive $0xFFFF  }
0x29e: {  	[sflag:s0] =	ssyncadd.tile.s32 @!p0 $0x1;
	_ =	shalt  }
.Lfunc_end2:
_tile_overlayer_lowered:
.L_overlay_start_2:
0x29f: {  	(tag) =	ssettag $0x2  }
0x2a0: {  	s0 =	rddreg [dreg:$0x0];
	s2 =	stileid.u32  }
0x2a1: {  	s1 =	rddreg [dreg:$0x1];
	p0 =	sne.s32 s2, $0x0  }
0x2a2: {  	s3 =	rddreg [dreg:$0x2];
	[bflag:$0x3] =	sbarrier.arrive $0xFFFF;
	s2 =	simm.s32 @!p0 $0x1C01  }
0x2a3: {  	[timem:s3], [sflag:s2] =	dma.local @!p0 [hbm:s0], s1  }
0x2a4: {  	s0 =	simm.s32 @!p0 $0x1  }
0x2a5: {  	_ =	swait.ge @!p0 [sflag:s0], s1  }
0x2a6: {  	s1 =	ssub.s32 @!p0 $0x0, s1;
	[sflag:s0] =	ssyncset.done @!p0 $0x0  }
0x2a7: {  	[sflag:s0] =	ssyncadd.s32 @!p0 s1  }
0x2a8: {  	[bflag:$0x3] =	sbarrier.arrive $0xFFFF  }
0x2a9: {  	_ =	shalt  }

</sc_bundles>
